<compile_context>
chip_gen: v7x
topology: tpu7x:2x2x1
jax: 0.10.2.dev20260603
libtpu: 0.0.44.dev20260713+nightly
codegen_flags: <defaults>
</compile_context>

<pallas_src>
import functools

import jax
import jax.numpy as jnp
from jax import lax
from jax.experimental import pallas as pl
from jax.experimental.pallas import tpu as pltpu
from jax.experimental.pallas import tpu_sc as plsc

G = 256
CHUNKS = 8
ROWS = G // CHUNKS
HALO = 8
STRIPS = G // 16


def _mask_kernel(xp_hbm, out_hbm, px_v, py_v, out_v):
    nc = 2
    wid = lax.axis_index("s") * nc + lax.axis_index("c")
    b = wid // CHUNKS
    chunk = wid % CHUNKS
    r0 = chunk * ROWS
    start = pl.multiple_of(jnp.maximum(r0 - HALO, 0) * G, HALO * G)
    off = jnp.where(chunk == 0, 0, HALO)

    pltpu.sync_copy(xp_hbm.at[b, 0, pl.ds(start, (ROWS + HALO) * G)], px_v)
    pltpu.sync_copy(xp_hbm.at[b, 1, pl.ds(start, (ROWS + HALO) * G)], py_v)

    lane = lax.iota(jnp.int32, 16)
    fU0 = jnp.maximum(off - 1, 0) * G

    for k in range(STRIPS - 1):
        fP = off * G + 16 * k

        def row_body(j, carry, k=k):
            f_u, mx_u, my_u = carry
            f = f_u + G
            mx = px_v[pl.ds(f + 1, 16)]
            my = py_v[pl.ds(f + 1, 16)]
            vx = px_v[pl.ds(f, 16)]
            vy = py_v[pl.ds(f, 16)]
            t = (mx - mx_u) * (my - vy) - (my - my_u) * (mx - vx)
            val = jnp.where(t >= 0.0, 0.0, 1.0).astype(jnp.float32)
            out_v[j, pl.ds(16 * k, 16)] = val
            return (f, mx, my)

        ux = px_v[pl.ds(fU0 + 16 * k + 1, 16)]
        uy = py_v[pl.ds(fU0 + 16 * k + 1, 16)]
        lax.fori_loop(0, ROWS, row_body, (fP - G, ux, uy))

    for k in (STRIPS - 1,):
        cm = jnp.minimum(lane + (16 * k + 1), G - 1)
        cv = jnp.minimum(lane + (16 * k), G - 2)
        fmP = cm + off * G
        fvP = cv + off * G

        def row_body(j, carry, cm=cm, cv=cv, k=k):
            fm_u, mx_u, my_u = carry
            fm = fm_u + G
            fv = fm + (cv - cm)
            mx = plsc.load_gather(px_v, [fm])
            my = plsc.load_gather(py_v, [fm])
            vx = plsc.load_gather(px_v, [fv])
            vy = plsc.load_gather(py_v, [fv])
            t = (mx - mx_u) * (my - vy) - (my - my_u) * (mx - vx)
            val = jnp.where(t >= 0.0, 0.0, 1.0).astype(jnp.float32)
            out_v[j, pl.ds(16 * k, 16)] = val
            return (fm, mx, my)

        ux = plsc.load_gather(px_v, [cm + fU0])
        uy = plsc.load_gather(py_v, [cm + fU0])
        lax.fori_loop(0, ROWS, row_body, (fmP - G, ux, uy))

    @pl.when(chunk == 0)
    def _():
        for k in range(STRIPS):
            cd = jnp.maximum(lane + 16 * k, 1)
            ce = cd - 1
            mx = plsc.load_gather(px_v, [cd])
            my = plsc.load_gather(py_v, [cd])
            ux = plsc.load_gather(px_v, [ce])
            uy = plsc.load_gather(py_v, [ce])
            vx = plsc.load_gather(px_v, [ce + G])
            vy = plsc.load_gather(py_v, [ce + G])
            t = (mx - ux) * (my - vy) - (my - uy) * (mx - vx)
            val = jnp.where(t >= 0.0, 0.0, 1.0).astype(jnp.float32)
            out_v[0, pl.ds(16 * k, 16)] = val

    for ch in range(3):
        pltpu.sync_copy(out_v, out_hbm.at[b, ch, pl.ds(r0, ROWS)])


def kernel(X, faces):
    B = X.shape[0]
    xp = X[:, :2, :]
    mesh = plsc.VectorSubcoreMesh(core_axis_name="c", subcore_axis_name="s")
    run = functools.partial(
        pl.kernel,
        mesh=mesh,
        out_type=jax.ShapeDtypeStruct((B, 3, G, G), jnp.float32),
        scratch_types=[
            pltpu.VMEM(((ROWS + HALO) * G,), jnp.float32),
            pltpu.VMEM(((ROWS + HALO) * G,), jnp.float32),
            pltpu.VMEM((ROWS, G), jnp.float32),
        ],
        compiler_params=pltpu.CompilerParams(
            use_tc_tiling_on_sc=True, needs_layout_passes=False
        ),
    )(_mask_kernel)
    return run(xp)

# --- scband reference (transcript-rebuilt; emitter-appended) ---
"""Pipeline reference for scband-visbility-mask-90787018703241 (READ-ONLY COPY).

The authoritative reference and input builder live on the scoring server;
editing this copy changes nothing except your own understanding.
"""

import math
import jax, jax.numpy as jnp
import numpy as np

GRID = 256


def _grid_faces(g):
    idx = np.arange(g * g, dtype=np.int64).reshape(g, g)
    v00 = idx[:-1, :-1].ravel()
    v01 = idx[:-1, 1:].ravel()
    v10 = idx[1:, :-1].ravel()
    v11 = idx[1:, 1:].ravel()
    f1 = np.stack([v00, v01, v10], axis=1)
    f2 = np.stack([v01, v11, v10], axis=1)
    return np.concatenate([f1, f2], axis=0)  # [2*(g-1)^2, 3]


def setup_inputs(seed: int = 0):
    key = jax.random.key(seed)
    X = jax.random.normal(key, (4, 3, GRID * GRID), dtype=jnp.float32)
    faces = jnp.asarray(_grid_faces(GRID))  # int64[130050, 3], values < 65536
    return {"X": X, "faces": faces}


def reference(X, faces):
    B = X.shape[0]
    g = int(np.sqrt(X.shape[2]))
    verts = jnp.transpose(X, (0, 2, 1))  # [B, N, 3]
    v0 = faces[:, 0]
    v1 = faces[:, 1]
    v2 = faces[:, 2]
    # per-face vertex gathers
    e0s = verts[:, v1, :] - verts[:, v0, :]
    e1s = verts[:, v2, :] - verts[:, v0, :]
    e2s = verts[:, v1, :] - verts[:, v2, :]
    e0n = e0s / jnp.sqrt(jnp.sum(e0s ** 2, axis=2))[..., None]
    e1n = e1s / jnp.sqrt(jnp.sum(e1s ** 2, axis=2))[..., None]
    e2n = e2s / jnp.sqrt(jnp.sum(e2s ** 2, axis=2))[..., None]
    a0 = jnp.arccos(jnp.sum(e0n * e1n, axis=2))
    a1 = jnp.arccos(jnp.sum(e2n * e0n, axis=2))
    a2 = math.pi - (a1 - a0)
    tn = jnp.cross(e0s, e2s, axis=2)
    w1 = tn * a0[..., None]
    w2 = tn * a1[..., None]
    w3 = tn * a2[..., None]
    # sequential scatter-overwrite onto vertices (later writes win, as in torch)
    normals = jnp.zeros_like(verts)
    normals = normals.at[:, v0, :].set(w1)
    normals = normals.at[:, v1, :].set(w2)
    normals = normals.at[:, v2, :].set(w3)
    vis = normals[:, :, 2] >= 0  # [B, N] bool
    mask = vis.reshape(B, g, g)
    mask = jnp.repeat(mask, 3, axis=0)  # torch.repeat_interleave(mask, 3, 0)
    mask = mask.reshape(B, 3, g, g).astype(X.dtype)
    return 1 - mask

if __name__ == "__main__":
    import jax
    _d = setup_inputs()
    print(jax.jit(kernel)(*tuple(_d.values())))

</pallas_src>

<mosaic_0001>
#map = affine_map<(d0, d1) -> (0, 0, 0)>
#map1 = affine_map<(d0, d1) -> (0, 0, 0, 0)>
module attributes {stable_mosaic.version = 14 : i64} {
  func.func @_mask_kernel(%arg0: i32, %arg1: i32, %arg2: memref<4x2x65536xf32, #tpu.memory_space<hbm>>, %arg3: memref<4x3x256x256xf32, #tpu.memory_space<hbm>>, %arg4: memref<10240xf32, #tpu.memory_space<vmem>>, %arg5: memref<10240xf32, #tpu.memory_space<vmem>>, %arg6: memref<32x256xf32, #tpu.memory_space<vmem>>) attributes {dimension_semantics = [#tpu.dimension_semantics<core_parallel>, #tpu.dimension_semantics<subcore_parallel>], iteration_bounds = array<i64: 2, 16>, scalar_prefetch = 0 : i64, scratch_operands = 3 : i64, tpu.core_type = #tpu.core_type<sc_vector_subcore>, window_params = [{transform_indices = #map}, {transform_indices = #map1}]} {
    %mul3A = arith.constant 2 : i32
    %mul3A_0 = arith.muli %arg1, %mul3A : i32
    %add3A = arith.addi %mul3A_0, %arg0 : i32
    %jit3A = arith.constant 8 : i32
    %div3A = arith.divsi %add3A, %jit3A : i32
    %sign3A = arith.constant 0 : i32
    %sign3A_1 = arith.cmpi sgt, %add3A, %sign3A : i32
    %sign3A_2 = arith.extui %sign3A_1 : i1 to i32
    %sign3A_3 = arith.constant 0 : i32
    %sign3A_4 = arith.cmpi slt, %add3A, %sign3A_3 : i32
    %sign3A_5 = arith.extui %sign3A_4 : i1 to i32
    %sign3A_6 = arith.subi %sign3A_2, %sign3A_5 : i32
    %sign3A_7 = arith.constant 0 : i32
    %sign3A_8 = arith.cmpi sgt, %jit3A, %sign3A_7 : i32
    %sign3A_9 = arith.extui %sign3A_8 : i1 to i32
    %sign3A_10 = arith.constant 0 : i32
    %sign3A_11 = arith.cmpi slt, %jit3A, %sign3A_10 : i32
    %sign3A_12 = arith.extui %sign3A_11 : i1 to i32
    %sign3A_13 = arith.subi %sign3A_9, %sign3A_12 : i32
    %ne3A = arith.cmpi ne, %sign3A_6, %sign3A_13 : i32
    %rem3A = arith.remsi %add3A, %jit3A : i32
    %ne3A_14 = arith.constant 0 : i32
    %ne3A_15 = arith.cmpi ne, %rem3A, %ne3A_14 : i32
    %and3A = arith.andi %ne3A, %ne3A_15 : i1
    %sub3A = arith.constant 1 : i32
    %sub3A_16 = arith.subi %div3A, %sub3A : i32
    %select_n3A = arith.select %and3A, %sub3A_16, %div3A : i32
    %jit3A_17 = arith.constant 8 : i32
    %eq3A = arith.constant 0 : i32
    %eq3A_18 = arith.cmpi eq, %jit3A_17, %eq3A : i32
    %jit3A_19 = arith.constant 1 : i32
    %select_n3A_20 = arith.select %eq3A_18, %jit3A_19, %jit3A_17 : i32
    %rem3A_21 = arith.remsi %add3A, %select_n3A_20 : i32
    %ne3A_22 = arith.constant 0 : i32
    %ne3A_23 = arith.cmpi ne, %rem3A_21, %ne3A_22 : i32
    %lt3A = arith.constant 0 : i32
    %lt3A_24 = arith.cmpi slt, %rem3A_21, %lt3A : i32
    %lt3A_25 = arith.constant 0 : i32
    %lt3A_26 = arith.cmpi slt, %select_n3A_20, %lt3A_25 : i32
    %ne3A_27 = arith.xori %lt3A_24, %lt3A_26 : i1
    %and3A_28 = arith.andi %ne3A_27, %ne3A_23 : i1
    %add3A_29 = arith.addi %rem3A_21, %select_n3A_20 : i32
    %select_n3A_30 = arith.select %and3A_28, %add3A_29, %rem3A_21 : i32
    %mul3A_31 = arith.constant 32 : i32
    %mul3A_32 = arith.muli %select_n3A_30, %mul3A_31 : i32
    %sub3A_33 = arith.constant 8 : i32
    %sub3A_34 = arith.subi %mul3A_32, %sub3A_33 : i32
    %max3A = arith.constant 0 : i32
    %max3A_35 = arith.maxsi %sub3A_34, %max3A : i32
    %mul3A_36 = arith.constant 256 : i32
    %mul3A_37 = arith.muli %max3A_35, %mul3A_36 : i32
    %multiple_of3A = tpu.assume_multiple %mul3A_37, 2048 : i32
    %eq3A_38 = arith.constant 0 : i32
    %eq3A_39 = arith.cmpi eq, %select_n3A_30, %eq3A_38 : i32
    %jit3A_40 = arith.constant 0 : i32
    %jit3A_41 = arith.constant 8 : i32
    %select_n3A_42 = arith.select %eq3A_39, %jit3A_40, %jit3A_41 : i32
    %run_scoped3A = arith.constant 0 : i32
    "tpu.region"() ({
      %run_scoped3A_447 = tpu.sem_alloc : memref<!tpu.dma_semaphore, #tpu.memory_space<semaphore_mem>>
      %dma_start3A = tpu.memref_slice %arg2[%select_n3A, %run_scoped3A, %multiple_of3A] : memref<4x2x65536xf32, #tpu.memory_space<hbm>> -> memref<1x1x10240xf32, #tpu.memory_space<hbm>>
      %dma_start3A_448 = tpu.memref_squeeze %dma_start3A : memref<1x1x10240xf32, #tpu.memory_space<hbm>> -> memref<10240xf32, #tpu.memory_space<hbm>>
      %dma_start3A_449 = tpu.memref_slice %arg2[%select_n3A, %run_scoped3A, %multiple_of3A] : memref<4x2x65536xf32, #tpu.memory_space<hbm>> -> memref<1x1x10240xf32, #tpu.memory_space<hbm>>
      %dma_start3A_450 = tpu.memref_squeeze %dma_start3A_449 : memref<1x1x10240xf32, #tpu.memory_space<hbm>> -> memref<10240xf32, #tpu.memory_space<hbm>>
      tpu.enqueue_dma source(%dma_start3A_450 : memref<10240xf32, #tpu.memory_space<hbm>>) target(%arg4 : memref<10240xf32, #tpu.memory_space<vmem>>) target_semaphore(%run_scoped3A_447 : memref<!tpu.dma_semaphore, #tpu.memory_space<semaphore_mem>>)
      %dma_wait3A = tpu.memref_slice %arg2[%select_n3A, %run_scoped3A, %multiple_of3A] : memref<4x2x65536xf32, #tpu.memory_space<hbm>> -> memref<1x1x10240xf32, #tpu.memory_space<hbm>>
      %dma_wait3A_451 = tpu.memref_squeeze %dma_wait3A : memref<1x1x10240xf32, #tpu.memory_space<hbm>> -> memref<10240xf32, #tpu.memory_space<hbm>>
      %dma_wait3A_452 = tpu.memref_slice %arg2[%select_n3A, %run_scoped3A, %multiple_of3A] : memref<4x2x65536xf32, #tpu.memory_space<hbm>> -> memref<1x1x10240xf32, #tpu.memory_space<hbm>>
      %dma_wait3A_453 = tpu.memref_squeeze %dma_wait3A_452 : memref<1x1x10240xf32, #tpu.memory_space<hbm>> -> memref<10240xf32, #tpu.memory_space<hbm>>
      tpu.wait_dma2 semaphore(%run_scoped3A_447 : memref<!tpu.dma_semaphore, #tpu.memory_space<semaphore_mem>>) src(%dma_wait3A_453 : memref<10240xf32, #tpu.memory_space<hbm>>) dst(%arg4 : memref<10240xf32, #tpu.memory_space<vmem>>)
      tpu.yield
    }) : () -> ()
    %run_scoped3A_43 = arith.constant 1 : i32
    "tpu.region"() ({
      %run_scoped3A_447 = tpu.sem_alloc : memref<!tpu.dma_semaphore, #tpu.memory_space<semaphore_mem>>
      %dma_start3A = tpu.memref_slice %arg2[%select_n3A, %run_scoped3A_43, %multiple_of3A] : memref<4x2x65536xf32, #tpu.memory_space<hbm>> -> memref<1x1x10240xf32, #tpu.memory_space<hbm>>
      %dma_start3A_448 = tpu.memref_squeeze %dma_start3A : memref<1x1x10240xf32, #tpu.memory_space<hbm>> -> memref<10240xf32, #tpu.memory_space<hbm>>
      %dma_start3A_449 = tpu.memref_slice %arg2[%select_n3A, %run_scoped3A_43, %multiple_of3A] : memref<4x2x65536xf32, #tpu.memory_space<hbm>> -> memref<1x1x10240xf32, #tpu.memory_space<hbm>>
      %dma_start3A_450 = tpu.memref_squeeze %dma_start3A_449 : memref<1x1x10240xf32, #tpu.memory_space<hbm>> -> memref<10240xf32, #tpu.memory_space<hbm>>
      tpu.enqueue_dma source(%dma_start3A_450 : memref<10240xf32, #tpu.memory_space<hbm>>) target(%arg5 : memref<10240xf32, #tpu.memory_space<vmem>>) target_semaphore(%run_scoped3A_447 : memref<!tpu.dma_semaphore, #tpu.memory_space<semaphore_mem>>)
      %dma_wait3A = tpu.memref_slice %arg2[%select_n3A, %run_scoped3A_43, %multiple_of3A] : memref<4x2x65536xf32, #tpu.memory_space<hbm>> -> memref<1x1x10240xf32, #tpu.memory_space<hbm>>
      %dma_wait3A_451 = tpu.memref_squeeze %dma_wait3A : memref<1x1x10240xf32, #tpu.memory_space<hbm>> -> memref<10240xf32, #tpu.memory_space<hbm>>
      %dma_wait3A_452 = tpu.memref_slice %arg2[%select_n3A, %run_scoped3A_43, %multiple_of3A] : memref<4x2x65536xf32, #tpu.memory_space<hbm>> -> memref<1x1x10240xf32, #tpu.memory_space<hbm>>
      %dma_wait3A_453 = tpu.memref_squeeze %dma_wait3A_452 : memref<1x1x10240xf32, #tpu.memory_space<hbm>> -> memref<10240xf32, #tpu.memory_space<hbm>>
      tpu.wait_dma2 semaphore(%run_scoped3A_447 : memref<!tpu.dma_semaphore, #tpu.memory_space<semaphore_mem>>) src(%dma_wait3A_453 : memref<10240xf32, #tpu.memory_space<hbm>>) dst(%arg5 : memref<10240xf32, #tpu.memory_space<vmem>>)
      tpu.yield
    }) : () -> ()
    %iota3A = tpu.iota {dimensions = array<i32: 0>} : vector<16xi32>
    %sub3A_44 = arith.constant 1 : i32
    %sub3A_45 = arith.subi %select_n3A_42, %sub3A_44 : i32
    %max3A_46 = arith.constant 0 : i32
    %max3A_47 = arith.maxsi %sub3A_45, %max3A_46 : i32
    %mul3A_48 = arith.constant 256 : i32
    %mul3A_49 = arith.muli %max3A_47, %mul3A_48 : i32
    %mul3A_50 = arith.constant 256 : i32
    %mul3A_51 = arith.muli %select_n3A_42, %mul3A_50 : i32
    %add3A_52 = arith.constant 0 : i32
    %add3A_53 = arith.addi %mul3A_51, %add3A_52 : i32
    %add3A_54 = arith.constant 0 : i32
    %add3A_55 = arith.addi %mul3A_49, %add3A_54 : i32
    %add3A_56 = arith.constant 1 : i32
    %add3A_57 = arith.addi %add3A_55, %add3A_56 : i32
    %get3A = arith.index_cast %add3A_57 : i32 to index
    %get3A_58 = tpu.vector_load %arg4[%get3A] {strides = array<i32>} : memref<10240xf32, #tpu.memory_space<vmem>>, vector<16xf32>,
    %add3A_59 = arith.constant 0 : i32
    %add3A_60 = arith.addi %mul3A_49, %add3A_59 : i32
    %add3A_61 = arith.constant 1 : i32
    %add3A_62 = arith.addi %add3A_60, %add3A_61 : i32
    %get3A_63 = arith.index_cast %add3A_62 : i32 to index
    %get3A_64 = tpu.vector_load %arg5[%get3A_63] {strides = array<i32>} : memref<10240xf32, #tpu.memory_space<vmem>>, vector<16xf32>,
    %sub3A_65 = arith.constant 256 : i32
    %sub3A_66 = arith.subi %add3A_53, %sub3A_65 : i32
    %scan3A = arith.constant 0 : i32
    %scan3A_67 = arith.constant 32 : i32
    %scan3A_68 = arith.addi %scan3A, %scan3A_67 : i32
    %scan3A_69 = arith.constant 1 : i32
    %scan3A_70:3 = scf.for %scan3A_447 = %scan3A to %scan3A_68 step %scan3A_69 iter_args(%scan3A_448 = %sub3A_66, %scan3A_449 = %get3A_58, %scan3A_450 = %get3A_64) -> (i32, vector<16xf32>, vector<16xf32>)  : i32 {
      %add3A_451 = arith.constant 256 : i32
      %add3A_452 = arith.addi %scan3A_448, %add3A_451 : i32
      %add3A_453 = arith.constant 1 : i32
      %add3A_454 = arith.addi %add3A_452, %add3A_453 : i32
      %get3A_455 = arith.index_cast %add3A_454 : i32 to index
      %get3A_456 = tpu.vector_load %arg4[%get3A_455] {strides = array<i32>} : memref<10240xf32, #tpu.memory_space<vmem>>, vector<16xf32>,
      %add3A_457 = arith.constant 1 : i32
      %add3A_458 = arith.addi %add3A_452, %add3A_457 : i32
      %get3A_459 = arith.index_cast %add3A_458 : i32 to index
      %get3A_460 = tpu.vector_load %arg5[%get3A_459] {strides = array<i32>} : memref<10240xf32, #tpu.memory_space<vmem>>, vector<16xf32>,
      %get3A_461 = arith.index_cast %add3A_452 : i32 to index
      %get3A_462 = tpu.vector_load %arg4[%get3A_461] {strides = array<i32>} : memref<10240xf32, #tpu.memory_space<vmem>>, vector<16xf32>,
      %get3A_463 = arith.index_cast %add3A_452 : i32 to index
      %get3A_464 = tpu.vector_load %arg5[%get3A_463] {strides = array<i32>} : memref<10240xf32, #tpu.memory_space<vmem>>, vector<16xf32>,
      %sub3A_465 = arith.subf %get3A_456, %scan3A_449 : vector<16xf32>
      %sub3A_466 = arith.subf %get3A_460, %get3A_464 : vector<16xf32>
      %mul3A_467 = arith.mulf %sub3A_465, %sub3A_466 : vector<16xf32>
      %sub3A_468 = arith.subf %get3A_460, %scan3A_450 : vector<16xf32>
      %sub3A_469 = arith.subf %get3A_456, %get3A_462 : vector<16xf32>
      %mul3A_470 = arith.mulf %sub3A_468, %sub3A_469 : vector<16xf32>
      %sub3A_471 = arith.subf %mul3A_467, %mul3A_470 : vector<16xf32>
      %ge3A = arith.constant 0.000000e+00 : f32
      %ge3A_472 = vector.broadcast %ge3A : f32 to vector<16xf32>
      %ge3A_473 = arith.cmpf oge, %sub3A_471, %ge3A_472 : vector<16xf32>
      %jit3A_474 = arith.constant 0.000000e+00 : f32
      %jit3A_475 = arith.constant 1.000000e+00 : f32
      %broadcast_in_dim3A = vector.broadcast %jit3A_474 : f32 to vector<16xf32>
      %broadcast_in_dim3A_476 = vector.broadcast %jit3A_475 : f32 to vector<16xf32>
      %select_n3A_477 = arith.select %ge3A_473, %broadcast_in_dim3A, %broadcast_in_dim3A_476 : vector<16xi1>, vector<16xf32>
      %swap3A = arith.index_cast %scan3A_447 : i32 to index
      %swap3A_478 = arith.constant 0 : index
      %swap3A_479 = tpu.vector_load %arg6[%swap3A, %swap3A_478] {strides = array<i32>} : memref<32x256xf32, #tpu.memory_space<vmem>>, vector<16xf32>,
      tpu.vector_store %arg6[%swap3A, %swap3A_478], %select_n3A_477 {strides = array<i32>} : memref<32x256xf32, #tpu.memory_space<vmem>>, vector<16xf32>,
      scf.yield %add3A_452, %get3A_456, %get3A_460 : i32, vector<16xf32>, vector<16xf32>
    }
    %scan3A_71 = arith.constant 32 : i32
    %mul3A_72 = arith.constant 256 : i32
    %mul3A_73 = arith.muli %select_n3A_42, %mul3A_72 : i32
    %add3A_74 = arith.constant 16 : i32
    %add3A_75 = arith.addi %mul3A_73, %add3A_74 : i32
    %add3A_76 = arith.constant 16 : i32
    %add3A_77 = arith.addi %mul3A_49, %add3A_76 : i32
    %add3A_78 = arith.constant 1 : i32
    %add3A_79 = arith.addi %add3A_77, %add3A_78 : i32
    %get3A_80 = arith.index_cast %add3A_79 : i32 to index
    %get3A_81 = tpu.vector_load %arg4[%get3A_80] {strides = array<i32>} : memref<10240xf32, #tpu.memory_space<vmem>>, vector<16xf32>,
    %add3A_82 = arith.constant 16 : i32
    %add3A_83 = arith.addi %mul3A_49, %add3A_82 : i32
    %add3A_84 = arith.constant 1 : i32
    %add3A_85 = arith.addi %add3A_83, %add3A_84 : i32
    %get3A_86 = arith.index_cast %add3A_85 : i32 to index
    %get3A_87 = tpu.vector_load %arg5[%get3A_86] {strides = array<i32>} : memref<10240xf32, #tpu.memory_space<vmem>>, vector<16xf32>,
    %sub3A_88 = arith.constant 256 : i32
    %sub3A_89 = arith.subi %add3A_75, %sub3A_88 : i32
    %scan3A_90 = arith.constant 0 : i32
    %scan3A_91 = arith.constant 32 : i32
    %scan3A_92 = arith.addi %scan3A_90, %scan3A_91 : i32
    %scan3A_93 = arith.constant 1 : i32
    %scan3A_94:3 = scf.for %scan3A_447 = %scan3A_90 to %scan3A_92 step %scan3A_93 iter_args(%scan3A_448 = %sub3A_89, %scan3A_449 = %get3A_81, %scan3A_450 = %get3A_87) -> (i32, vector<16xf32>, vector<16xf32>)  : i32 {
      %add3A_451 = arith.constant 256 : i32
      %add3A_452 = arith.addi %scan3A_448, %add3A_451 : i32
      %add3A_453 = arith.constant 1 : i32
      %add3A_454 = arith.addi %add3A_452, %add3A_453 : i32
      %get3A_455 = arith.index_cast %add3A_454 : i32 to index
      %get3A_456 = tpu.vector_load %arg4[%get3A_455] {strides = array<i32>} : memref<10240xf32, #tpu.memory_space<vmem>>, vector<16xf32>,
      %add3A_457 = arith.constant 1 : i32
      %add3A_458 = arith.addi %add3A_452, %add3A_457 : i32
      %get3A_459 = arith.index_cast %add3A_458 : i32 to index
      %get3A_460 = tpu.vector_load %arg5[%get3A_459] {strides = array<i32>} : memref<10240xf32, #tpu.memory_space<vmem>>, vector<16xf32>,
      %get3A_461 = arith.index_cast %add3A_452 : i32 to index
      %get3A_462 = tpu.vector_load %arg4[%get3A_461] {strides = array<i32>} : memref<10240xf32, #tpu.memory_space<vmem>>, vector<16xf32>,
      %get3A_463 = arith.index_cast %add3A_452 : i32 to index
      %get3A_464 = tpu.vector_load %arg5[%get3A_463] {strides = array<i32>} : memref<10240xf32, #tpu.memory_space<vmem>>, vector<16xf32>,
      %sub3A_465 = arith.subf %get3A_456, %scan3A_449 : vector<16xf32>
      %sub3A_466 = arith.subf %get3A_460, %get3A_464 : vector<16xf32>
      %mul3A_467 = arith.mulf %sub3A_465, %sub3A_466 : vector<16xf32>
      %sub3A_468 = arith.subf %get3A_460, %scan3A_450 : vector<16xf32>
      %sub3A_469 = arith.subf %get3A_456, %get3A_462 : vector<16xf32>
      %mul3A_470 = arith.mulf %sub3A_468, %sub3A_469 : vector<16xf32>
      %sub3A_471 = arith.subf %mul3A_467, %mul3A_470 : vector<16xf32>
      %ge3A = arith.constant 0.000000e+00 : f32
      %ge3A_472 = vector.broadcast %ge3A : f32 to vector<16xf32>
      %ge3A_473 = arith.cmpf oge, %sub3A_471, %ge3A_472 : vector<16xf32>
      %jit3A_474 = arith.constant 0.000000e+00 : f32
      %jit3A_475 = arith.constant 1.000000e+00 : f32
      %broadcast_in_dim3A = vector.broadcast %jit3A_474 : f32 to vector<16xf32>
      %broadcast_in_dim3A_476 = vector.broadcast %jit3A_475 : f32 to vector<16xf32>
      %select_n3A_477 = arith.select %ge3A_473, %broadcast_in_dim3A, %broadcast_in_dim3A_476 : vector<16xi1>, vector<16xf32>
      %swap3A = arith.index_cast %scan3A_447 : i32 to index
      %swap3A_478 = arith.constant 16 : index
      %swap3A_479 = tpu.vector_load %arg6[%swap3A, %swap3A_478] {strides = array<i32>} : memref<32x256xf32, #tpu.memory_space<vmem>>, vector<16xf32>,
      tpu.vector_store %arg6[%swap3A, %swap3A_478], %select_n3A_477 {strides = array<i32>} : memref<32x256xf32, #tpu.memory_space<vmem>>, vector<16xf32>,
      scf.yield %add3A_452, %get3A_456, %get3A_460 : i32, vector<16xf32>, vector<16xf32>
    }
    %scan3A_95 = arith.constant 32 : i32
    %mul3A_96 = arith.constant 256 : i32
    %mul3A_97 = arith.muli %select_n3A_42, %mul3A_96 : i32
    %add3A_98 = arith.constant 32 : i32
    %add3A_99 = arith.addi %mul3A_97, %add3A_98 : i32
    %add3A_100 = arith.constant 32 : i32
    %add3A_101 = arith.addi %mul3A_49, %add3A_100 : i32
    %add3A_102 = arith.constant 1 : i32
    %add3A_103 = arith.addi %add3A_101, %add3A_102 : i32
    %get3A_104 = arith.index_cast %add3A_103 : i32 to index
    %get3A_105 = tpu.vector_load %arg4[%get3A_104] {strides = array<i32>} : memref<10240xf32, #tpu.memory_space<vmem>>, vector<16xf32>,
    %add3A_106 = arith.constant 32 : i32
    %add3A_107 = arith.addi %mul3A_49, %add3A_106 : i32
    %add3A_108 = arith.constant 1 : i32
    %add3A_109 = arith.addi %add3A_107, %add3A_108 : i32
    %get3A_110 = arith.index_cast %add3A_109 : i32 to index
    %get3A_111 = tpu.vector_load %arg5[%get3A_110] {strides = array<i32>} : memref<10240xf32, #tpu.memory_space<vmem>>, vector<16xf32>,
    %sub3A_112 = arith.constant 256 : i32
    %sub3A_113 = arith.subi %add3A_99, %sub3A_112 : i32
    %scan3A_114 = arith.constant 0 : i32
    %scan3A_115 = arith.constant 32 : i32
    %scan3A_116 = arith.addi %scan3A_114, %scan3A_115 : i32
    %scan3A_117 = arith.constant 1 : i32
    %scan3A_118:3 = scf.for %scan3A_447 = %scan3A_114 to %scan3A_116 step %scan3A_117 iter_args(%scan3A_448 = %sub3A_113, %scan3A_449 = %get3A_105, %scan3A_450 = %get3A_111) -> (i32, vector<16xf32>, vector<16xf32>)  : i32 {
      %add3A_451 = arith.constant 256 : i32
      %add3A_452 = arith.addi %scan3A_448, %add3A_451 : i32
      %add3A_453 = arith.constant 1 : i32
      %add3A_454 = arith.addi %add3A_452, %add3A_453 : i32
      %get3A_455 = arith.index_cast %add3A_454 : i32 to index
      %get3A_456 = tpu.vector_load %arg4[%get3A_455] {strides = array<i32>} : memref<10240xf32, #tpu.memory_space<vmem>>, vector<16xf32>,
      %add3A_457 = arith.constant 1 : i32
      %add3A_458 = arith.addi %add3A_452, %add3A_457 : i32
      %get3A_459 = arith.index_cast %add3A_458 : i32 to index
      %get3A_460 = tpu.vector_load %arg5[%get3A_459] {strides = array<i32>} : memref<10240xf32, #tpu.memory_space<vmem>>, vector<16xf32>,
      %get3A_461 = arith.index_cast %add3A_452 : i32 to index
      %get3A_462 = tpu.vector_load %arg4[%get3A_461] {strides = array<i32>} : memref<10240xf32, #tpu.memory_space<vmem>>, vector<16xf32>,
      %get3A_463 = arith.index_cast %add3A_452 : i32 to index
      %get3A_464 = tpu.vector_load %arg5[%get3A_463] {strides = array<i32>} : memref<10240xf32, #tpu.memory_space<vmem>>, vector<16xf32>,
      %sub3A_465 = arith.subf %get3A_456, %scan3A_449 : vector<16xf32>
      %sub3A_466 = arith.subf %get3A_460, %get3A_464 : vector<16xf32>
      %mul3A_467 = arith.mulf %sub3A_465, %sub3A_466 : vector<16xf32>
      %sub3A_468 = arith.subf %get3A_460, %scan3A_450 : vector<16xf32>
      %sub3A_469 = arith.subf %get3A_456, %get3A_462 : vector<16xf32>
      %mul3A_470 = arith.mulf %sub3A_468, %sub3A_469 : vector<16xf32>
      %sub3A_471 = arith.subf %mul3A_467, %mul3A_470 : vector<16xf32>
      %ge3A = arith.constant 0.000000e+00 : f32
      %ge3A_472 = vector.broadcast %ge3A : f32 to vector<16xf32>
      %ge3A_473 = arith.cmpf oge, %sub3A_471, %ge3A_472 : vector<16xf32>
      %jit3A_474 = arith.constant 0.000000e+00 : f32
      %jit3A_475 = arith.constant 1.000000e+00 : f32
      %broadcast_in_dim3A = vector.broadcast %jit3A_474 : f32 to vector<16xf32>
      %broadcast_in_dim3A_476 = vector.broadcast %jit3A_475 : f32 to vector<16xf32>
      %select_n3A_477 = arith.select %ge3A_473, %broadcast_in_dim3A, %broadcast_in_dim3A_476 : vector<16xi1>, vector<16xf32>
      %swap3A = arith.index_cast %scan3A_447 : i32 to index
      %swap3A_478 = arith.constant 32 : index
      %swap3A_479 = tpu.vector_load %arg6[%swap3A, %swap3A_478] {strides = array<i32>} : memref<32x256xf32, #tpu.memory_space<vmem>>, vector<16xf32>,
      tpu.vector_store %arg6[%swap3A, %swap3A_478], %select_n3A_477 {strides = array<i32>} : memref<32x256xf32, #tpu.memory_space<vmem>>, vector<16xf32>,
      scf.yield %add3A_452, %get3A_456, %get3A_460 : i32, vector<16xf32>, vector<16xf32>
    }
    %scan3A_119 = arith.constant 32 : i32
    %mul3A_120 = arith.constant 256 : i32
    %mul3A_121 = arith.muli %select_n3A_42, %mul3A_120 : i32
    %add3A_122 = arith.constant 48 : i32
    %add3A_123 = arith.addi %mul3A_121, %add3A_122 : i32
    %add3A_124 = arith.constant 48 : i32
    %add3A_125 = arith.addi %mul3A_49, %add3A_124 : i32
    %add3A_126 = arith.constant 1 : i32
    %add3A_127 = arith.addi %add3A_125, %add3A_126 : i32
    %get3A_128 = arith.index_cast %add3A_127 : i32 to index
    %get3A_129 = tpu.vector_load %arg4[%get3A_128] {strides = array<i32>} : memref<10240xf32, #tpu.memory_space<vmem>>, vector<16xf32>,
    %add3A_130 = arith.constant 48 : i32
    %add3A_131 = arith.addi %mul3A_49, %add3A_130 : i32
    %add3A_132 = arith.constant 1 : i32
    %add3A_133 = arith.addi %add3A_131, %add3A_132 : i32
    %get3A_134 = arith.index_cast %add3A_133 : i32 to index
    %get3A_135 = tpu.vector_load %arg5[%get3A_134] {strides = array<i32>} : memref<10240xf32, #tpu.memory_space<vmem>>, vector<16xf32>,
    %sub3A_136 = arith.constant 256 : i32
    %sub3A_137 = arith.subi %add3A_123, %sub3A_136 : i32
    %scan3A_138 = arith.constant 0 : i32
    %scan3A_139 = arith.constant 32 : i32
    %scan3A_140 = arith.addi %scan3A_138, %scan3A_139 : i32
    %scan3A_141 = arith.constant 1 : i32
    %scan3A_142:3 = scf.for %scan3A_447 = %scan3A_138 to %scan3A_140 step %scan3A_141 iter_args(%scan3A_448 = %sub3A_137, %scan3A_449 = %get3A_129, %scan3A_450 = %get3A_135) -> (i32, vector<16xf32>, vector<16xf32>)  : i32 {
      %add3A_451 = arith.constant 256 : i32
      %add3A_452 = arith.addi %scan3A_448, %add3A_451 : i32
      %add3A_453 = arith.constant 1 : i32
      %add3A_454 = arith.addi %add3A_452, %add3A_453 : i32
      %get3A_455 = arith.index_cast %add3A_454 : i32 to index
      %get3A_456 = tpu.vector_load %arg4[%get3A_455] {strides = array<i32>} : memref<10240xf32, #tpu.memory_space<vmem>>, vector<16xf32>,
      %add3A_457 = arith.constant 1 : i32
      %add3A_458 = arith.addi %add3A_452, %add3A_457 : i32
      %get3A_459 = arith.index_cast %add3A_458 : i32 to index
      %get3A_460 = tpu.vector_load %arg5[%get3A_459] {strides = array<i32>} : memref<10240xf32, #tpu.memory_space<vmem>>, vector<16xf32>,
      %get3A_461 = arith.index_cast %add3A_452 : i32 to index
      %get3A_462 = tpu.vector_load %arg4[%get3A_461] {strides = array<i32>} : memref<10240xf32, #tpu.memory_space<vmem>>, vector<16xf32>,
      %get3A_463 = arith.index_cast %add3A_452 : i32 to index
      %get3A_464 = tpu.vector_load %arg5[%get3A_463] {strides = array<i32>} : memref<10240xf32, #tpu.memory_space<vmem>>, vector<16xf32>,
      %sub3A_465 = arith.subf %get3A_456, %scan3A_449 : vector<16xf32>
      %sub3A_466 = arith.subf %get3A_460, %get3A_464 : vector<16xf32>
      %mul3A_467 = arith.mulf %sub3A_465, %sub3A_466 : vector<16xf32>
      %sub3A_468 = arith.subf %get3A_460, %scan3A_450 : vector<16xf32>
      %sub3A_469 = arith.subf %get3A_456, %get3A_462 : vector<16xf32>
      %mul3A_470 = arith.mulf %sub3A_468, %sub3A_469 : vector<16xf32>
      %sub3A_471 = arith.subf %mul3A_467, %mul3A_470 : vector<16xf32>
      %ge3A = arith.constant 0.000000e+00 : f32
      %ge3A_472 = vector.broadcast %ge3A : f32 to vector<16xf32>
      %ge3A_473 = arith.cmpf oge, %sub3A_471, %ge3A_472 : vector<16xf32>
      %jit3A_474 = arith.constant 0.000000e+00 : f32
      %jit3A_475 = arith.constant 1.000000e+00 : f32
      %broadcast_in_dim3A = vector.broadcast %jit3A_474 : f32 to vector<16xf32>
      %broadcast_in_dim3A_476 = vector.broadcast %jit3A_475 : f32 to vector<16xf32>
      %select_n3A_477 = arith.select %ge3A_473, %broadcast_in_dim3A, %broadcast_in_dim3A_476 : vector<16xi1>, vector<16xf32>
      %swap3A = arith.index_cast %scan3A_447 : i32 to index
      %swap3A_478 = arith.constant 48 : index
      %swap3A_479 = tpu.vector_load %arg6[%swap3A, %swap3A_478] {strides = array<i32>} : memref<32x256xf32, #tpu.memory_space<vmem>>, vector<16xf32>,
      tpu.vector_store %arg6[%swap3A, %swap3A_478], %select_n3A_477 {strides = array<i32>} : memref<32x256xf32, #tpu.memory_space<vmem>>, vector<16xf32>,
      scf.yield %add3A_452, %get3A_456, %get3A_460 : i32, vector<16xf32>, vector<16xf32>
    }
    %scan3A_143 = arith.constant 32 : i32
    %mul3A_144 = arith.constant 256 : i32
    %mul3A_145 = arith.muli %select_n3A_42, %mul3A_144 : i32
    %add3A_146 = arith.constant 64 : i32
    %add3A_147 = arith.addi %mul3A_145, %add3A_146 : i32
    %add3A_148 = arith.constant 64 : i32
    %add3A_149 = arith.addi %mul3A_49, %add3A_148 : i32
    %add3A_150 = arith.constant 1 : i32
    %add3A_151 = arith.addi %add3A_149, %add3A_150 : i32
    %get3A_152 = arith.index_cast %add3A_151 : i32 to index
    %get3A_153 = tpu.vector_load %arg4[%get3A_152] {strides = array<i32>} : memref<10240xf32, #tpu.memory_space<vmem>>, vector<16xf32>,
    %add3A_154 = arith.constant 64 : i32
    %add3A_155 = arith.addi %mul3A_49, %add3A_154 : i32
    %add3A_156 = arith.constant 1 : i32
    %add3A_157 = arith.addi %add3A_155, %add3A_156 : i32
    %get3A_158 = arith.index_cast %add3A_157 : i32 to index
    %get3A_159 = tpu.vector_load %arg5[%get3A_158] {strides = array<i32>} : memref<10240xf32, #tpu.memory_space<vmem>>, vector<16xf32>,
    %sub3A_160 = arith.constant 256 : i32
    %sub3A_161 = arith.subi %add3A_147, %sub3A_160 : i32
    %scan3A_162 = arith.constant 0 : i32
    %scan3A_163 = arith.constant 32 : i32
    %scan3A_164 = arith.addi %scan3A_162, %scan3A_163 : i32
    %scan3A_165 = arith.constant 1 : i32
    %scan3A_166:3 = scf.for %scan3A_447 = %scan3A_162 to %scan3A_164 step %scan3A_165 iter_args(%scan3A_448 = %sub3A_161, %scan3A_449 = %get3A_153, %scan3A_450 = %get3A_159) -> (i32, vector<16xf32>, vector<16xf32>)  : i32 {
      %add3A_451 = arith.constant 256 : i32
      %add3A_452 = arith.addi %scan3A_448, %add3A_451 : i32
      %add3A_453 = arith.constant 1 : i32
      %add3A_454 = arith.addi %add3A_452, %add3A_453 : i32
      %get3A_455 = arith.index_cast %add3A_454 : i32 to index
      %get3A_456 = tpu.vector_load %arg4[%get3A_455] {strides = array<i32>} : memref<10240xf32, #tpu.memory_space<vmem>>, vector<16xf32>,
      %add3A_457 = arith.constant 1 : i32
      %add3A_458 = arith.addi %add3A_452, %add3A_457 : i32
      %get3A_459 = arith.index_cast %add3A_458 : i32 to index
      %get3A_460 = tpu.vector_load %arg5[%get3A_459] {strides = array<i32>} : memref<10240xf32, #tpu.memory_space<vmem>>, vector<16xf32>,
      %get3A_461 = arith.index_cast %add3A_452 : i32 to index
      %get3A_462 = tpu.vector_load %arg4[%get3A_461] {strides = array<i32>} : memref<10240xf32, #tpu.memory_space<vmem>>, vector<16xf32>,
      %get3A_463 = arith.index_cast %add3A_452 : i32 to index
      %get3A_464 = tpu.vector_load %arg5[%get3A_463] {strides = array<i32>} : memref<10240xf32, #tpu.memory_space<vmem>>, vector<16xf32>,
      %sub3A_465 = arith.subf %get3A_456, %scan3A_449 : vector<16xf32>
      %sub3A_466 = arith.subf %get3A_460, %get3A_464 : vector<16xf32>
      %mul3A_467 = arith.mulf %sub3A_465, %sub3A_466 : vector<16xf32>
      %sub3A_468 = arith.subf %get3A_460, %scan3A_450 : vector<16xf32>
      %sub3A_469 = arith.subf %get3A_456, %get3A_462 : vector<16xf32>
      %mul3A_470 = arith.mulf %sub3A_468, %sub3A_469 : vector<16xf32>
      %sub3A_471 = arith.subf %mul3A_467, %mul3A_470 : vector<16xf32>
      %ge3A = arith.constant 0.000000e+00 : f32
      %ge3A_472 = vector.broadcast %ge3A : f32 to vector<16xf32>
      %ge3A_473 = arith.cmpf oge, %sub3A_471, %ge3A_472 : vector<16xf32>
      %jit3A_474 = arith.constant 0.000000e+00 : f32
      %jit3A_475 = arith.constant 1.000000e+00 : f32
      %broadcast_in_dim3A = vector.broadcast %jit3A_474 : f32 to vector<16xf32>
      %broadcast_in_dim3A_476 = vector.broadcast %jit3A_475 : f32 to vector<16xf32>
      %select_n3A_477 = arith.select %ge3A_473, %broadcast_in_dim3A, %broadcast_in_dim3A_476 : vector<16xi1>, vector<16xf32>
      %swap3A = arith.index_cast %scan3A_447 : i32 to index
      %swap3A_478 = arith.constant 64 : index
      %swap3A_479 = tpu.vector_load %arg6[%swap3A, %swap3A_478] {strides = array<i32>} : memref<32x256xf32, #tpu.memory_space<vmem>>, vector<16xf32>,
      tpu.vector_store %arg6[%swap3A, %swap3A_478], %select_n3A_477 {strides = array<i32>} : memref<32x256xf32, #tpu.memory_space<vmem>>, vector<16xf32>,
      scf.yield %add3A_452, %get3A_456, %get3A_460 : i32, vector<16xf32>, vector<16xf32>
    }
    %scan3A_167 = arith.constant 32 : i32
    %mul3A_168 = arith.constant 256 : i32
    %mul3A_169 = arith.muli %select_n3A_42, %mul3A_168 : i32
    %add3A_170 = arith.constant 80 : i32
    %add3A_171 = arith.addi %mul3A_169, %add3A_170 : i32
    %add3A_172 = arith.constant 80 : i32
    %add3A_173 = arith.addi %mul3A_49, %add3A_172 : i32
    %add3A_174 = arith.constant 1 : i32
    %add3A_175 = arith.addi %add3A_173, %add3A_174 : i32
    %get3A_176 = arith.index_cast %add3A_175 : i32 to index
    %get3A_177 = tpu.vector_load %arg4[%get3A_176] {strides = array<i32>} : memref<10240xf32, #tpu.memory_space<vmem>>, vector<16xf32>,
    %add3A_178 = arith.constant 80 : i32
    %add3A_179 = arith.addi %mul3A_49, %add3A_178 : i32
    %add3A_180 = arith.constant 1 : i32
    %add3A_181 = arith.addi %add3A_179, %add3A_180 : i32
    %get3A_182 = arith.index_cast %add3A_181 : i32 to index
    %get3A_183 = tpu.vector_load %arg5[%get3A_182] {strides = array<i32>} : memref<10240xf32, #tpu.memory_space<vmem>>, vector<16xf32>,
    %sub3A_184 = arith.constant 256 : i32
    %sub3A_185 = arith.subi %add3A_171, %sub3A_184 : i32
    %scan3A_186 = arith.constant 0 : i32
    %scan3A_187 = arith.constant 32 : i32
    %scan3A_188 = arith.addi %scan3A_186, %scan3A_187 : i32
    %scan3A_189 = arith.constant 1 : i32
    %scan3A_190:3 = scf.for %scan3A_447 = %scan3A_186 to %scan3A_188 step %scan3A_189 iter_args(%scan3A_448 = %sub3A_185, %scan3A_449 = %get3A_177, %scan3A_450 = %get3A_183) -> (i32, vector<16xf32>, vector<16xf32>)  : i32 {
      %add3A_451 = arith.constant 256 : i32
      %add3A_452 = arith.addi %scan3A_448, %add3A_451 : i32
      %add3A_453 = arith.constant 1 : i32
      %add3A_454 = arith.addi %add3A_452, %add3A_453 : i32
      %get3A_455 = arith.index_cast %add3A_454 : i32 to index
      %get3A_456 = tpu.vector_load %arg4[%get3A_455] {strides = array<i32>} : memref<10240xf32, #tpu.memory_space<vmem>>, vector<16xf32>,
      %add3A_457 = arith.constant 1 : i32
      %add3A_458 = arith.addi %add3A_452, %add3A_457 : i32
      %get3A_459 = arith.index_cast %add3A_458 : i32 to index
      %get3A_460 = tpu.vector_load %arg5[%get3A_459] {strides = array<i32>} : memref<10240xf32, #tpu.memory_space<vmem>>, vector<16xf32>,
      %get3A_461 = arith.index_cast %add3A_452 : i32 to index
      %get3A_462 = tpu.vector_load %arg4[%get3A_461] {strides = array<i32>} : memref<10240xf32, #tpu.memory_space<vmem>>, vector<16xf32>,
      %get3A_463 = arith.index_cast %add3A_452 : i32 to index
      %get3A_464 = tpu.vector_load %arg5[%get3A_463] {strides = array<i32>} : memref<10240xf32, #tpu.memory_space<vmem>>, vector<16xf32>,
      %sub3A_465 = arith.subf %get3A_456, %scan3A_449 : vector<16xf32>
      %sub3A_466 = arith.subf %get3A_460, %get3A_464 : vector<16xf32>
      %mul3A_467 = arith.mulf %sub3A_465, %sub3A_466 : vector<16xf32>
      %sub3A_468 = arith.subf %get3A_460, %scan3A_450 : vector<16xf32>
      %sub3A_469 = arith.subf %get3A_456, %get3A_462 : vector<16xf32>
      %mul3A_470 = arith.mulf %sub3A_468, %sub3A_469 : vector<16xf32>
      %sub3A_471 = arith.subf %mul3A_467, %mul3A_470 : vector<16xf32>
      %ge3A = arith.constant 0.000000e+00 : f32
      %ge3A_472 = vector.broadcast %ge3A : f32 to vector<16xf32>
      %ge3A_473 = arith.cmpf oge, %sub3A_471, %ge3A_472 : vector<16xf32>
      %jit3A_474 = arith.constant 0.000000e+00 : f32
      %jit3A_475 = arith.constant 1.000000e+00 : f32
      %broadcast_in_dim3A = vector.broadcast %jit3A_474 : f32 to vector<16xf32>
      %broadcast_in_dim3A_476 = vector.broadcast %jit3A_475 : f32 to vector<16xf32>
      %select_n3A_477 = arith.select %ge3A_473, %broadcast_in_dim3A, %broadcast_in_dim3A_476 : vector<16xi1>, vector<16xf32>
      %swap3A = arith.index_cast %scan3A_447 : i32 to index
      %swap3A_478 = arith.constant 80 : index
      %swap3A_479 = tpu.vector_load %arg6[%swap3A, %swap3A_478] {strides = array<i32>} : memref<32x256xf32, #tpu.memory_space<vmem>>, vector<16xf32>,
      tpu.vector_store %arg6[%swap3A, %swap3A_478], %select_n3A_477 {strides = array<i32>} : memref<32x256xf32, #tpu.memory_space<vmem>>, vector<16xf32>,
      scf.yield %add3A_452, %get3A_456, %get3A_460 : i32, vector<16xf32>, vector<16xf32>
    }
    %scan3A_191 = arith.constant 32 : i32
    %mul3A_192 = arith.constant 256 : i32
    %mul3A_193 = arith.muli %select_n3A_42, %mul3A_192 : i32
    %add3A_194 = arith.constant 96 : i32
    %add3A_195 = arith.addi %mul3A_193, %add3A_194 : i32
    %add3A_196 = arith.constant 96 : i32
    %add3A_197 = arith.addi %mul3A_49, %add3A_196 : i32
    %add3A_198 = arith.constant 1 : i32
    %add3A_199 = arith.addi %add3A_197, %add3A_198 : i32
    %get3A_200 = arith.index_cast %add3A_199 : i32 to index
    %get3A_201 = tpu.vector_load %arg4[%get3A_200] {strides = array<i32>} : memref<10240xf32, #tpu.memory_space<vmem>>, vector<16xf32>,
    %add3A_202 = arith.constant 96 : i32
    %add3A_203 = arith.addi %mul3A_49, %add3A_202 : i32
    %add3A_204 = arith.constant 1 : i32
    %add3A_205 = arith.addi %add3A_203, %add3A_204 : i32
    %get3A_206 = arith.index_cast %add3A_205 : i32 to index
    %get3A_207 = tpu.vector_load %arg5[%get3A_206] {strides = array<i32>} : memref<10240xf32, #tpu.memory_space<vmem>>, vector<16xf32>,
    %sub3A_208 = arith.constant 256 : i32
    %sub3A_209 = arith.subi %add3A_195, %sub3A_208 : i32
    %scan3A_210 = arith.constant 0 : i32
    %scan3A_211 = arith.constant 32 : i32
    %scan3A_212 = arith.addi %scan3A_210, %scan3A_211 : i32
    %scan3A_213 = arith.constant 1 : i32
    %scan3A_214:3 = scf.for %scan3A_447 = %scan3A_210 to %scan3A_212 step %scan3A_213 iter_args(%scan3A_448 = %sub3A_209, %scan3A_449 = %get3A_201, %scan3A_450 = %get3A_207) -> (i32, vector<16xf32>, vector<16xf32>)  : i32 {
      %add3A_451 = arith.constant 256 : i32
      %add3A_452 = arith.addi %scan3A_448, %add3A_451 : i32
      %add3A_453 = arith.constant 1 : i32
      %add3A_454 = arith.addi %add3A_452, %add3A_453 : i32
      %get3A_455 = arith.index_cast %add3A_454 : i32 to index
      %get3A_456 = tpu.vector_load %arg4[%get3A_455] {strides = array<i32>} : memref<10240xf32, #tpu.memory_space<vmem>>, vector<16xf32>,
      %add3A_457 = arith.constant 1 : i32
      %add3A_458 = arith.addi %add3A_452, %add3A_457 : i32
      %get3A_459 = arith.index_cast %add3A_458 : i32 to index
      %get3A_460 = tpu.vector_load %arg5[%get3A_459] {strides = array<i32>} : memref<10240xf32, #tpu.memory_space<vmem>>, vector<16xf32>,
      %get3A_461 = arith.index_cast %add3A_452 : i32 to index
      %get3A_462 = tpu.vector_load %arg4[%get3A_461] {strides = array<i32>} : memref<10240xf32, #tpu.memory_space<vmem>>, vector<16xf32>,
      %get3A_463 = arith.index_cast %add3A_452 : i32 to index
      %get3A_464 = tpu.vector_load %arg5[%get3A_463] {strides = array<i32>} : memref<10240xf32, #tpu.memory_space<vmem>>, vector<16xf32>,
      %sub3A_465 = arith.subf %get3A_456, %scan3A_449 : vector<16xf32>
      %sub3A_466 = arith.subf %get3A_460, %get3A_464 : vector<16xf32>
      %mul3A_467 = arith.mulf %sub3A_465, %sub3A_466 : vector<16xf32>
      %sub3A_468 = arith.subf %get3A_460, %scan3A_450 : vector<16xf32>
      %sub3A_469 = arith.subf %get3A_456, %get3A_462 : vector<16xf32>
      %mul3A_470 = arith.mulf %sub3A_468, %sub3A_469 : vector<16xf32>
      %sub3A_471 = arith.subf %mul3A_467, %mul3A_470 : vector<16xf32>
      %ge3A = arith.constant 0.000000e+00 : f32
      %ge3A_472 = vector.broadcast %ge3A : f32 to vector<16xf32>
      %ge3A_473 = arith.cmpf oge, %sub3A_471, %ge3A_472 : vector<16xf32>
      %jit3A_474 = arith.constant 0.000000e+00 : f32
      %jit3A_475 = arith.constant 1.000000e+00 : f32
      %broadcast_in_dim3A = vector.broadcast %jit3A_474 : f32 to vector<16xf32>
      %broadcast_in_dim3A_476 = vector.broadcast %jit3A_475 : f32 to vector<16xf32>
      %select_n3A_477 = arith.select %ge3A_473, %broadcast_in_dim3A, %broadcast_in_dim3A_476 : vector<16xi1>, vector<16xf32>
      %swap3A = arith.index_cast %scan3A_447 : i32 to index
      %swap3A_478 = arith.constant 96 : index
      %swap3A_479 = tpu.vector_load %arg6[%swap3A, %swap3A_478] {strides = array<i32>} : memref<32x256xf32, #tpu.memory_space<vmem>>, vector<16xf32>,
      tpu.vector_store %arg6[%swap3A, %swap3A_478], %select_n3A_477 {strides = array<i32>} : memref<32x256xf32, #tpu.memory_space<vmem>>, vector<16xf32>,
      scf.yield %add3A_452, %get3A_456, %get3A_460 : i32, vector<16xf32>, vector<16xf32>
    }
    %scan3A_215 = arith.constant 32 : i32
    %mul3A_216 = arith.constant 256 : i32
    %mul3A_217 = arith.muli %select_n3A_42, %mul3A_216 : i32
    %add3A_218 = arith.constant 112 : i32
    %add3A_219 = arith.addi %mul3A_217, %add3A_218 : i32
    %add3A_220 = arith.constant 112 : i32
    %add3A_221 = arith.addi %mul3A_49, %add3A_220 : i32
    %add3A_222 = arith.constant 1 : i32
    %add3A_223 = arith.addi %add3A_221, %add3A_222 : i32
    %get3A_224 = arith.index_cast %add3A_223 : i32 to index
    %get3A_225 = tpu.vector_load %arg4[%get3A_224] {strides = array<i32>} : memref<10240xf32, #tpu.memory_space<vmem>>, vector<16xf32>,
    %add3A_226 = arith.constant 112 : i32
    %add3A_227 = arith.addi %mul3A_49, %add3A_226 : i32
    %add3A_228 = arith.constant 1 : i32
    %add3A_229 = arith.addi %add3A_227, %add3A_228 : i32
    %get3A_230 = arith.index_cast %add3A_229 : i32 to index
    %get3A_231 = tpu.vector_load %arg5[%get3A_230] {strides = array<i32>} : memref<10240xf32, #tpu.memory_space<vmem>>, vector<16xf32>,
    %sub3A_232 = arith.constant 256 : i32
    %sub3A_233 = arith.subi %add3A_219, %sub3A_232 : i32
    %scan3A_234 = arith.constant 0 : i32
    %scan3A_235 = arith.constant 32 : i32
    %scan3A_236 = arith.addi %scan3A_234, %scan3A_235 : i32
    %scan3A_237 = arith.constant 1 : i32
    %scan3A_238:3 = scf.for %scan3A_447 = %scan3A_234 to %scan3A_236 step %scan3A_237 iter_args(%scan3A_448 = %sub3A_233, %scan3A_449 = %get3A_225, %scan3A_450 = %get3A_231) -> (i32, vector<16xf32>, vector<16xf32>)  : i32 {
      %add3A_451 = arith.constant 256 : i32
      %add3A_452 = arith.addi %scan3A_448, %add3A_451 : i32
      %add3A_453 = arith.constant 1 : i32
      %add3A_454 = arith.addi %add3A_452, %add3A_453 : i32
      %get3A_455 = arith.index_cast %add3A_454 : i32 to index
      %get3A_456 = tpu.vector_load %arg4[%get3A_455] {strides = array<i32>} : memref<10240xf32, #tpu.memory_space<vmem>>, vector<16xf32>,
      %add3A_457 = arith.constant 1 : i32
      %add3A_458 = arith.addi %add3A_452, %add3A_457 : i32
      %get3A_459 = arith.index_cast %add3A_458 : i32 to index
      %get3A_460 = tpu.vector_load %arg5[%get3A_459] {strides = array<i32>} : memref<10240xf32, #tpu.memory_space<vmem>>, vector<16xf32>,
      %get3A_461 = arith.index_cast %add3A_452 : i32 to index
      %get3A_462 = tpu.vector_load %arg4[%get3A_461] {strides = array<i32>} : memref<10240xf32, #tpu.memory_space<vmem>>, vector<16xf32>,
      %get3A_463 = arith.index_cast %add3A_452 : i32 to index
      %get3A_464 = tpu.vector_load %arg5[%get3A_463] {strides = array<i32>} : memref<10240xf32, #tpu.memory_space<vmem>>, vector<16xf32>,
      %sub3A_465 = arith.subf %get3A_456, %scan3A_449 : vector<16xf32>
      %sub3A_466 = arith.subf %get3A_460, %get3A_464 : vector<16xf32>
      %mul3A_467 = arith.mulf %sub3A_465, %sub3A_466 : vector<16xf32>
      %sub3A_468 = arith.subf %get3A_460, %scan3A_450 : vector<16xf32>
      %sub3A_469 = arith.subf %get3A_456, %get3A_462 : vector<16xf32>
      %mul3A_470 = arith.mulf %sub3A_468, %sub3A_469 : vector<16xf32>
      %sub3A_471 = arith.subf %mul3A_467, %mul3A_470 : vector<16xf32>
      %ge3A = arith.constant 0.000000e+00 : f32
      %ge3A_472 = vector.broadcast %ge3A : f32 to vector<16xf32>
      %ge3A_473 = arith.cmpf oge, %sub3A_471, %ge3A_472 : vector<16xf32>
      %jit3A_474 = arith.constant 0.000000e+00 : f32
      %jit3A_475 = arith.constant 1.000000e+00 : f32
      %broadcast_in_dim3A = vector.broadcast %jit3A_474 : f32 to vector<16xf32>
      %broadcast_in_dim3A_476 = vector.broadcast %jit3A_475 : f32 to vector<16xf32>
      %select_n3A_477 = arith.select %ge3A_473, %broadcast_in_dim3A, %broadcast_in_dim3A_476 : vector<16xi1>, vector<16xf32>
      %swap3A = arith.index_cast %scan3A_447 : i32 to index
      %swap3A_478 = arith.constant 112 : index
      %swap3A_479 = tpu.vector_load %arg6[%swap3A, %swap3A_478] {strides = array<i32>} : memref<32x256xf32, #tpu.memory_space<vmem>>, vector<16xf32>,
      tpu.vector_store %arg6[%swap3A, %swap3A_478], %select_n3A_477 {strides = array<i32>} : memref<32x256xf32, #tpu.memory_space<vmem>>, vector<16xf32>,
      scf.yield %add3A_452, %get3A_456, %get3A_460 : i32, vector<16xf32>, vector<16xf32>
    }
    %scan3A_239 = arith.constant 32 : i32
    %mul3A_240 = arith.constant 256 : i32
    %mul3A_241 = arith.muli %select_n3A_42, %mul3A_240 : i32
    %add3A_242 = arith.constant 128 : i32
    %add3A_243 = arith.addi %mul3A_241, %add3A_242 : i32
    %add3A_244 = arith.constant 128 : i32
    %add3A_245 = arith.addi %mul3A_49, %add3A_244 : i32
    %add3A_246 = arith.constant 1 : i32
    %add3A_247 = arith.addi %add3A_245, %add3A_246 : i32
    %get3A_248 = arith.index_cast %add3A_247 : i32 to index
    %get3A_249 = tpu.vector_load %arg4[%get3A_248] {strides = array<i32>} : memref<10240xf32, #tpu.memory_space<vmem>>, vector<16xf32>,
    %add3A_250 = arith.constant 128 : i32
    %add3A_251 = arith.addi %mul3A_49, %add3A_250 : i32
    %add3A_252 = arith.constant 1 : i32
    %add3A_253 = arith.addi %add3A_251, %add3A_252 : i32
    %get3A_254 = arith.index_cast %add3A_253 : i32 to index
    %get3A_255 = tpu.vector_load %arg5[%get3A_254] {strides = array<i32>} : memref<10240xf32, #tpu.memory_space<vmem>>, vector<16xf32>,
    %sub3A_256 = arith.constant 256 : i32
    %sub3A_257 = arith.subi %add3A_243, %sub3A_256 : i32
    %scan3A_258 = arith.constant 0 : i32
    %scan3A_259 = arith.constant 32 : i32
    %scan3A_260 = arith.addi %scan3A_258, %scan3A_259 : i32
    %scan3A_261 = arith.constant 1 : i32
    %scan3A_262:3 = scf.for %scan3A_447 = %scan3A_258 to %scan3A_260 step %scan3A_261 iter_args(%scan3A_448 = %sub3A_257, %scan3A_449 = %get3A_249, %scan3A_450 = %get3A_255) -> (i32, vector<16xf32>, vector<16xf32>)  : i32 {
      %add3A_451 = arith.constant 256 : i32
      %add3A_452 = arith.addi %scan3A_448, %add3A_451 : i32
      %add3A_453 = arith.constant 1 : i32
      %add3A_454 = arith.addi %add3A_452, %add3A_453 : i32
      %get3A_455 = arith.index_cast %add3A_454 : i32 to index
      %get3A_456 = tpu.vector_load %arg4[%get3A_455] {strides = array<i32>} : memref<10240xf32, #tpu.memory_space<vmem>>, vector<16xf32>,
      %add3A_457 = arith.constant 1 : i32
      %add3A_458 = arith.addi %add3A_452, %add3A_457 : i32
      %get3A_459 = arith.index_cast %add3A_458 : i32 to index
      %get3A_460 = tpu.vector_load %arg5[%get3A_459] {strides = array<i32>} : memref<10240xf32, #tpu.memory_space<vmem>>, vector<16xf32>,
      %get3A_461 = arith.index_cast %add3A_452 : i32 to index
      %get3A_462 = tpu.vector_load %arg4[%get3A_461] {strides = array<i32>} : memref<10240xf32, #tpu.memory_space<vmem>>, vector<16xf32>,
      %get3A_463 = arith.index_cast %add3A_452 : i32 to index
      %get3A_464 = tpu.vector_load %arg5[%get3A_463] {strides = array<i32>} : memref<10240xf32, #tpu.memory_space<vmem>>, vector<16xf32>,
      %sub3A_465 = arith.subf %get3A_456, %scan3A_449 : vector<16xf32>
      %sub3A_466 = arith.subf %get3A_460, %get3A_464 : vector<16xf32>
      %mul3A_467 = arith.mulf %sub3A_465, %sub3A_466 : vector<16xf32>
      %sub3A_468 = arith.subf %get3A_460, %scan3A_450 : vector<16xf32>
      %sub3A_469 = arith.subf %get3A_456, %get3A_462 : vector<16xf32>
      %mul3A_470 = arith.mulf %sub3A_468, %sub3A_469 : vector<16xf32>
      %sub3A_471 = arith.subf %mul3A_467, %mul3A_470 : vector<16xf32>
      %ge3A = arith.constant 0.000000e+00 : f32
      %ge3A_472 = vector.broadcast %ge3A : f32 to vector<16xf32>
      %ge3A_473 = arith.cmpf oge, %sub3A_471, %ge3A_472 : vector<16xf32>
      %jit3A_474 = arith.constant 0.000000e+00 : f32
      %jit3A_475 = arith.constant 1.000000e+00 : f32
      %broadcast_in_dim3A = vector.broadcast %jit3A_474 : f32 to vector<16xf32>
      %broadcast_in_dim3A_476 = vector.broadcast %jit3A_475 : f32 to vector<16xf32>
      %select_n3A_477 = arith.select %ge3A_473, %broadcast_in_dim3A, %broadcast_in_dim3A_476 : vector<16xi1>, vector<16xf32>
      %swap3A = arith.index_cast %scan3A_447 : i32 to index
      %swap3A_478 = arith.constant 128 : index
      %swap3A_479 = tpu.vector_load %arg6[%swap3A, %swap3A_478] {strides = array<i32>} : memref<32x256xf32, #tpu.memory_space<vmem>>, vector<16xf32>,
      tpu.vector_store %arg6[%swap3A, %swap3A_478], %select_n3A_477 {strides = array<i32>} : memref<32x256xf32, #tpu.memory_space<vmem>>, vector<16xf32>,
      scf.yield %add3A_452, %get3A_456, %get3A_460 : i32, vector<16xf32>, vector<16xf32>
    }
    %scan3A_263 = arith.constant 32 : i32
    %mul3A_264 = arith.constant 256 : i32
    %mul3A_265 = arith.muli %select_n3A_42, %mul3A_264 : i32
    %add3A_266 = arith.constant 144 : i32
    %add3A_267 = arith.addi %mul3A_265, %add3A_266 : i32
    %add3A_268 = arith.constant 144 : i32
    %add3A_269 = arith.addi %mul3A_49, %add3A_268 : i32
    %add3A_270 = arith.constant 1 : i32
    %add3A_271 = arith.addi %add3A_269, %add3A_270 : i32
    %get3A_272 = arith.index_cast %add3A_271 : i32 to index
    %get3A_273 = tpu.vector_load %arg4[%get3A_272] {strides = array<i32>} : memref<10240xf32, #tpu.memory_space<vmem>>, vector<16xf32>,
    %add3A_274 = arith.constant 144 : i32
    %add3A_275 = arith.addi %mul3A_49, %add3A_274 : i32
    %add3A_276 = arith.constant 1 : i32
    %add3A_277 = arith.addi %add3A_275, %add3A_276 : i32
    %get3A_278 = arith.index_cast %add3A_277 : i32 to index
    %get3A_279 = tpu.vector_load %arg5[%get3A_278] {strides = array<i32>} : memref<10240xf32, #tpu.memory_space<vmem>>, vector<16xf32>,
    %sub3A_280 = arith.constant 256 : i32
    %sub3A_281 = arith.subi %add3A_267, %sub3A_280 : i32
    %scan3A_282 = arith.constant 0 : i32
    %scan3A_283 = arith.constant 32 : i32
    %scan3A_284 = arith.addi %scan3A_282, %scan3A_283 : i32
    %scan3A_285 = arith.constant 1 : i32
    %scan3A_286:3 = scf.for %scan3A_447 = %scan3A_282 to %scan3A_284 step %scan3A_285 iter_args(%scan3A_448 = %sub3A_281, %scan3A_449 = %get3A_273, %scan3A_450 = %get3A_279) -> (i32, vector<16xf32>, vector<16xf32>)  : i32 {
      %add3A_451 = arith.constant 256 : i32
      %add3A_452 = arith.addi %scan3A_448, %add3A_451 : i32
      %add3A_453 = arith.constant 1 : i32
      %add3A_454 = arith.addi %add3A_452, %add3A_453 : i32
      %get3A_455 = arith.index_cast %add3A_454 : i32 to index
      %get3A_456 = tpu.vector_load %arg4[%get3A_455] {strides = array<i32>} : memref<10240xf32, #tpu.memory_space<vmem>>, vector<16xf32>,
      %add3A_457 = arith.constant 1 : i32
      %add3A_458 = arith.addi %add3A_452, %add3A_457 : i32
      %get3A_459 = arith.index_cast %add3A_458 : i32 to index
      %get3A_460 = tpu.vector_load %arg5[%get3A_459] {strides = array<i32>} : memref<10240xf32, #tpu.memory_space<vmem>>, vector<16xf32>,
      %get3A_461 = arith.index_cast %add3A_452 : i32 to index
      %get3A_462 = tpu.vector_load %arg4[%get3A_461] {strides = array<i32>} : memref<10240xf32, #tpu.memory_space<vmem>>, vector<16xf32>,
      %get3A_463 = arith.index_cast %add3A_452 : i32 to index
      %get3A_464 = tpu.vector_load %arg5[%get3A_463] {strides = array<i32>} : memref<10240xf32, #tpu.memory_space<vmem>>, vector<16xf32>,
      %sub3A_465 = arith.subf %get3A_456, %scan3A_449 : vector<16xf32>
      %sub3A_466 = arith.subf %get3A_460, %get3A_464 : vector<16xf32>
      %mul3A_467 = arith.mulf %sub3A_465, %sub3A_466 : vector<16xf32>
      %sub3A_468 = arith.subf %get3A_460, %scan3A_450 : vector<16xf32>
      %sub3A_469 = arith.subf %get3A_456, %get3A_462 : vector<16xf32>
      %mul3A_470 = arith.mulf %sub3A_468, %sub3A_469 : vector<16xf32>
      %sub3A_471 = arith.subf %mul3A_467, %mul3A_470 : vector<16xf32>
      %ge3A = arith.constant 0.000000e+00 : f32
      %ge3A_472 = vector.broadcast %ge3A : f32 to vector<16xf32>
      %ge3A_473 = arith.cmpf oge, %sub3A_471, %ge3A_472 : vector<16xf32>
      %jit3A_474 = arith.constant 0.000000e+00 : f32
      %jit3A_475 = arith.constant 1.000000e+00 : f32
      %broadcast_in_dim3A = vector.broadcast %jit3A_474 : f32 to vector<16xf32>
      %broadcast_in_dim3A_476 = vector.broadcast %jit3A_475 : f32 to vector<16xf32>
      %select_n3A_477 = arith.select %ge3A_473, %broadcast_in_dim3A, %broadcast_in_dim3A_476 : vector<16xi1>, vector<16xf32>
      %swap3A = arith.index_cast %scan3A_447 : i32 to index
      %swap3A_478 = arith.constant 144 : index
      %swap3A_479 = tpu.vector_load %arg6[%swap3A, %swap3A_478] {strides = array<i32>} : memref<32x256xf32, #tpu.memory_space<vmem>>, vector<16xf32>,
      tpu.vector_store %arg6[%swap3A, %swap3A_478], %select_n3A_477 {strides = array<i32>} : memref<32x256xf32, #tpu.memory_space<vmem>>, vector<16xf32>,
      scf.yield %add3A_452, %get3A_456, %get3A_460 : i32, vector<16xf32>, vector<16xf32>
    }
    %scan3A_287 = arith.constant 32 : i32
    %mul3A_288 = arith.constant 256 : i32
    %mul3A_289 = arith.muli %select_n3A_42, %mul3A_288 : i32
    %add3A_290 = arith.constant 160 : i32
    %add3A_291 = arith.addi %mul3A_289, %add3A_290 : i32
    %add3A_292 = arith.constant 160 : i32
    %add3A_293 = arith.addi %mul3A_49, %add3A_292 : i32
    %add3A_294 = arith.constant 1 : i32
    %add3A_295 = arith.addi %add3A_293, %add3A_294 : i32
    %get3A_296 = arith.index_cast %add3A_295 : i32 to index
    %get3A_297 = tpu.vector_load %arg4[%get3A_296] {strides = array<i32>} : memref<10240xf32, #tpu.memory_space<vmem>>, vector<16xf32>,
    %add3A_298 = arith.constant 160 : i32
    %add3A_299 = arith.addi %mul3A_49, %add3A_298 : i32
    %add3A_300 = arith.constant 1 : i32
    %add3A_301 = arith.addi %add3A_299, %add3A_300 : i32
    %get3A_302 = arith.index_cast %add3A_301 : i32 to index
    %get3A_303 = tpu.vector_load %arg5[%get3A_302] {strides = array<i32>} : memref<10240xf32, #tpu.memory_space<vmem>>, vector<16xf32>,
    %sub3A_304 = arith.constant 256 : i32
    %sub3A_305 = arith.subi %add3A_291, %sub3A_304 : i32
    %scan3A_306 = arith.constant 0 : i32
    %scan3A_307 = arith.constant 32 : i32
    %scan3A_308 = arith.addi %scan3A_306, %scan3A_307 : i32
    %scan3A_309 = arith.constant 1 : i32
    %scan3A_310:3 = scf.for %scan3A_447 = %scan3A_306 to %scan3A_308 step %scan3A_309 iter_args(%scan3A_448 = %sub3A_305, %scan3A_449 = %get3A_297, %scan3A_450 = %get3A_303) -> (i32, vector<16xf32>, vector<16xf32>)  : i32 {
      %add3A_451 = arith.constant 256 : i32
      %add3A_452 = arith.addi %scan3A_448, %add3A_451 : i32
      %add3A_453 = arith.constant 1 : i32
      %add3A_454 = arith.addi %add3A_452, %add3A_453 : i32
      %get3A_455 = arith.index_cast %add3A_454 : i32 to index
      %get3A_456 = tpu.vector_load %arg4[%get3A_455] {strides = array<i32>} : memref<10240xf32, #tpu.memory_space<vmem>>, vector<16xf32>,
      %add3A_457 = arith.constant 1 : i32
      %add3A_458 = arith.addi %add3A_452, %add3A_457 : i32
      %get3A_459 = arith.index_cast %add3A_458 : i32 to index
      %get3A_460 = tpu.vector_load %arg5[%get3A_459] {strides = array<i32>} : memref<10240xf32, #tpu.memory_space<vmem>>, vector<16xf32>,
      %get3A_461 = arith.index_cast %add3A_452 : i32 to index
      %get3A_462 = tpu.vector_load %arg4[%get3A_461] {strides = array<i32>} : memref<10240xf32, #tpu.memory_space<vmem>>, vector<16xf32>,
      %get3A_463 = arith.index_cast %add3A_452 : i32 to index
      %get3A_464 = tpu.vector_load %arg5[%get3A_463] {strides = array<i32>} : memref<10240xf32, #tpu.memory_space<vmem>>, vector<16xf32>,
      %sub3A_465 = arith.subf %get3A_456, %scan3A_449 : vector<16xf32>
      %sub3A_466 = arith.subf %get3A_460, %get3A_464 : vector<16xf32>
      %mul3A_467 = arith.mulf %sub3A_465, %sub3A_466 : vector<16xf32>
      %sub3A_468 = arith.subf %get3A_460, %scan3A_450 : vector<16xf32>
      %sub3A_469 = arith.subf %get3A_456, %get3A_462 : vector<16xf32>
      %mul3A_470 = arith.mulf %sub3A_468, %sub3A_469 : vector<16xf32>
      %sub3A_471 = arith.subf %mul3A_467, %mul3A_470 : vector<16xf32>
      %ge3A = arith.constant 0.000000e+00 : f32
      %ge3A_472 = vector.broadcast %ge3A : f32 to vector<16xf32>
      %ge3A_473 = arith.cmpf oge, %sub3A_471, %ge3A_472 : vector<16xf32>
      %jit3A_474 = arith.constant 0.000000e+00 : f32
      %jit3A_475 = arith.constant 1.000000e+00 : f32
      %broadcast_in_dim3A = vector.broadcast %jit3A_474 : f32 to vector<16xf32>
      %broadcast_in_dim3A_476 = vector.broadcast %jit3A_475 : f32 to vector<16xf32>
      %select_n3A_477 = arith.select %ge3A_473, %broadcast_in_dim3A, %broadcast_in_dim3A_476 : vector<16xi1>, vector<16xf32>
      %swap3A = arith.index_cast %scan3A_447 : i32 to index
      %swap3A_478 = arith.constant 160 : index
      %swap3A_479 = tpu.vector_load %arg6[%swap3A, %swap3A_478] {strides = array<i32>} : memref<32x256xf32, #tpu.memory_space<vmem>>, vector<16xf32>,
      tpu.vector_store %arg6[%swap3A, %swap3A_478], %select_n3A_477 {strides = array<i32>} : memref<32x256xf32, #tpu.memory_space<vmem>>, vector<16xf32>,
      scf.yield %add3A_452, %get3A_456, %get3A_460 : i32, vector<16xf32>, vector<16xf32>
    }
    %scan3A_311 = arith.constant 32 : i32
    %mul3A_312 = arith.constant 256 : i32
    %mul3A_313 = arith.muli %select_n3A_42, %mul3A_312 : i32
    %add3A_314 = arith.constant 176 : i32
    %add3A_315 = arith.addi %mul3A_313, %add3A_314 : i32
    %add3A_316 = arith.constant 176 : i32
    %add3A_317 = arith.addi %mul3A_49, %add3A_316 : i32
    %add3A_318 = arith.constant 1 : i32
    %add3A_319 = arith.addi %add3A_317, %add3A_318 : i32
    %get3A_320 = arith.index_cast %add3A_319 : i32 to index
    %get3A_321 = tpu.vector_load %arg4[%get3A_320] {strides = array<i32>} : memref<10240xf32, #tpu.memory_space<vmem>>, vector<16xf32>,
    %add3A_322 = arith.constant 176 : i32
    %add3A_323 = arith.addi %mul3A_49, %add3A_322 : i32
    %add3A_324 = arith.constant 1 : i32
    %add3A_325 = arith.addi %add3A_323, %add3A_324 : i32
    %get3A_326 = arith.index_cast %add3A_325 : i32 to index
    %get3A_327 = tpu.vector_load %arg5[%get3A_326] {strides = array<i32>} : memref<10240xf32, #tpu.memory_space<vmem>>, vector<16xf32>,
    %sub3A_328 = arith.constant 256 : i32
    %sub3A_329 = arith.subi %add3A_315, %sub3A_328 : i32
    %scan3A_330 = arith.constant 0 : i32
    %scan3A_331 = arith.constant 32 : i32
    %scan3A_332 = arith.addi %scan3A_330, %scan3A_331 : i32
    %scan3A_333 = arith.constant 1 : i32
    %scan3A_334:3 = scf.for %scan3A_447 = %scan3A_330 to %scan3A_332 step %scan3A_333 iter_args(%scan3A_448 = %sub3A_329, %scan3A_449 = %get3A_321, %scan3A_450 = %get3A_327) -> (i32, vector<16xf32>, vector<16xf32>)  : i32 {
      %add3A_451 = arith.constant 256 : i32
      %add3A_452 = arith.addi %scan3A_448, %add3A_451 : i32
      %add3A_453 = arith.constant 1 : i32
      %add3A_454 = arith.addi %add3A_452, %add3A_453 : i32
      %get3A_455 = arith.index_cast %add3A_454 : i32 to index
      %get3A_456 = tpu.vector_load %arg4[%get3A_455] {strides = array<i32>} : memref<10240xf32, #tpu.memory_space<vmem>>, vector<16xf32>,
      %add3A_457 = arith.constant 1 : i32
      %add3A_458 = arith.addi %add3A_452, %add3A_457 : i32
      %get3A_459 = arith.index_cast %add3A_458 : i32 to index
      %get3A_460 = tpu.vector_load %arg5[%get3A_459] {strides = array<i32>} : memref<10240xf32, #tpu.memory_space<vmem>>, vector<16xf32>,
      %get3A_461 = arith.index_cast %add3A_452 : i32 to index
      %get3A_462 = tpu.vector_load %arg4[%get3A_461] {strides = array<i32>} : memref<10240xf32, #tpu.memory_space<vmem>>, vector<16xf32>,
      %get3A_463 = arith.index_cast %add3A_452 : i32 to index
      %get3A_464 = tpu.vector_load %arg5[%get3A_463] {strides = array<i32>} : memref<10240xf32, #tpu.memory_space<vmem>>, vector<16xf32>,
      %sub3A_465 = arith.subf %get3A_456, %scan3A_449 : vector<16xf32>
      %sub3A_466 = arith.subf %get3A_460, %get3A_464 : vector<16xf32>
      %mul3A_467 = arith.mulf %sub3A_465, %sub3A_466 : vector<16xf32>
      %sub3A_468 = arith.subf %get3A_460, %scan3A_450 : vector<16xf32>
      %sub3A_469 = arith.subf %get3A_456, %get3A_462 : vector<16xf32>
      %mul3A_470 = arith.mulf %sub3A_468, %sub3A_469 : vector<16xf32>
      %sub3A_471 = arith.subf %mul3A_467, %mul3A_470 : vector<16xf32>
      %ge3A = arith.constant 0.000000e+00 : f32
      %ge3A_472 = vector.broadcast %ge3A : f32 to vector<16xf32>
      %ge3A_473 = arith.cmpf oge, %sub3A_471, %ge3A_472 : vector<16xf32>
      %jit3A_474 = arith.constant 0.000000e+00 : f32
      %jit3A_475 = arith.constant 1.000000e+00 : f32
      %broadcast_in_dim3A = vector.broadcast %jit3A_474 : f32 to vector<16xf32>
      %broadcast_in_dim3A_476 = vector.broadcast %jit3A_475 : f32 to vector<16xf32>
      %select_n3A_477 = arith.select %ge3A_473, %broadcast_in_dim3A, %broadcast_in_dim3A_476 : vector<16xi1>, vector<16xf32>
      %swap3A = arith.index_cast %scan3A_447 : i32 to index
      %swap3A_478 = arith.constant 176 : index
      %swap3A_479 = tpu.vector_load %arg6[%swap3A, %swap3A_478] {strides = array<i32>} : memref<32x256xf32, #tpu.memory_space<vmem>>, vector<16xf32>,
      tpu.vector_store %arg6[%swap3A, %swap3A_478], %select_n3A_477 {strides = array<i32>} : memref<32x256xf32, #tpu.memory_space<vmem>>, vector<16xf32>,
      scf.yield %add3A_452, %get3A_456, %get3A_460 : i32, vector<16xf32>, vector<16xf32>
    }
    %scan3A_335 = arith.constant 32 : i32
    %mul3A_336 = arith.constant 256 : i32
    %mul3A_337 = arith.muli %select_n3A_42, %mul3A_336 : i32
    %add3A_338 = arith.constant 192 : i32
    %add3A_339 = arith.addi %mul3A_337, %add3A_338 : i32
    %add3A_340 = arith.constant 192 : i32
    %add3A_341 = arith.addi %mul3A_49, %add3A_340 : i32
    %add3A_342 = arith.constant 1 : i32
    %add3A_343 = arith.addi %add3A_341, %add3A_342 : i32
    %get3A_344 = arith.index_cast %add3A_343 : i32 to index
    %get3A_345 = tpu.vector_load %arg4[%get3A_344] {strides = array<i32>} : memref<10240xf32, #tpu.memory_space<vmem>>, vector<16xf32>,
    %add3A_346 = arith.constant 192 : i32
    %add3A_347 = arith.addi %mul3A_49, %add3A_346 : i32
    %add3A_348 = arith.constant 1 : i32
    %add3A_349 = arith.addi %add3A_347, %add3A_348 : i32
    %get3A_350 = arith.index_cast %add3A_349 : i32 to index
    %get3A_351 = tpu.vector_load %arg5[%get3A_350] {strides = array<i32>} : memref<10240xf32, #tpu.memory_space<vmem>>, vector<16xf32>,
    %sub3A_352 = arith.constant 256 : i32
    %sub3A_353 = arith.subi %add3A_339, %sub3A_352 : i32
    %scan3A_354 = arith.constant 0 : i32
    %scan3A_355 = arith.constant 32 : i32
    %scan3A_356 = arith.addi %scan3A_354, %scan3A_355 : i32
    %scan3A_357 = arith.constant 1 : i32
    %scan3A_358:3 = scf.for %scan3A_447 = %scan3A_354 to %scan3A_356 step %scan3A_357 iter_args(%scan3A_448 = %sub3A_353, %scan3A_449 = %get3A_345, %scan3A_450 = %get3A_351) -> (i32, vector<16xf32>, vector<16xf32>)  : i32 {
      %add3A_451 = arith.constant 256 : i32
      %add3A_452 = arith.addi %scan3A_448, %add3A_451 : i32
      %add3A_453 = arith.constant 1 : i32
      %add3A_454 = arith.addi %add3A_452, %add3A_453 : i32
      %get3A_455 = arith.index_cast %add3A_454 : i32 to index
      %get3A_456 = tpu.vector_load %arg4[%get3A_455] {strides = array<i32>} : memref<10240xf32, #tpu.memory_space<vmem>>, vector<16xf32>,
      %add3A_457 = arith.constant 1 : i32
      %add3A_458 = arith.addi %add3A_452, %add3A_457 : i32
      %get3A_459 = arith.index_cast %add3A_458 : i32 to index
      %get3A_460 = tpu.vector_load %arg5[%get3A_459] {strides = array<i32>} : memref<10240xf32, #tpu.memory_space<vmem>>, vector<16xf32>,
      %get3A_461 = arith.index_cast %add3A_452 : i32 to index
      %get3A_462 = tpu.vector_load %arg4[%get3A_461] {strides = array<i32>} : memref<10240xf32, #tpu.memory_space<vmem>>, vector<16xf32>,
      %get3A_463 = arith.index_cast %add3A_452 : i32 to index
      %get3A_464 = tpu.vector_load %arg5[%get3A_463] {strides = array<i32>} : memref<10240xf32, #tpu.memory_space<vmem>>, vector<16xf32>,
      %sub3A_465 = arith.subf %get3A_456, %scan3A_449 : vector<16xf32>
      %sub3A_466 = arith.subf %get3A_460, %get3A_464 : vector<16xf32>
      %mul3A_467 = arith.mulf %sub3A_465, %sub3A_466 : vector<16xf32>
      %sub3A_468 = arith.subf %get3A_460, %scan3A_450 : vector<16xf32>
      %sub3A_469 = arith.subf %get3A_456, %get3A_462 : vector<16xf32>
      %mul3A_470 = arith.mulf %sub3A_468, %sub3A_469 : vector<16xf32>
      %sub3A_471 = arith.subf %mul3A_467, %mul3A_470 : vector<16xf32>
      %ge3A = arith.constant 0.000000e+00 : f32
      %ge3A_472 = vector.broadcast %ge3A : f32 to vector<16xf32>
      %ge3A_473 = arith.cmpf oge, %sub3A_471, %ge3A_472 : vector<16xf32>
      %jit3A_474 = arith.constant 0.000000e+00 : f32
      %jit3A_475 = arith.constant 1.000000e+00 : f32
      %broadcast_in_dim3A = vector.broadcast %jit3A_474 : f32 to vector<16xf32>
      %broadcast_in_dim3A_476 = vector.broadcast %jit3A_475 : f32 to vector<16xf32>
      %select_n3A_477 = arith.select %ge3A_473, %broadcast_in_dim3A, %broadcast_in_dim3A_476 : vector<16xi1>, vector<16xf32>
      %swap3A = arith.index_cast %scan3A_447 : i32 to index
      %swap3A_478 = arith.constant 192 : index
      %swap3A_479 = tpu.vector_load %arg6[%swap3A, %swap3A_478] {strides = array<i32>} : memref<32x256xf32, #tpu.memory_space<vmem>>, vector<16xf32>,
      tpu.vector_store %arg6[%swap3A, %swap3A_478], %select_n3A_477 {strides = array<i32>} : memref<32x256xf32, #tpu.memory_space<vmem>>, vector<16xf32>,
      scf.yield %add3A_452, %get3A_456, %get3A_460 : i32, vector<16xf32>, vector<16xf32>
    }
    %scan3A_359 = arith.constant 32 : i32
    %mul3A_360 = arith.constant 256 : i32
    %mul3A_361 = arith.muli %select_n3A_42, %mul3A_360 : i32
    %add3A_362 = arith.constant 208 : i32
    %add3A_363 = arith.addi %mul3A_361, %add3A_362 : i32
    %add3A_364 = arith.constant 208 : i32
    %add3A_365 = arith.addi %mul3A_49, %add3A_364 : i32
    %add3A_366 = arith.constant 1 : i32
    %add3A_367 = arith.addi %add3A_365, %add3A_366 : i32
    %get3A_368 = arith.index_cast %add3A_367 : i32 to index
    %get3A_369 = tpu.vector_load %arg4[%get3A_368] {strides = array<i32>} : memref<10240xf32, #tpu.memory_space<vmem>>, vector<16xf32>,
    %add3A_370 = arith.constant 208 : i32
    %add3A_371 = arith.addi %mul3A_49, %add3A_370 : i32
    %add3A_372 = arith.constant 1 : i32
    %add3A_373 = arith.addi %add3A_371, %add3A_372 : i32
    %get3A_374 = arith.index_cast %add3A_373 : i32 to index
    %get3A_375 = tpu.vector_load %arg5[%get3A_374] {strides = array<i32>} : memref<10240xf32, #tpu.memory_space<vmem>>, vector<16xf32>,
    %sub3A_376 = arith.constant 256 : i32
    %sub3A_377 = arith.subi %add3A_363, %sub3A_376 : i32
    %scan3A_378 = arith.constant 0 : i32
    %scan3A_379 = arith.constant 32 : i32
    %scan3A_380 = arith.addi %scan3A_378, %scan3A_379 : i32
    %scan3A_381 = arith.constant 1 : i32
    %scan3A_382:3 = scf.for %scan3A_447 = %scan3A_378 to %scan3A_380 step %scan3A_381 iter_args(%scan3A_448 = %sub3A_377, %scan3A_449 = %get3A_369, %scan3A_450 = %get3A_375) -> (i32, vector<16xf32>, vector<16xf32>)  : i32 {
      %add3A_451 = arith.constant 256 : i32
      %add3A_452 = arith.addi %scan3A_448, %add3A_451 : i32
      %add3A_453 = arith.constant 1 : i32
      %add3A_454 = arith.addi %add3A_452, %add3A_453 : i32
      %get3A_455 = arith.index_cast %add3A_454 : i32 to index
      %get3A_456 = tpu.vector_load %arg4[%get3A_455] {strides = array<i32>} : memref<10240xf32, #tpu.memory_space<vmem>>, vector<16xf32>,
      %add3A_457 = arith.constant 1 : i32
      %add3A_458 = arith.addi %add3A_452, %add3A_457 : i32
      %get3A_459 = arith.index_cast %add3A_458 : i32 to index
      %get3A_460 = tpu.vector_load %arg5[%get3A_459] {strides = array<i32>} : memref<10240xf32, #tpu.memory_space<vmem>>, vector<16xf32>,
      %get3A_461 = arith.index_cast %add3A_452 : i32 to index
      %get3A_462 = tpu.vector_load %arg4[%get3A_461] {strides = array<i32>} : memref<10240xf32, #tpu.memory_space<vmem>>, vector<16xf32>,
      %get3A_463 = arith.index_cast %add3A_452 : i32 to index
      %get3A_464 = tpu.vector_load %arg5[%get3A_463] {strides = array<i32>} : memref<10240xf32, #tpu.memory_space<vmem>>, vector<16xf32>,
      %sub3A_465 = arith.subf %get3A_456, %scan3A_449 : vector<16xf32>
      %sub3A_466 = arith.subf %get3A_460, %get3A_464 : vector<16xf32>
      %mul3A_467 = arith.mulf %sub3A_465, %sub3A_466 : vector<16xf32>
      %sub3A_468 = arith.subf %get3A_460, %scan3A_450 : vector<16xf32>
      %sub3A_469 = arith.subf %get3A_456, %get3A_462 : vector<16xf32>
      %mul3A_470 = arith.mulf %sub3A_468, %sub3A_469 : vector<16xf32>
      %sub3A_471 = arith.subf %mul3A_467, %mul3A_470 : vector<16xf32>
      %ge3A = arith.constant 0.000000e+00 : f32
      %ge3A_472 = vector.broadcast %ge3A : f32 to vector<16xf32>
      %ge3A_473 = arith.cmpf oge, %sub3A_471, %ge3A_472 : vector<16xf32>
      %jit3A_474 = arith.constant 0.000000e+00 : f32
      %jit3A_475 = arith.constant 1.000000e+00 : f32
      %broadcast_in_dim3A = vector.broadcast %jit3A_474 : f32 to vector<16xf32>
      %broadcast_in_dim3A_476 = vector.broadcast %jit3A_475 : f32 to vector<16xf32>
      %select_n3A_477 = arith.select %ge3A_473, %broadcast_in_dim3A, %broadcast_in_dim3A_476 : vector<16xi1>, vector<16xf32>
      %swap3A = arith.index_cast %scan3A_447 : i32 to index
      %swap3A_478 = arith.constant 208 : index
      %swap3A_479 = tpu.vector_load %arg6[%swap3A, %swap3A_478] {strides = array<i32>} : memref<32x256xf32, #tpu.memory_space<vmem>>, vector<16xf32>,
      tpu.vector_store %arg6[%swap3A, %swap3A_478], %select_n3A_477 {strides = array<i32>} : memref<32x256xf32, #tpu.memory_space<vmem>>, vector<16xf32>,
      scf.yield %add3A_452, %get3A_456, %get3A_460 : i32, vector<16xf32>, vector<16xf32>
    }
    %scan3A_383 = arith.constant 32 : i32
    %mul3A_384 = arith.constant 256 : i32
    %mul3A_385 = arith.muli %select_n3A_42, %mul3A_384 : i32
    %add3A_386 = arith.constant 224 : i32
    %add3A_387 = arith.addi %mul3A_385, %add3A_386 : i32
    %add3A_388 = arith.constant 224 : i32
    %add3A_389 = arith.addi %mul3A_49, %add3A_388 : i32
    %add3A_390 = arith.constant 1 : i32
    %add3A_391 = arith.addi %add3A_389, %add3A_390 : i32
    %get3A_392 = arith.index_cast %add3A_391 : i32 to index
    %get3A_393 = tpu.vector_load %arg4[%get3A_392] {strides = array<i32>} : memref<10240xf32, #tpu.memory_space<vmem>>, vector<16xf32>,
    %add3A_394 = arith.constant 224 : i32
    %add3A_395 = arith.addi %mul3A_49, %add3A_394 : i32
    %add3A_396 = arith.constant 1 : i32
    %add3A_397 = arith.addi %add3A_395, %add3A_396 : i32
    %get3A_398 = arith.index_cast %add3A_397 : i32 to index
    %get3A_399 = tpu.vector_load %arg5[%get3A_398] {strides = array<i32>} : memref<10240xf32, #tpu.memory_space<vmem>>, vector<16xf32>,
    %sub3A_400 = arith.constant 256 : i32
    %sub3A_401 = arith.subi %add3A_387, %sub3A_400 : i32
    %scan3A_402 = arith.constant 0 : i32
    %scan3A_403 = arith.constant 32 : i32
    %scan3A_404 = arith.addi %scan3A_402, %scan3A_403 : i32
    %scan3A_405 = arith.constant 1 : i32
    %scan3A_406:3 = scf.for %scan3A_447 = %scan3A_402 to %scan3A_404 step %scan3A_405 iter_args(%scan3A_448 = %sub3A_401, %scan3A_449 = %get3A_393, %scan3A_450 = %get3A_399) -> (i32, vector<16xf32>, vector<16xf32>)  : i32 {
      %add3A_451 = arith.constant 256 : i32
      %add3A_452 = arith.addi %scan3A_448, %add3A_451 : i32
      %add3A_453 = arith.constant 1 : i32
      %add3A_454 = arith.addi %add3A_452, %add3A_453 : i32
      %get3A_455 = arith.index_cast %add3A_454 : i32 to index
      %get3A_456 = tpu.vector_load %arg4[%get3A_455] {strides = array<i32>} : memref<10240xf32, #tpu.memory_space<vmem>>, vector<16xf32>,
      %add3A_457 = arith.constant 1 : i32
      %add3A_458 = arith.addi %add3A_452, %add3A_457 : i32
      %get3A_459 = arith.index_cast %add3A_458 : i32 to index
      %get3A_460 = tpu.vector_load %arg5[%get3A_459] {strides = array<i32>} : memref<10240xf32, #tpu.memory_space<vmem>>, vector<16xf32>,
      %get3A_461 = arith.index_cast %add3A_452 : i32 to index
      %get3A_462 = tpu.vector_load %arg4[%get3A_461] {strides = array<i32>} : memref<10240xf32, #tpu.memory_space<vmem>>, vector<16xf32>,
      %get3A_463 = arith.index_cast %add3A_452 : i32 to index
      %get3A_464 = tpu.vector_load %arg5[%get3A_463] {strides = array<i32>} : memref<10240xf32, #tpu.memory_space<vmem>>, vector<16xf32>,
      %sub3A_465 = arith.subf %get3A_456, %scan3A_449 : vector<16xf32>
      %sub3A_466 = arith.subf %get3A_460, %get3A_464 : vector<16xf32>
      %mul3A_467 = arith.mulf %sub3A_465, %sub3A_466 : vector<16xf32>
      %sub3A_468 = arith.subf %get3A_460, %scan3A_450 : vector<16xf32>
      %sub3A_469 = arith.subf %get3A_456, %get3A_462 : vector<16xf32>
      %mul3A_470 = arith.mulf %sub3A_468, %sub3A_469 : vector<16xf32>
      %sub3A_471 = arith.subf %mul3A_467, %mul3A_470 : vector<16xf32>
      %ge3A = arith.constant 0.000000e+00 : f32
      %ge3A_472 = vector.broadcast %ge3A : f32 to vector<16xf32>
      %ge3A_473 = arith.cmpf oge, %sub3A_471, %ge3A_472 : vector<16xf32>
      %jit3A_474 = arith.constant 0.000000e+00 : f32
      %jit3A_475 = arith.constant 1.000000e+00 : f32
      %broadcast_in_dim3A = vector.broadcast %jit3A_474 : f32 to vector<16xf32>
      %broadcast_in_dim3A_476 = vector.broadcast %jit3A_475 : f32 to vector<16xf32>
      %select_n3A_477 = arith.select %ge3A_473, %broadcast_in_dim3A, %broadcast_in_dim3A_476 : vector<16xi1>, vector<16xf32>
      %swap3A = arith.index_cast %scan3A_447 : i32 to index
      %swap3A_478 = arith.constant 224 : index
      %swap3A_479 = tpu.vector_load %arg6[%swap3A, %swap3A_478] {strides = array<i32>} : memref<32x256xf32, #tpu.memory_space<vmem>>, vector<16xf32>,
      tpu.vector_store %arg6[%swap3A, %swap3A_478], %select_n3A_477 {strides = array<i32>} : memref<32x256xf32, #tpu.memory_space<vmem>>, vector<16xf32>,
      scf.yield %add3A_452, %get3A_456, %get3A_460 : i32, vector<16xf32>, vector<16xf32>
    }
    %scan3A_407 = arith.constant 32 : i32
    %add3A_408 = arith.constant 241 : i32
    %add3A_409 = vector.broadcast %add3A_408 : i32 to vector<16xi32>
    %add3A_410 = arith.addi %iota3A, %add3A_409 : vector<16xi32>
    %min3A = arith.constant 255 : i32
    %min3A_411 = vector.broadcast %min3A : i32 to vector<16xi32>
    %min3A_412 = arith.minsi %add3A_410, %min3A_411 : vector<16xi32>
    %add3A_413 = arith.constant 240 : i32
    %add3A_414 = vector.broadcast %add3A_413 : i32 to vector<16xi32>
    %add3A_415 = arith.addi %iota3A, %add3A_414 : vector<16xi32>
    %min3A_416 = arith.constant 254 : i32
    %min3A_417 = vector.broadcast %min3A_416 : i32 to vector<16xi32>
    %min3A_418 = arith.minsi %add3A_415, %min3A_417 : vector<16xi32>
    %mul3A_419 = arith.constant 256 : i32
    %mul3A_420 = arith.muli %select_n3A_42, %mul3A_419 : i32
    %add3A_421 = vector.broadcast %mul3A_420 : i32 to vector<16xi32>
    %add3A_422 = arith.addi %min3A_412, %add3A_421 : vector<16xi32>
    %mul3A_423 = arith.constant 256 : i32
    %mul3A_424 = arith.muli %select_n3A_42, %mul3A_423 : i32
    %add3A_425 = vector.broadcast %mul3A_424 : i32 to vector<16xi32>
    %add3A_426 = arith.addi %min3A_418, %add3A_425 : vector<16xi32>
    %add3A_427 = vector.broadcast %mul3A_49 : i32 to vector<16xi32>
    %add3A_428 = arith.addi %min3A_412, %add3A_427 : vector<16xi32>
    %gather3A = tpu.vector_load_idx %arg4[%add3A_428] : memref<10240xf32, #tpu.memory_space<vmem>>[vector<16xi32>], vector<16xf32>,
    %add3A_429 = vector.broadcast %mul3A_49 : i32 to vector<16xi32>
    %add3A_430 = arith.addi %min3A_412, %add3A_429 : vector<16xi32>
    %gather3A_431 = tpu.vector_load_idx %arg5[%add3A_430] : memref<10240xf32, #tpu.memory_space<vmem>>[vector<16xi32>], vector<16xf32>,
    %sub3A_432 = arith.constant 256 : i32
    %sub3A_433 = vector.broadcast %sub3A_432 : i32 to vector<16xi32>
    %sub3A_434 = arith.subi %add3A_422, %sub3A_433 : vector<16xi32>
    %scan3A_435 = arith.constant 0 : i32
    %scan3A_436 = arith.constant 32 : i32
    %scan3A_437 = arith.addi %scan3A_435, %scan3A_436 : i32
    %scan3A_438 = arith.constant 1 : i32
    %scan3A_439:3 = scf.for %scan3A_447 = %scan3A_435 to %scan3A_437 step %scan3A_438 iter_args(%scan3A_448 = %sub3A_434, %scan3A_449 = %gather3A, %scan3A_450 = %gather3A_431) -> (vector<16xi32>, vector<16xf32>, vector<16xf32>)  : i32 {
      %add3A_451 = arith.constant 256 : i32
      %add3A_452 = vector.broadcast %add3A_451 : i32 to vector<16xi32>
      %add3A_453 = arith.addi %scan3A_448, %add3A_452 : vector<16xi32>
      %sub3A_454 = arith.subi %min3A_418, %min3A_412 : vector<16xi32>
      %add3A_455 = arith.addi %add3A_453, %sub3A_454 : vector<16xi32>
      %gather3A_456 = tpu.vector_load_idx %arg4[%add3A_453] : memref<10240xf32, #tpu.memory_space<vmem>>[vector<16xi32>], vector<16xf32>,
      %gather3A_457 = tpu.vector_load_idx %arg5[%add3A_453] : memref<10240xf32, #tpu.memory_space<vmem>>[vector<16xi32>], vector<16xf32>,
      %gather3A_458 = tpu.vector_load_idx %arg4[%add3A_455] : memref<10240xf32, #tpu.memory_space<vmem>>[vector<16xi32>], vector<16xf32>,
      %gather3A_459 = tpu.vector_load_idx %arg5[%add3A_455] : memref<10240xf32, #tpu.memory_space<vmem>>[vector<16xi32>], vector<16xf32>,
      %sub3A_460 = arith.subf %gather3A_456, %scan3A_449 : vector<16xf32>
      %sub3A_461 = arith.subf %gather3A_457, %gather3A_459 : vector<16xf32>
      %mul3A_462 = arith.mulf %sub3A_460, %sub3A_461 : vector<16xf32>
      %sub3A_463 = arith.subf %gather3A_457, %scan3A_450 : vector<16xf32>
      %sub3A_464 = arith.subf %gather3A_456, %gather3A_458 : vector<16xf32>
      %mul3A_465 = arith.mulf %sub3A_463, %sub3A_464 : vector<16xf32>
      %sub3A_466 = arith.subf %mul3A_462, %mul3A_465 : vector<16xf32>
      %ge3A = arith.constant 0.000000e+00 : f32
      %ge3A_467 = vector.broadcast %ge3A : f32 to vector<16xf32>
      %ge3A_468 = arith.cmpf oge, %sub3A_466, %ge3A_467 : vector<16xf32>
      %jit3A_469 = arith.constant 0.000000e+00 : f32
      %jit3A_470 = arith.constant 1.000000e+00 : f32
      %broadcast_in_dim3A = vector.broadcast %jit3A_469 : f32 to vector<16xf32>
      %broadcast_in_dim3A_471 = vector.broadcast %jit3A_470 : f32 to vector<16xf32>
      %select_n3A_472 = arith.select %ge3A_468, %broadcast_in_dim3A, %broadcast_in_dim3A_471 : vector<16xi1>, vector<16xf32>
      %swap3A = arith.index_cast %scan3A_447 : i32 to index
      %swap3A_473 = arith.constant 240 : index
      %swap3A_474 = tpu.vector_load %arg6[%swap3A, %swap3A_473] {strides = array<i32>} : memref<32x256xf32, #tpu.memory_space<vmem>>, vector<16xf32>,
      tpu.vector_store %arg6[%swap3A, %swap3A_473], %select_n3A_472 {strides = array<i32>} : memref<32x256xf32, #tpu.memory_space<vmem>>, vector<16xf32>,
      scf.yield %add3A_453, %gather3A_456, %gather3A_457 : vector<16xi32>, vector<16xf32>, vector<16xf32>
    }
    %scan3A_440 = arith.constant 32 : i32
    %eq3A_441 = arith.constant 0 : i32
    %eq3A_442 = arith.cmpi eq, %select_n3A_30, %eq3A_441 : i32
    %convert_element_type3A = arith.extui %eq3A_442 : i1 to i32
    %cond3A = arith.constant 0 : i32
    %cond3A_443 = arith.cmpi ne, %convert_element_type3A, %cond3A : i32
    scf.if %cond3A_443 {
      %add3A_447 = arith.constant 0 : i32
      %add3A_448 = vector.broadcast %add3A_447 : i32 to vector<16xi32>
      %add3A_449 = arith.addi %iota3A, %add3A_448 : vector<16xi32>
      %max3A_450 = arith.constant 1 : i32
      %max3A_451 = vector.broadcast %max3A_450 : i32 to vector<16xi32>
      %max3A_452 = arith.maxsi %add3A_449, %max3A_451 : vector<16xi32>
      %sub3A_453 = arith.constant 1 : i32
      %sub3A_454 = vector.broadcast %sub3A_453 : i32 to vector<16xi32>
      %sub3A_455 = arith.subi %max3A_452, %sub3A_454 : vector<16xi32>
      %gather3A_456 = tpu.vector_load_idx %arg4[%max3A_452] : memref<10240xf32, #tpu.memory_space<vmem>>[vector<16xi32>], vector<16xf32>,
      %gather3A_457 = tpu.vector_load_idx %arg5[%max3A_452] : memref<10240xf32, #tpu.memory_space<vmem>>[vector<16xi32>], vector<16xf32>,
      %gather3A_458 = tpu.vector_load_idx %arg4[%sub3A_455] : memref<10240xf32, #tpu.memory_space<vmem>>[vector<16xi32>], vector<16xf32>,
      %gather3A_459 = tpu.vector_load_idx %arg5[%sub3A_455] : memref<10240xf32, #tpu.memory_space<vmem>>[vector<16xi32>], vector<16xf32>,
      %add3A_460 = arith.constant 256 : i32
      %add3A_461 = vector.broadcast %add3A_460 : i32 to vector<16xi32>
      %add3A_462 = arith.addi %sub3A_455, %add3A_461 : vector<16xi32>
      %gather3A_463 = tpu.vector_load_idx %arg4[%add3A_462] : memref<10240xf32, #tpu.memory_space<vmem>>[vector<16xi32>], vector<16xf32>,
      %add3A_464 = arith.constant 256 : i32
      %add3A_465 = vector.broadcast %add3A_464 : i32 to vector<16xi32>
      %add3A_466 = arith.addi %sub3A_455, %add3A_465 : vector<16xi32>
      %gather3A_467 = tpu.vector_load_idx %arg5[%add3A_466] : memref<10240xf32, #tpu.memory_space<vmem>>[vector<16xi32>], vector<16xf32>,
      %sub3A_468 = arith.subf %gather3A_456, %gather3A_458 : vector<16xf32>
      %sub3A_469 = arith.subf %gather3A_457, %gather3A_467 : vector<16xf32>
      %mul3A_470 = arith.mulf %sub3A_468, %sub3A_469 : vector<16xf32>
      %sub3A_471 = arith.subf %gather3A_457, %gather3A_459 : vector<16xf32>
      %sub3A_472 = arith.subf %gather3A_456, %gather3A_463 : vector<16xf32>
      %mul3A_473 = arith.mulf %sub3A_471, %sub3A_472 : vector<16xf32>
      %sub3A_474 = arith.subf %mul3A_470, %mul3A_473 : vector<16xf32>
      %ge3A = arith.constant 0.000000e+00 : f32
      %ge3A_475 = vector.broadcast %ge3A : f32 to vector<16xf32>
      %ge3A_476 = arith.cmpf oge, %sub3A_474, %ge3A_475 : vector<16xf32>
      %jit3A_477 = arith.constant 0.000000e+00 : f32
      %jit3A_478 = arith.constant 1.000000e+00 : f32
      %broadcast_in_dim3A = vector.broadcast %jit3A_477 : f32 to vector<16xf32>
      %broadcast_in_dim3A_479 = vector.broadcast %jit3A_478 : f32 to vector<16xf32>
      %select_n3A_480 = arith.select %ge3A_476, %broadcast_in_dim3A, %broadcast_in_dim3A_479 : vector<16xi1>, vector<16xf32>
      %swap3A = arith.constant 0 : i32
      %swap3A_481 = arith.index_cast %swap3A : i32 to index
      %swap3A_482 = arith.constant 0 : index
      %swap3A_483 = tpu.vector_load %arg6[%swap3A_481, %swap3A_482] {strides = array<i32>} : memref<32x256xf32, #tpu.memory_space<vmem>>, vector<16xf32>,
      tpu.vector_store %arg6[%swap3A_481, %swap3A_482], %select_n3A_480 {strides = array<i32>} : memref<32x256xf32, #tpu.memory_space<vmem>>, vector<16xf32>,
      %add3A_484 = arith.constant 16 : i32
      %add3A_485 = vector.broadcast %add3A_484 : i32 to vector<16xi32>
      %add3A_486 = arith.addi %iota3A, %add3A_485 : vector<16xi32>
      %max3A_487 = arith.constant 1 : i32
      %max3A_488 = vector.broadcast %max3A_487 : i32 to vector<16xi32>
      %max3A_489 = arith.maxsi %add3A_486, %max3A_488 : vector<16xi32>
      %sub3A_490 = arith.constant 1 : i32
      %sub3A_491 = vector.broadcast %sub3A_490 : i32 to vector<16xi32>
      %sub3A_492 = arith.subi %max3A_489, %sub3A_491 : vector<16xi32>
      %gather3A_493 = tpu.vector_load_idx %arg4[%max3A_489] : memref<10240xf32, #tpu.memory_space<vmem>>[vector<16xi32>], vector<16xf32>,
      %gather3A_494 = tpu.vector_load_idx %arg5[%max3A_489] : memref<10240xf32, #tpu.memory_space<vmem>>[vector<16xi32>], vector<16xf32>,
      %gather3A_495 = tpu.vector_load_idx %arg4[%sub3A_492] : memref<10240xf32, #tpu.memory_space<vmem>>[vector<16xi32>], vector<16xf32>,
      %gather3A_496 = tpu.vector_load_idx %arg5[%sub3A_492] : memref<10240xf32, #tpu.memory_space<vmem>>[vector<16xi32>], vector<16xf32>,
      %add3A_497 = arith.constant 256 : i32
      %add3A_498 = vector.broadcast %add3A_497 : i32 to vector<16xi32>
      %add3A_499 = arith.addi %sub3A_492, %add3A_498 : vector<16xi32>
      %gather3A_500 = tpu.vector_load_idx %arg4[%add3A_499] : memref<10240xf32, #tpu.memory_space<vmem>>[vector<16xi32>], vector<16xf32>,
      %add3A_501 = arith.constant 256 : i32
      %add3A_502 = vector.broadcast %add3A_501 : i32 to vector<16xi32>
      %add3A_503 = arith.addi %sub3A_492, %add3A_502 : vector<16xi32>
      %gather3A_504 = tpu.vector_load_idx %arg5[%add3A_503] : memref<10240xf32, #tpu.memory_space<vmem>>[vector<16xi32>], vector<16xf32>,
      %sub3A_505 = arith.subf %gather3A_493, %gather3A_495 : vector<16xf32>
      %sub3A_506 = arith.subf %gather3A_494, %gather3A_504 : vector<16xf32>
      %mul3A_507 = arith.mulf %sub3A_505, %sub3A_506 : vector<16xf32>
      %sub3A_508 = arith.subf %gather3A_494, %gather3A_496 : vector<16xf32>
      %sub3A_509 = arith.subf %gather3A_493, %gather3A_500 : vector<16xf32>
      %mul3A_510 = arith.mulf %sub3A_508, %sub3A_509 : vector<16xf32>
      %sub3A_511 = arith.subf %mul3A_507, %mul3A_510 : vector<16xf32>
      %ge3A_512 = arith.constant 0.000000e+00 : f32
      %ge3A_513 = vector.broadcast %ge3A_512 : f32 to vector<16xf32>
      %ge3A_514 = arith.cmpf oge, %sub3A_511, %ge3A_513 : vector<16xf32>
      %jit3A_515 = arith.constant 0.000000e+00 : f32
      %jit3A_516 = arith.constant 1.000000e+00 : f32
      %broadcast_in_dim3A_517 = vector.broadcast %jit3A_515 : f32 to vector<16xf32>
      %broadcast_in_dim3A_518 = vector.broadcast %jit3A_516 : f32 to vector<16xf32>
      %select_n3A_519 = arith.select %ge3A_514, %broadcast_in_dim3A_517, %broadcast_in_dim3A_518 : vector<16xi1>, vector<16xf32>
      %swap3A_520 = arith.constant 0 : i32
      %swap3A_521 = arith.index_cast %swap3A_520 : i32 to index
      %swap3A_522 = arith.constant 16 : index
      %swap3A_523 = tpu.vector_load %arg6[%swap3A_521, %swap3A_522] {strides = array<i32>} : memref<32x256xf32, #tpu.memory_space<vmem>>, vector<16xf32>,
      tpu.vector_store %arg6[%swap3A_521, %swap3A_522], %select_n3A_519 {strides = array<i32>} : memref<32x256xf32, #tpu.memory_space<vmem>>, vector<16xf32>,
      %add3A_524 = arith.constant 32 : i32
      %add3A_525 = vector.broadcast %add3A_524 : i32 to vector<16xi32>
      %add3A_526 = arith.addi %iota3A, %add3A_525 : vector<16xi32>
      %max3A_527 = arith.constant 1 : i32
      %max3A_528 = vector.broadcast %max3A_527 : i32 to vector<16xi32>
      %max3A_529 = arith.maxsi %add3A_526, %max3A_528 : vector<16xi32>
      %sub3A_530 = arith.constant 1 : i32
      %sub3A_531 = vector.broadcast %sub3A_530 : i32 to vector<16xi32>
      %sub3A_532 = arith.subi %max3A_529, %sub3A_531 : vector<16xi32>
      %gather3A_533 = tpu.vector_load_idx %arg4[%max3A_529] : memref<10240xf32, #tpu.memory_space<vmem>>[vector<16xi32>], vector<16xf32>,
      %gather3A_534 = tpu.vector_load_idx %arg5[%max3A_529] : memref<10240xf32, #tpu.memory_space<vmem>>[vector<16xi32>], vector<16xf32>,
      %gather3A_535 = tpu.vector_load_idx %arg4[%sub3A_532] : memref<10240xf32, #tpu.memory_space<vmem>>[vector<16xi32>], vector<16xf32>,
      %gather3A_536 = tpu.vector_load_idx %arg5[%sub3A_532] : memref<10240xf32, #tpu.memory_space<vmem>>[vector<16xi32>], vector<16xf32>,
      %add3A_537 = arith.constant 256 : i32
      %add3A_538 = vector.broadcast %add3A_537 : i32 to vector<16xi32>
      %add3A_539 = arith.addi %sub3A_532, %add3A_538 : vector<16xi32>
      %gather3A_540 = tpu.vector_load_idx %arg4[%add3A_539] : memref<10240xf32, #tpu.memory_space<vmem>>[vector<16xi32>], vector<16xf32>,
      %add3A_541 = arith.constant 256 : i32
      %add3A_542 = vector.broadcast %add3A_541 : i32 to vector<16xi32>
      %add3A_543 = arith.addi %sub3A_532, %add3A_542 : vector<16xi32>
      %gather3A_544 = tpu.vector_load_idx %arg5[%add3A_543] : memref<10240xf32, #tpu.memory_space<vmem>>[vector<16xi32>], vector<16xf32>,
      %sub3A_545 = arith.subf %gather3A_533, %gather3A_535 : vector<16xf32>
      %sub3A_546 = arith.subf %gather3A_534, %gather3A_544 : vector<16xf32>
      %mul3A_547 = arith.mulf %sub3A_545, %sub3A_546 : vector<16xf32>
      %sub3A_548 = arith.subf %gather3A_534, %gather3A_536 : vector<16xf32>
      %sub3A_549 = arith.subf %gather3A_533, %gather3A_540 : vector<16xf32>
      %mul3A_550 = arith.mulf %sub3A_548, %sub3A_549 : vector<16xf32>
      %sub3A_551 = arith.subf %mul3A_547, %mul3A_550 : vector<16xf32>
      %ge3A_552 = arith.constant 0.000000e+00 : f32
      %ge3A_553 = vector.broadcast %ge3A_552 : f32 to vector<16xf32>
      %ge3A_554 = arith.cmpf oge, %sub3A_551, %ge3A_553 : vector<16xf32>
      %jit3A_555 = arith.constant 0.000000e+00 : f32
      %jit3A_556 = arith.constant 1.000000e+00 : f32
      %broadcast_in_dim3A_557 = vector.broadcast %jit3A_555 : f32 to vector<16xf32>
      %broadcast_in_dim3A_558 = vector.broadcast %jit3A_556 : f32 to vector<16xf32>
      %select_n3A_559 = arith.select %ge3A_554, %broadcast_in_dim3A_557, %broadcast_in_dim3A_558 : vector<16xi1>, vector<16xf32>
      %swap3A_560 = arith.constant 0 : i32
      %swap3A_561 = arith.index_cast %swap3A_560 : i32 to index
      %swap3A_562 = arith.constant 32 : index
      %swap3A_563 = tpu.vector_load %arg6[%swap3A_561, %swap3A_562] {strides = array<i32>} : memref<32x256xf32, #tpu.memory_space<vmem>>, vector<16xf32>,
      tpu.vector_store %arg6[%swap3A_561, %swap3A_562], %select_n3A_559 {strides = array<i32>} : memref<32x256xf32, #tpu.memory_space<vmem>>, vector<16xf32>,
      %add3A_564 = arith.constant 48 : i32
      %add3A_565 = vector.broadcast %add3A_564 : i32 to vector<16xi32>
      %add3A_566 = arith.addi %iota3A, %add3A_565 : vector<16xi32>
      %max3A_567 = arith.constant 1 : i32
      %max3A_568 = vector.broadcast %max3A_567 : i32 to vector<16xi32>
      %max3A_569 = arith.maxsi %add3A_566, %max3A_568 : vector<16xi32>
      %sub3A_570 = arith.constant 1 : i32
      %sub3A_571 = vector.broadcast %sub3A_570 : i32 to vector<16xi32>
      %sub3A_572 = arith.subi %max3A_569, %sub3A_571 : vector<16xi32>
      %gather3A_573 = tpu.vector_load_idx %arg4[%max3A_569] : memref<10240xf32, #tpu.memory_space<vmem>>[vector<16xi32>], vector<16xf32>,
      %gather3A_574 = tpu.vector_load_idx %arg5[%max3A_569] : memref<10240xf32, #tpu.memory_space<vmem>>[vector<16xi32>], vector<16xf32>,
      %gather3A_575 = tpu.vector_load_idx %arg4[%sub3A_572] : memref<10240xf32, #tpu.memory_space<vmem>>[vector<16xi32>], vector<16xf32>,
      %gather3A_576 = tpu.vector_load_idx %arg5[%sub3A_572] : memref<10240xf32, #tpu.memory_space<vmem>>[vector<16xi32>], vector<16xf32>,
      %add3A_577 = arith.constant 256 : i32
      %add3A_578 = vector.broadcast %add3A_577 : i32 to vector<16xi32>
      %add3A_579 = arith.addi %sub3A_572, %add3A_578 : vector<16xi32>
      %gather3A_580 = tpu.vector_load_idx %arg4[%add3A_579] : memref<10240xf32, #tpu.memory_space<vmem>>[vector<16xi32>], vector<16xf32>,
      %add3A_581 = arith.constant 256 : i32
      %add3A_582 = vector.broadcast %add3A_581 : i32 to vector<16xi32>
      %add3A_583 = arith.addi %sub3A_572, %add3A_582 : vector<16xi32>
      %gather3A_584 = tpu.vector_load_idx %arg5[%add3A_583] : memref<10240xf32, #tpu.memory_space<vmem>>[vector<16xi32>], vector<16xf32>,
      %sub3A_585 = arith.subf %gather3A_573, %gather3A_575 : vector<16xf32>
      %sub3A_586 = arith.subf %gather3A_574, %gather3A_584 : vector<16xf32>
      %mul3A_587 = arith.mulf %sub3A_585, %sub3A_586 : vector<16xf32>
      %sub3A_588 = arith.subf %gather3A_574, %gather3A_576 : vector<16xf32>
      %sub3A_589 = arith.subf %gather3A_573, %gather3A_580 : vector<16xf32>
      %mul3A_590 = arith.mulf %sub3A_588, %sub3A_589 : vector<16xf32>
      %sub3A_591 = arith.subf %mul3A_587, %mul3A_590 : vector<16xf32>
      %ge3A_592 = arith.constant 0.000000e+00 : f32
      %ge3A_593 = vector.broadcast %ge3A_592 : f32 to vector<16xf32>
      %ge3A_594 = arith.cmpf oge, %sub3A_591, %ge3A_593 : vector<16xf32>
      %jit3A_595 = arith.constant 0.000000e+00 : f32
      %jit3A_596 = arith.constant 1.000000e+00 : f32
      %broadcast_in_dim3A_597 = vector.broadcast %jit3A_595 : f32 to vector<16xf32>
      %broadcast_in_dim3A_598 = vector.broadcast %jit3A_596 : f32 to vector<16xf32>
      %select_n3A_599 = arith.select %ge3A_594, %broadcast_in_dim3A_597, %broadcast_in_dim3A_598 : vector<16xi1>, vector<16xf32>
      %swap3A_600 = arith.constant 0 : i32
      %swap3A_601 = arith.index_cast %swap3A_600 : i32 to index
      %swap3A_602 = arith.constant 48 : index
      %swap3A_603 = tpu.vector_load %arg6[%swap3A_601, %swap3A_602] {strides = array<i32>} : memref<32x256xf32, #tpu.memory_space<vmem>>, vector<16xf32>,
      tpu.vector_store %arg6[%swap3A_601, %swap3A_602], %select_n3A_599 {strides = array<i32>} : memref<32x256xf32, #tpu.memory_space<vmem>>, vector<16xf32>,
      %add3A_604 = arith.constant 64 : i32
      %add3A_605 = vector.broadcast %add3A_604 : i32 to vector<16xi32>
      %add3A_606 = arith.addi %iota3A, %add3A_605 : vector<16xi32>
      %max3A_607 = arith.constant 1 : i32
      %max3A_608 = vector.broadcast %max3A_607 : i32 to vector<16xi32>
      %max3A_609 = arith.maxsi %add3A_606, %max3A_608 : vector<16xi32>
      %sub3A_610 = arith.constant 1 : i32
      %sub3A_611 = vector.broadcast %sub3A_610 : i32 to vector<16xi32>
      %sub3A_612 = arith.subi %max3A_609, %sub3A_611 : vector<16xi32>
      %gather3A_613 = tpu.vector_load_idx %arg4[%max3A_609] : memref<10240xf32, #tpu.memory_space<vmem>>[vector<16xi32>], vector<16xf32>,
      %gather3A_614 = tpu.vector_load_idx %arg5[%max3A_609] : memref<10240xf32, #tpu.memory_space<vmem>>[vector<16xi32>], vector<16xf32>,
      %gather3A_615 = tpu.vector_load_idx %arg4[%sub3A_612] : memref<10240xf32, #tpu.memory_space<vmem>>[vector<16xi32>], vector<16xf32>,
      %gather3A_616 = tpu.vector_load_idx %arg5[%sub3A_612] : memref<10240xf32, #tpu.memory_space<vmem>>[vector<16xi32>], vector<16xf32>,
      %add3A_617 = arith.constant 256 : i32
      %add3A_618 = vector.broadcast %add3A_617 : i32 to vector<16xi32>
      %add3A_619 = arith.addi %sub3A_612, %add3A_618 : vector<16xi32>
      %gather3A_620 = tpu.vector_load_idx %arg4[%add3A_619] : memref<10240xf32, #tpu.memory_space<vmem>>[vector<16xi32>], vector<16xf32>,
      %add3A_621 = arith.constant 256 : i32
      %add3A_622 = vector.broadcast %add3A_621 : i32 to vector<16xi32>
      %add3A_623 = arith.addi %sub3A_612, %add3A_622 : vector<16xi32>
      %gather3A_624 = tpu.vector_load_idx %arg5[%add3A_623] : memref<10240xf32, #tpu.memory_space<vmem>>[vector<16xi32>], vector<16xf32>,
      %sub3A_625 = arith.subf %gather3A_613, %gather3A_615 : vector<16xf32>
      %sub3A_626 = arith.subf %gather3A_614, %gather3A_624 : vector<16xf32>
      %mul3A_627 = arith.mulf %sub3A_625, %sub3A_626 : vector<16xf32>
      %sub3A_628 = arith.subf %gather3A_614, %gather3A_616 : vector<16xf32>
      %sub3A_629 = arith.subf %gather3A_613, %gather3A_620 : vector<16xf32>
      %mul3A_630 = arith.mulf %sub3A_628, %sub3A_629 : vector<16xf32>
      %sub3A_631 = arith.subf %mul3A_627, %mul3A_630 : vector<16xf32>
      %ge3A_632 = arith.constant 0.000000e+00 : f32
      %ge3A_633 = vector.broadcast %ge3A_632 : f32 to vector<16xf32>
      %ge3A_634 = arith.cmpf oge, %sub3A_631, %ge3A_633 : vector<16xf32>
      %jit3A_635 = arith.constant 0.000000e+00 : f32
      %jit3A_636 = arith.constant 1.000000e+00 : f32
      %broadcast_in_dim3A_637 = vector.broadcast %jit3A_635 : f32 to vector<16xf32>
      %broadcast_in_dim3A_638 = vector.broadcast %jit3A_636 : f32 to vector<16xf32>
      %select_n3A_639 = arith.select %ge3A_634, %broadcast_in_dim3A_637, %broadcast_in_dim3A_638 : vector<16xi1>, vector<16xf32>
      %swap3A_640 = arith.constant 0 : i32
      %swap3A_641 = arith.index_cast %swap3A_640 : i32 to index
      %swap3A_642 = arith.constant 64 : index
      %swap3A_643 = tpu.vector_load %arg6[%swap3A_641, %swap3A_642] {strides = array<i32>} : memref<32x256xf32, #tpu.memory_space<vmem>>, vector<16xf32>,
      tpu.vector_store %arg6[%swap3A_641, %swap3A_642], %select_n3A_639 {strides = array<i32>} : memref<32x256xf32, #tpu.memory_space<vmem>>, vector<16xf32>,
      %add3A_644 = arith.constant 80 : i32
      %add3A_645 = vector.broadcast %add3A_644 : i32 to vector<16xi32>
      %add3A_646 = arith.addi %iota3A, %add3A_645 : vector<16xi32>
      %max3A_647 = arith.constant 1 : i32
      %max3A_648 = vector.broadcast %max3A_647 : i32 to vector<16xi32>
      %max3A_649 = arith.maxsi %add3A_646, %max3A_648 : vector<16xi32>
      %sub3A_650 = arith.constant 1 : i32
      %sub3A_651 = vector.broadcast %sub3A_650 : i32 to vector<16xi32>
      %sub3A_652 = arith.subi %max3A_649, %sub3A_651 : vector<16xi32>
      %gather3A_653 = tpu.vector_load_idx %arg4[%max3A_649] : memref<10240xf32, #tpu.memory_space<vmem>>[vector<16xi32>], vector<16xf32>,
      %gather3A_654 = tpu.vector_load_idx %arg5[%max3A_649] : memref<10240xf32, #tpu.memory_space<vmem>>[vector<16xi32>], vector<16xf32>,
      %gather3A_655 = tpu.vector_load_idx %arg4[%sub3A_652] : memref<10240xf32, #tpu.memory_space<vmem>>[vector<16xi32>], vector<16xf32>,
      %gather3A_656 = tpu.vector_load_idx %arg5[%sub3A_652] : memref<10240xf32, #tpu.memory_space<vmem>>[vector<16xi32>], vector<16xf32>,
      %add3A_657 = arith.constant 256 : i32
      %add3A_658 = vector.broadcast %add3A_657 : i32 to vector<16xi32>
      %add3A_659 = arith.addi %sub3A_652, %add3A_658 : vector<16xi32>
      %gather3A_660 = tpu.vector_load_idx %arg4[%add3A_659] : memref<10240xf32, #tpu.memory_space<vmem>>[vector<16xi32>], vector<16xf32>,
      %add3A_661 = arith.constant 256 : i32
      %add3A_662 = vector.broadcast %add3A_661 : i32 to vector<16xi32>
      %add3A_663 = arith.addi %sub3A_652, %add3A_662 : vector<16xi32>
      %gather3A_664 = tpu.vector_load_idx %arg5[%add3A_663] : memref<10240xf32, #tpu.memory_space<vmem>>[vector<16xi32>], vector<16xf32>,
      %sub3A_665 = arith.subf %gather3A_653, %gather3A_655 : vector<16xf32>
      %sub3A_666 = arith.subf %gather3A_654, %gather3A_664 : vector<16xf32>
      %mul3A_667 = arith.mulf %sub3A_665, %sub3A_666 : vector<16xf32>
      %sub3A_668 = arith.subf %gather3A_654, %gather3A_656 : vector<16xf32>
      %sub3A_669 = arith.subf %gather3A_653, %gather3A_660 : vector<16xf32>
      %mul3A_670 = arith.mulf %sub3A_668, %sub3A_669 : vector<16xf32>
      %sub3A_671 = arith.subf %mul3A_667, %mul3A_670 : vector<16xf32>
      %ge3A_672 = arith.constant 0.000000e+00 : f32
      %ge3A_673 = vector.broadcast %ge3A_672 : f32 to vector<16xf32>
      %ge3A_674 = arith.cmpf oge, %sub3A_671, %ge3A_673 : vector<16xf32>
      %jit3A_675 = arith.constant 0.000000e+00 : f32
      %jit3A_676 = arith.constant 1.000000e+00 : f32
      %broadcast_in_dim3A_677 = vector.broadcast %jit3A_675 : f32 to vector<16xf32>
      %broadcast_in_dim3A_678 = vector.broadcast %jit3A_676 : f32 to vector<16xf32>
      %select_n3A_679 = arith.select %ge3A_674, %broadcast_in_dim3A_677, %broadcast_in_dim3A_678 : vector<16xi1>, vector<16xf32>
      %swap3A_680 = arith.constant 0 : i32
      %swap3A_681 = arith.index_cast %swap3A_680 : i32 to index
      %swap3A_682 = arith.constant 80 : index
      %swap3A_683 = tpu.vector_load %arg6[%swap3A_681, %swap3A_682] {strides = array<i32>} : memref<32x256xf32, #tpu.memory_space<vmem>>, vector<16xf32>,
      tpu.vector_store %arg6[%swap3A_681, %swap3A_682], %select_n3A_679 {strides = array<i32>} : memref<32x256xf32, #tpu.memory_space<vmem>>, vector<16xf32>,
      %add3A_684 = arith.constant 96 : i32
      %add3A_685 = vector.broadcast %add3A_684 : i32 to vector<16xi32>
      %add3A_686 = arith.addi %iota3A, %add3A_685 : vector<16xi32>
      %max3A_687 = arith.constant 1 : i32
      %max3A_688 = vector.broadcast %max3A_687 : i32 to vector<16xi32>
      %max3A_689 = arith.maxsi %add3A_686, %max3A_688 : vector<16xi32>
      %sub3A_690 = arith.constant 1 : i32
      %sub3A_691 = vector.broadcast %sub3A_690 : i32 to vector<16xi32>
      %sub3A_692 = arith.subi %max3A_689, %sub3A_691 : vector<16xi32>
      %gather3A_693 = tpu.vector_load_idx %arg4[%max3A_689] : memref<10240xf32, #tpu.memory_space<vmem>>[vector<16xi32>], vector<16xf32>,
      %gather3A_694 = tpu.vector_load_idx %arg5[%max3A_689] : memref<10240xf32, #tpu.memory_space<vmem>>[vector<16xi32>], vector<16xf32>,
      %gather3A_695 = tpu.vector_load_idx %arg4[%sub3A_692] : memref<10240xf32, #tpu.memory_space<vmem>>[vector<16xi32>], vector<16xf32>,
      %gather3A_696 = tpu.vector_load_idx %arg5[%sub3A_692] : memref<10240xf32, #tpu.memory_space<vmem>>[vector<16xi32>], vector<16xf32>,
      %add3A_697 = arith.constant 256 : i32
      %add3A_698 = vector.broadcast %add3A_697 : i32 to vector<16xi32>
      %add3A_699 = arith.addi %sub3A_692, %add3A_698 : vector<16xi32>
      %gather3A_700 = tpu.vector_load_idx %arg4[%add3A_699] : memref<10240xf32, #tpu.memory_space<vmem>>[vector<16xi32>], vector<16xf32>,
      %add3A_701 = arith.constant 256 : i32
      %add3A_702 = vector.broadcast %add3A_701 : i32 to vector<16xi32>
      %add3A_703 = arith.addi %sub3A_692, %add3A_702 : vector<16xi32>
      %gather3A_704 = tpu.vector_load_idx %arg5[%add3A_703] : memref<10240xf32, #tpu.memory_space<vmem>>[vector<16xi32>], vector<16xf32>,
      %sub3A_705 = arith.subf %gather3A_693, %gather3A_695 : vector<16xf32>
      %sub3A_706 = arith.subf %gather3A_694, %gather3A_704 : vector<16xf32>
      %mul3A_707 = arith.mulf %sub3A_705, %sub3A_706 : vector<16xf32>
      %sub3A_708 = arith.subf %gather3A_694, %gather3A_696 : vector<16xf32>
      %sub3A_709 = arith.subf %gather3A_693, %gather3A_700 : vector<16xf32>
      %mul3A_710 = arith.mulf %sub3A_708, %sub3A_709 : vector<16xf32>
      %sub3A_711 = arith.subf %mul3A_707, %mul3A_710 : vector<16xf32>
      %ge3A_712 = arith.constant 0.000000e+00 : f32
      %ge3A_713 = vector.broadcast %ge3A_712 : f32 to vector<16xf32>
      %ge3A_714 = arith.cmpf oge, %sub3A_711, %ge3A_713 : vector<16xf32>
      %jit3A_715 = arith.constant 0.000000e+00 : f32
      %jit3A_716 = arith.constant 1.000000e+00 : f32
      %broadcast_in_dim3A_717 = vector.broadcast %jit3A_715 : f32 to vector<16xf32>
      %broadcast_in_dim3A_718 = vector.broadcast %jit3A_716 : f32 to vector<16xf32>
      %select_n3A_719 = arith.select %ge3A_714, %broadcast_in_dim3A_717, %broadcast_in_dim3A_718 : vector<16xi1>, vector<16xf32>
      %swap3A_720 = arith.constant 0 : i32
      %swap3A_721 = arith.index_cast %swap3A_720 : i32 to index
      %swap3A_722 = arith.constant 96 : index
      %swap3A_723 = tpu.vector_load %arg6[%swap3A_721, %swap3A_722] {strides = array<i32>} : memref<32x256xf32, #tpu.memory_space<vmem>>, vector<16xf32>,
      tpu.vector_store %arg6[%swap3A_721, %swap3A_722], %select_n3A_719 {strides = array<i32>} : memref<32x256xf32, #tpu.memory_space<vmem>>, vector<16xf32>,
      %add3A_724 = arith.constant 112 : i32
      %add3A_725 = vector.broadcast %add3A_724 : i32 to vector<16xi32>
      %add3A_726 = arith.addi %iota3A, %add3A_725 : vector<16xi32>
      %max3A_727 = arith.constant 1 : i32
      %max3A_728 = vector.broadcast %max3A_727 : i32 to vector<16xi32>
      %max3A_729 = arith.maxsi %add3A_726, %max3A_728 : vector<16xi32>
      %sub3A_730 = arith.constant 1 : i32
      %sub3A_731 = vector.broadcast %sub3A_730 : i32 to vector<16xi32>
      %sub3A_732 = arith.subi %max3A_729, %sub3A_731 : vector<16xi32>
      %gather3A_733 = tpu.vector_load_idx %arg4[%max3A_729] : memref<10240xf32, #tpu.memory_space<vmem>>[vector<16xi32>], vector<16xf32>,
      %gather3A_734 = tpu.vector_load_idx %arg5[%max3A_729] : memref<10240xf32, #tpu.memory_space<vmem>>[vector<16xi32>], vector<16xf32>,
      %gather3A_735 = tpu.vector_load_idx %arg4[%sub3A_732] : memref<10240xf32, #tpu.memory_space<vmem>>[vector<16xi32>], vector<16xf32>,
      %gather3A_736 = tpu.vector_load_idx %arg5[%sub3A_732] : memref<10240xf32, #tpu.memory_space<vmem>>[vector<16xi32>], vector<16xf32>,
      %add3A_737 = arith.constant 256 : i32
      %add3A_738 = vector.broadcast %add3A_737 : i32 to vector<16xi32>
      %add3A_739 = arith.addi %sub3A_732, %add3A_738 : vector<16xi32>
      %gather3A_740 = tpu.vector_load_idx %arg4[%add3A_739] : memref<10240xf32, #tpu.memory_space<vmem>>[vector<16xi32>], vector<16xf32>,
      %add3A_741 = arith.constant 256 : i32
      %add3A_742 = vector.broadcast %add3A_741 : i32 to vector<16xi32>
      %add3A_743 = arith.addi %sub3A_732, %add3A_742 : vector<16xi32>
      %gather3A_744 = tpu.vector_load_idx %arg5[%add3A_743] : memref<10240xf32, #tpu.memory_space<vmem>>[vector<16xi32>], vector<16xf32>,
      %sub3A_745 = arith.subf %gather3A_733, %gather3A_735 : vector<16xf32>
      %sub3A_746 = arith.subf %gather3A_734, %gather3A_744 : vector<16xf32>
      %mul3A_747 = arith.mulf %sub3A_745, %sub3A_746 : vector<16xf32>
      %sub3A_748 = arith.subf %gather3A_734, %gather3A_736 : vector<16xf32>
      %sub3A_749 = arith.subf %gather3A_733, %gather3A_740 : vector<16xf32>
      %mul3A_750 = arith.mulf %sub3A_748, %sub3A_749 : vector<16xf32>
      %sub3A_751 = arith.subf %mul3A_747, %mul3A_750 : vector<16xf32>
      %ge3A_752 = arith.constant 0.000000e+00 : f32
      %ge3A_753 = vector.broadcast %ge3A_752 : f32 to vector<16xf32>
      %ge3A_754 = arith.cmpf oge, %sub3A_751, %ge3A_753 : vector<16xf32>
      %jit3A_755 = arith.constant 0.000000e+00 : f32
      %jit3A_756 = arith.constant 1.000000e+00 : f32
      %broadcast_in_dim3A_757 = vector.broadcast %jit3A_755 : f32 to vector<16xf32>
      %broadcast_in_dim3A_758 = vector.broadcast %jit3A_756 : f32 to vector<16xf32>
      %select_n3A_759 = arith.select %ge3A_754, %broadcast_in_dim3A_757, %broadcast_in_dim3A_758 : vector<16xi1>, vector<16xf32>
      %swap3A_760 = arith.constant 0 : i32
      %swap3A_761 = arith.index_cast %swap3A_760 : i32 to index
      %swap3A_762 = arith.constant 112 : index
      %swap3A_763 = tpu.vector_load %arg6[%swap3A_761, %swap3A_762] {strides = array<i32>} : memref<32x256xf32, #tpu.memory_space<vmem>>, vector<16xf32>,
      tpu.vector_store %arg6[%swap3A_761, %swap3A_762], %select_n3A_759 {strides = array<i32>} : memref<32x256xf32, #tpu.memory_space<vmem>>, vector<16xf32>,
      %add3A_764 = arith.constant 128 : i32
      %add3A_765 = vector.broadcast %add3A_764 : i32 to vector<16xi32>
      %add3A_766 = arith.addi %iota3A, %add3A_765 : vector<16xi32>
      %max3A_767 = arith.constant 1 : i32
      %max3A_768 = vector.broadcast %max3A_767 : i32 to vector<16xi32>
      %max3A_769 = arith.maxsi %add3A_766, %max3A_768 : vector<16xi32>
      %sub3A_770 = arith.constant 1 : i32
      %sub3A_771 = vector.broadcast %sub3A_770 : i32 to vector<16xi32>
      %sub3A_772 = arith.subi %max3A_769, %sub3A_771 : vector<16xi32>
      %gather3A_773 = tpu.vector_load_idx %arg4[%max3A_769] : memref<10240xf32, #tpu.memory_space<vmem>>[vector<16xi32>], vector<16xf32>,
      %gather3A_774 = tpu.vector_load_idx %arg5[%max3A_769] : memref<10240xf32, #tpu.memory_space<vmem>>[vector<16xi32>], vector<16xf32>,
      %gather3A_775 = tpu.vector_load_idx %arg4[%sub3A_772] : memref<10240xf32, #tpu.memory_space<vmem>>[vector<16xi32>], vector<16xf32>,
      %gather3A_776 = tpu.vector_load_idx %arg5[%sub3A_772] : memref<10240xf32, #tpu.memory_space<vmem>>[vector<16xi32>], vector<16xf32>,
      %add3A_777 = arith.constant 256 : i32
      %add3A_778 = vector.broadcast %add3A_777 : i32 to vector<16xi32>
      %add3A_779 = arith.addi %sub3A_772, %add3A_778 : vector<16xi32>
      %gather3A_780 = tpu.vector_load_idx %arg4[%add3A_779] : memref<10240xf32, #tpu.memory_space<vmem>>[vector<16xi32>], vector<16xf32>,
      %add3A_781 = arith.constant 256 : i32
      %add3A_782 = vector.broadcast %add3A_781 : i32 to vector<16xi32>
      %add3A_783 = arith.addi %sub3A_772, %add3A_782 : vector<16xi32>
      %gather3A_784 = tpu.vector_load_idx %arg5[%add3A_783] : memref<10240xf32, #tpu.memory_space<vmem>>[vector<16xi32>], vector<16xf32>,
      %sub3A_785 = arith.subf %gather3A_773, %gather3A_775 : vector<16xf32>
      %sub3A_786 = arith.subf %gather3A_774, %gather3A_784 : vector<16xf32>
      %mul3A_787 = arith.mulf %sub3A_785, %sub3A_786 : vector<16xf32>
      %sub3A_788 = arith.subf %gather3A_774, %gather3A_776 : vector<16xf32>
      %sub3A_789 = arith.subf %gather3A_773, %gather3A_780 : vector<16xf32>
      %mul3A_790 = arith.mulf %sub3A_788, %sub3A_789 : vector<16xf32>
      %sub3A_791 = arith.subf %mul3A_787, %mul3A_790 : vector<16xf32>
      %ge3A_792 = arith.constant 0.000000e+00 : f32
      %ge3A_793 = vector.broadcast %ge3A_792 : f32 to vector<16xf32>
      %ge3A_794 = arith.cmpf oge, %sub3A_791, %ge3A_793 : vector<16xf32>
      %jit3A_795 = arith.constant 0.000000e+00 : f32
      %jit3A_796 = arith.constant 1.000000e+00 : f32
      %broadcast_in_dim3A_797 = vector.broadcast %jit3A_795 : f32 to vector<16xf32>
      %broadcast_in_dim3A_798 = vector.broadcast %jit3A_796 : f32 to vector<16xf32>
      %select_n3A_799 = arith.select %ge3A_794, %broadcast_in_dim3A_797, %broadcast_in_dim3A_798 : vector<16xi1>, vector<16xf32>
      %swap3A_800 = arith.constant 0 : i32
      %swap3A_801 = arith.index_cast %swap3A_800 : i32 to index
      %swap3A_802 = arith.constant 128 : index
      %swap3A_803 = tpu.vector_load %arg6[%swap3A_801, %swap3A_802] {strides = array<i32>} : memref<32x256xf32, #tpu.memory_space<vmem>>, vector<16xf32>,
      tpu.vector_store %arg6[%swap3A_801, %swap3A_802], %select_n3A_799 {strides = array<i32>} : memref<32x256xf32, #tpu.memory_space<vmem>>, vector<16xf32>,
      %add3A_804 = arith.constant 144 : i32
      %add3A_805 = vector.broadcast %add3A_804 : i32 to vector<16xi32>
      %add3A_806 = arith.addi %iota3A, %add3A_805 : vector<16xi32>
      %max3A_807 = arith.constant 1 : i32
      %max3A_808 = vector.broadcast %max3A_807 : i32 to vector<16xi32>
      %max3A_809 = arith.maxsi %add3A_806, %max3A_808 : vector<16xi32>
      %sub3A_810 = arith.constant 1 : i32
      %sub3A_811 = vector.broadcast %sub3A_810 : i32 to vector<16xi32>
      %sub3A_812 = arith.subi %max3A_809, %sub3A_811 : vector<16xi32>
      %gather3A_813 = tpu.vector_load_idx %arg4[%max3A_809] : memref<10240xf32, #tpu.memory_space<vmem>>[vector<16xi32>], vector<16xf32>,
      %gather3A_814 = tpu.vector_load_idx %arg5[%max3A_809] : memref<10240xf32, #tpu.memory_space<vmem>>[vector<16xi32>], vector<16xf32>,
      %gather3A_815 = tpu.vector_load_idx %arg4[%sub3A_812] : memref<10240xf32, #tpu.memory_space<vmem>>[vector<16xi32>], vector<16xf32>,
      %gather3A_816 = tpu.vector_load_idx %arg5[%sub3A_812] : memref<10240xf32, #tpu.memory_space<vmem>>[vector<16xi32>], vector<16xf32>,
      %add3A_817 = arith.constant 256 : i32
      %add3A_818 = vector.broadcast %add3A_817 : i32 to vector<16xi32>
      %add3A_819 = arith.addi %sub3A_812, %add3A_818 : vector<16xi32>
      %gather3A_820 = tpu.vector_load_idx %arg4[%add3A_819] : memref<10240xf32, #tpu.memory_space<vmem>>[vector<16xi32>], vector<16xf32>,
      %add3A_821 = arith.constant 256 : i32
      %add3A_822 = vector.broadcast %add3A_821 : i32 to vector<16xi32>
      %add3A_823 = arith.addi %sub3A_812, %add3A_822 : vector<16xi32>
      %gather3A_824 = tpu.vector_load_idx %arg5[%add3A_823] : memref<10240xf32, #tpu.memory_space<vmem>>[vector<16xi32>], vector<16xf32>,
      %sub3A_825 = arith.subf %gather3A_813, %gather3A_815 : vector<16xf32>
      %sub3A_826 = arith.subf %gather3A_814, %gather3A_824 : vector<16xf32>
      %mul3A_827 = arith.mulf %sub3A_825, %sub3A_826 : vector<16xf32>
      %sub3A_828 = arith.subf %gather3A_814, %gather3A_816 : vector<16xf32>
      %sub3A_829 = arith.subf %gather3A_813, %gather3A_820 : vector<16xf32>
      %mul3A_830 = arith.mulf %sub3A_828, %sub3A_829 : vector<16xf32>
      %sub3A_831 = arith.subf %mul3A_827, %mul3A_830 : vector<16xf32>
      %ge3A_832 = arith.constant 0.000000e+00 : f32
      %ge3A_833 = vector.broadcast %ge3A_832 : f32 to vector<16xf32>
      %ge3A_834 = arith.cmpf oge, %sub3A_831, %ge3A_833 : vector<16xf32>
      %jit3A_835 = arith.constant 0.000000e+00 : f32
      %jit3A_836 = arith.constant 1.000000e+00 : f32
      %broadcast_in_dim3A_837 = vector.broadcast %jit3A_835 : f32 to vector<16xf32>
      %broadcast_in_dim3A_838 = vector.broadcast %jit3A_836 : f32 to vector<16xf32>
      %select_n3A_839 = arith.select %ge3A_834, %broadcast_in_dim3A_837, %broadcast_in_dim3A_838 : vector<16xi1>, vector<16xf32>
      %swap3A_840 = arith.constant 0 : i32
      %swap3A_841 = arith.index_cast %swap3A_840 : i32 to index
      %swap3A_842 = arith.constant 144 : index
      %swap3A_843 = tpu.vector_load %arg6[%swap3A_841, %swap3A_842] {strides = array<i32>} : memref<32x256xf32, #tpu.memory_space<vmem>>, vector<16xf32>,
      tpu.vector_store %arg6[%swap3A_841, %swap3A_842], %select_n3A_839 {strides = array<i32>} : memref<32x256xf32, #tpu.memory_space<vmem>>, vector<16xf32>,
      %add3A_844 = arith.constant 160 : i32
      %add3A_845 = vector.broadcast %add3A_844 : i32 to vector<16xi32>
      %add3A_846 = arith.addi %iota3A, %add3A_845 : vector<16xi32>
      %max3A_847 = arith.constant 1 : i32
      %max3A_848 = vector.broadcast %max3A_847 : i32 to vector<16xi32>
      %max3A_849 = arith.maxsi %add3A_846, %max3A_848 : vector<16xi32>
      %sub3A_850 = arith.constant 1 : i32
      %sub3A_851 = vector.broadcast %sub3A_850 : i32 to vector<16xi32>
      %sub3A_852 = arith.subi %max3A_849, %sub3A_851 : vector<16xi32>
      %gather3A_853 = tpu.vector_load_idx %arg4[%max3A_849] : memref<10240xf32, #tpu.memory_space<vmem>>[vector<16xi32>], vector<16xf32>,
      %gather3A_854 = tpu.vector_load_idx %arg5[%max3A_849] : memref<10240xf32, #tpu.memory_space<vmem>>[vector<16xi32>], vector<16xf32>,
      %gather3A_855 = tpu.vector_load_idx %arg4[%sub3A_852] : memref<10240xf32, #tpu.memory_space<vmem>>[vector<16xi32>], vector<16xf32>,
      %gather3A_856 = tpu.vector_load_idx %arg5[%sub3A_852] : memref<10240xf32, #tpu.memory_space<vmem>>[vector<16xi32>], vector<16xf32>,
      %add3A_857 = arith.constant 256 : i32
      %add3A_858 = vector.broadcast %add3A_857 : i32 to vector<16xi32>
      %add3A_859 = arith.addi %sub3A_852, %add3A_858 : vector<16xi32>
      %gather3A_860 = tpu.vector_load_idx %arg4[%add3A_859] : memref<10240xf32, #tpu.memory_space<vmem>>[vector<16xi32>], vector<16xf32>,
      %add3A_861 = arith.constant 256 : i32
      %add3A_862 = vector.broadcast %add3A_861 : i32 to vector<16xi32>
      %add3A_863 = arith.addi %sub3A_852, %add3A_862 : vector<16xi32>
      %gather3A_864 = tpu.vector_load_idx %arg5[%add3A_863] : memref<10240xf32, #tpu.memory_space<vmem>>[vector<16xi32>], vector<16xf32>,
      %sub3A_865 = arith.subf %gather3A_853, %gather3A_855 : vector<16xf32>
      %sub3A_866 = arith.subf %gather3A_854, %gather3A_864 : vector<16xf32>
      %mul3A_867 = arith.mulf %sub3A_865, %sub3A_866 : vector<16xf32>
      %sub3A_868 = arith.subf %gather3A_854, %gather3A_856 : vector<16xf32>
      %sub3A_869 = arith.subf %gather3A_853, %gather3A_860 : vector<16xf32>
      %mul3A_870 = arith.mulf %sub3A_868, %sub3A_869 : vector<16xf32>
      %sub3A_871 = arith.subf %mul3A_867, %mul3A_870 : vector<16xf32>
      %ge3A_872 = arith.constant 0.000000e+00 : f32
      %ge3A_873 = vector.broadcast %ge3A_872 : f32 to vector<16xf32>
      %ge3A_874 = arith.cmpf oge, %sub3A_871, %ge3A_873 : vector<16xf32>
      %jit3A_875 = arith.constant 0.000000e+00 : f32
      %jit3A_876 = arith.constant 1.000000e+00 : f32
      %broadcast_in_dim3A_877 = vector.broadcast %jit3A_875 : f32 to vector<16xf32>
      %broadcast_in_dim3A_878 = vector.broadcast %jit3A_876 : f32 to vector<16xf32>
      %select_n3A_879 = arith.select %ge3A_874, %broadcast_in_dim3A_877, %broadcast_in_dim3A_878 : vector<16xi1>, vector<16xf32>
      %swap3A_880 = arith.constant 0 : i32
      %swap3A_881 = arith.index_cast %swap3A_880 : i32 to index
      %swap3A_882 = arith.constant 160 : index
      %swap3A_883 = tpu.vector_load %arg6[%swap3A_881, %swap3A_882] {strides = array<i32>} : memref<32x256xf32, #tpu.memory_space<vmem>>, vector<16xf32>,
      tpu.vector_store %arg6[%swap3A_881, %swap3A_882], %select_n3A_879 {strides = array<i32>} : memref<32x256xf32, #tpu.memory_space<vmem>>, vector<16xf32>,
      %add3A_884 = arith.constant 176 : i32
      %add3A_885 = vector.broadcast %add3A_884 : i32 to vector<16xi32>
      %add3A_886 = arith.addi %iota3A, %add3A_885 : vector<16xi32>
      %max3A_887 = arith.constant 1 : i32
      %max3A_888 = vector.broadcast %max3A_887 : i32 to vector<16xi32>
      %max3A_889 = arith.maxsi %add3A_886, %max3A_888 : vector<16xi32>
      %sub3A_890 = arith.constant 1 : i32
      %sub3A_891 = vector.broadcast %sub3A_890 : i32 to vector<16xi32>
      %sub3A_892 = arith.subi %max3A_889, %sub3A_891 : vector<16xi32>
      %gather3A_893 = tpu.vector_load_idx %arg4[%max3A_889] : memref<10240xf32, #tpu.memory_space<vmem>>[vector<16xi32>], vector<16xf32>,
      %gather3A_894 = tpu.vector_load_idx %arg5[%max3A_889] : memref<10240xf32, #tpu.memory_space<vmem>>[vector<16xi32>], vector<16xf32>,
      %gather3A_895 = tpu.vector_load_idx %arg4[%sub3A_892] : memref<10240xf32, #tpu.memory_space<vmem>>[vector<16xi32>], vector<16xf32>,
      %gather3A_896 = tpu.vector_load_idx %arg5[%sub3A_892] : memref<10240xf32, #tpu.memory_space<vmem>>[vector<16xi32>], vector<16xf32>,
      %add3A_897 = arith.constant 256 : i32
      %add3A_898 = vector.broadcast %add3A_897 : i32 to vector<16xi32>
      %add3A_899 = arith.addi %sub3A_892, %add3A_898 : vector<16xi32>
      %gather3A_900 = tpu.vector_load_idx %arg4[%add3A_899] : memref<10240xf32, #tpu.memory_space<vmem>>[vector<16xi32>], vector<16xf32>,
      %add3A_901 = arith.constant 256 : i32
      %add3A_902 = vector.broadcast %add3A_901 : i32 to vector<16xi32>
      %add3A_903 = arith.addi %sub3A_892, %add3A_902 : vector<16xi32>
      %gather3A_904 = tpu.vector_load_idx %arg5[%add3A_903] : memref<10240xf32, #tpu.memory_space<vmem>>[vector<16xi32>], vector<16xf32>,
      %sub3A_905 = arith.subf %gather3A_893, %gather3A_895 : vector<16xf32>
      %sub3A_906 = arith.subf %gather3A_894, %gather3A_904 : vector<16xf32>
      %mul3A_907 = arith.mulf %sub3A_905, %sub3A_906 : vector<16xf32>
      %sub3A_908 = arith.subf %gather3A_894, %gather3A_896 : vector<16xf32>
      %sub3A_909 = arith.subf %gather3A_893, %gather3A_900 : vector<16xf32>
      %mul3A_910 = arith.mulf %sub3A_908, %sub3A_909 : vector<16xf32>
      %sub3A_911 = arith.subf %mul3A_907, %mul3A_910 : vector<16xf32>
      %ge3A_912 = arith.constant 0.000000e+00 : f32
      %ge3A_913 = vector.broadcast %ge3A_912 : f32 to vector<16xf32>
      %ge3A_914 = arith.cmpf oge, %sub3A_911, %ge3A_913 : vector<16xf32>
      %jit3A_915 = arith.constant 0.000000e+00 : f32
      %jit3A_916 = arith.constant 1.000000e+00 : f32
      %broadcast_in_dim3A_917 = vector.broadcast %jit3A_915 : f32 to vector<16xf32>
      %broadcast_in_dim3A_918 = vector.broadcast %jit3A_916 : f32 to vector<16xf32>
      %select_n3A_919 = arith.select %ge3A_914, %broadcast_in_dim3A_917, %broadcast_in_dim3A_918 : vector<16xi1>, vector<16xf32>
      %swap3A_920 = arith.constant 0 : i32
      %swap3A_921 = arith.index_cast %swap3A_920 : i32 to index
      %swap3A_922 = arith.constant 176 : index
      %swap3A_923 = tpu.vector_load %arg6[%swap3A_921, %swap3A_922] {strides = array<i32>} : memref<32x256xf32, #tpu.memory_space<vmem>>, vector<16xf32>,
      tpu.vector_store %arg6[%swap3A_921, %swap3A_922], %select_n3A_919 {strides = array<i32>} : memref<32x256xf32, #tpu.memory_space<vmem>>, vector<16xf32>,
      %add3A_924 = arith.constant 192 : i32
      %add3A_925 = vector.broadcast %add3A_924 : i32 to vector<16xi32>
      %add3A_926 = arith.addi %iota3A, %add3A_925 : vector<16xi32>
      %max3A_927 = arith.constant 1 : i32
      %max3A_928 = vector.broadcast %max3A_927 : i32 to vector<16xi32>
      %max3A_929 = arith.maxsi %add3A_926, %max3A_928 : vector<16xi32>
      %sub3A_930 = arith.constant 1 : i32
      %sub3A_931 = vector.broadcast %sub3A_930 : i32 to vector<16xi32>
      %sub3A_932 = arith.subi %max3A_929, %sub3A_931 : vector<16xi32>
      %gather3A_933 = tpu.vector_load_idx %arg4[%max3A_929] : memref<10240xf32, #tpu.memory_space<vmem>>[vector<16xi32>], vector<16xf32>,
      %gather3A_934 = tpu.vector_load_idx %arg5[%max3A_929] : memref<10240xf32, #tpu.memory_space<vmem>>[vector<16xi32>], vector<16xf32>,
      %gather3A_935 = tpu.vector_load_idx %arg4[%sub3A_932] : memref<10240xf32, #tpu.memory_space<vmem>>[vector<16xi32>], vector<16xf32>,
      %gather3A_936 = tpu.vector_load_idx %arg5[%sub3A_932] : memref<10240xf32, #tpu.memory_space<vmem>>[vector<16xi32>], vector<16xf32>,
      %add3A_937 = arith.constant 256 : i32
      %add3A_938 = vector.broadcast %add3A_937 : i32 to vector<16xi32>
      %add3A_939 = arith.addi %sub3A_932, %add3A_938 : vector<16xi32>
      %gather3A_940 = tpu.vector_load_idx %arg4[%add3A_939] : memref<10240xf32, #tpu.memory_space<vmem>>[vector<16xi32>], vector<16xf32>,
      %add3A_941 = arith.constant 256 : i32
      %add3A_942 = vector.broadcast %add3A_941 : i32 to vector<16xi32>
      %add3A_943 = arith.addi %sub3A_932, %add3A_942 : vector<16xi32>
      %gather3A_944 = tpu.vector_load_idx %arg5[%add3A_943] : memref<10240xf32, #tpu.memory_space<vmem>>[vector<16xi32>], vector<16xf32>,
      %sub3A_945 = arith.subf %gather3A_933, %gather3A_935 : vector<16xf32>
      %sub3A_946 = arith.subf %gather3A_934, %gather3A_944 : vector<16xf32>
      %mul3A_947 = arith.mulf %sub3A_945, %sub3A_946 : vector<16xf32>
      %sub3A_948 = arith.subf %gather3A_934, %gather3A_936 : vector<16xf32>
      %sub3A_949 = arith.subf %gather3A_933, %gather3A_940 : vector<16xf32>
      %mul3A_950 = arith.mulf %sub3A_948, %sub3A_949 : vector<16xf32>
      %sub3A_951 = arith.subf %mul3A_947, %mul3A_950 : vector<16xf32>
      %ge3A_952 = arith.constant 0.000000e+00 : f32
      %ge3A_953 = vector.broadcast %ge3A_952 : f32 to vector<16xf32>
      %ge3A_954 = arith.cmpf oge, %sub3A_951, %ge3A_953 : vector<16xf32>
      %jit3A_955 = arith.constant 0.000000e+00 : f32
      %jit3A_956 = arith.constant 1.000000e+00 : f32
      %broadcast_in_dim3A_957 = vector.broadcast %jit3A_955 : f32 to vector<16xf32>
      %broadcast_in_dim3A_958 = vector.broadcast %jit3A_956 : f32 to vector<16xf32>
      %select_n3A_959 = arith.select %ge3A_954, %broadcast_in_dim3A_957, %broadcast_in_dim3A_958 : vector<16xi1>, vector<16xf32>
      %swap3A_960 = arith.constant 0 : i32
      %swap3A_961 = arith.index_cast %swap3A_960 : i32 to index
      %swap3A_962 = arith.constant 192 : index
      %swap3A_963 = tpu.vector_load %arg6[%swap3A_961, %swap3A_962] {strides = array<i32>} : memref<32x256xf32, #tpu.memory_space<vmem>>, vector<16xf32>,
      tpu.vector_store %arg6[%swap3A_961, %swap3A_962], %select_n3A_959 {strides = array<i32>} : memref<32x256xf32, #tpu.memory_space<vmem>>, vector<16xf32>,
      %add3A_964 = arith.constant 208 : i32
      %add3A_965 = vector.broadcast %add3A_964 : i32 to vector<16xi32>
      %add3A_966 = arith.addi %iota3A, %add3A_965 : vector<16xi32>
      %max3A_967 = arith.constant 1 : i32
      %max3A_968 = vector.broadcast %max3A_967 : i32 to vector<16xi32>
      %max3A_969 = arith.maxsi %add3A_966, %max3A_968 : vector<16xi32>
      %sub3A_970 = arith.constant 1 : i32
      %sub3A_971 = vector.broadcast %sub3A_970 : i32 to vector<16xi32>
      %sub3A_972 = arith.subi %max3A_969, %sub3A_971 : vector<16xi32>
      %gather3A_973 = tpu.vector_load_idx %arg4[%max3A_969] : memref<10240xf32, #tpu.memory_space<vmem>>[vector<16xi32>], vector<16xf32>,
      %gather3A_974 = tpu.vector_load_idx %arg5[%max3A_969] : memref<10240xf32, #tpu.memory_space<vmem>>[vector<16xi32>], vector<16xf32>,
      %gather3A_975 = tpu.vector_load_idx %arg4[%sub3A_972] : memref<10240xf32, #tpu.memory_space<vmem>>[vector<16xi32>], vector<16xf32>,
      %gather3A_976 = tpu.vector_load_idx %arg5[%sub3A_972] : memref<10240xf32, #tpu.memory_space<vmem>>[vector<16xi32>], vector<16xf32>,
      %add3A_977 = arith.constant 256 : i32
      %add3A_978 = vector.broadcast %add3A_977 : i32 to vector<16xi32>
      %add3A_979 = arith.addi %sub3A_972, %add3A_978 : vector<16xi32>
      %gather3A_980 = tpu.vector_load_idx %arg4[%add3A_979] : memref<10240xf32, #tpu.memory_space<vmem>>[vector<16xi32>], vector<16xf32>,
      %add3A_981 = arith.constant 256 : i32
      %add3A_982 = vector.broadcast %add3A_981 : i32 to vector<16xi32>
      %add3A_983 = arith.addi %sub3A_972, %add3A_982 : vector<16xi32>
      %gather3A_984 = tpu.vector_load_idx %arg5[%add3A_983] : memref<10240xf32, #tpu.memory_space<vmem>>[vector<16xi32>], vector<16xf32>,
      %sub3A_985 = arith.subf %gather3A_973, %gather3A_975 : vector<16xf32>
      %sub3A_986 = arith.subf %gather3A_974, %gather3A_984 : vector<16xf32>
      %mul3A_987 = arith.mulf %sub3A_985, %sub3A_986 : vector<16xf32>
      %sub3A_988 = arith.subf %gather3A_974, %gather3A_976 : vector<16xf32>
      %sub3A_989 = arith.subf %gather3A_973, %gather3A_980 : vector<16xf32>
      %mul3A_990 = arith.mulf %sub3A_988, %sub3A_989 : vector<16xf32>
      %sub3A_991 = arith.subf %mul3A_987, %mul3A_990 : vector<16xf32>
      %ge3A_992 = arith.constant 0.000000e+00 : f32
      %ge3A_993 = vector.broadcast %ge3A_992 : f32 to vector<16xf32>
      %ge3A_994 = arith.cmpf oge, %sub3A_991, %ge3A_993 : vector<16xf32>
      %jit3A_995 = arith.constant 0.000000e+00 : f32
      %jit3A_996 = arith.constant 1.000000e+00 : f32
      %broadcast_in_dim3A_997 = vector.broadcast %jit3A_995 : f32 to vector<16xf32>
      %broadcast_in_dim3A_998 = vector.broadcast %jit3A_996 : f32 to vector<16xf32>
      %select_n3A_999 = arith.select %ge3A_994, %broadcast_in_dim3A_997, %broadcast_in_dim3A_998 : vector<16xi1>, vector<16xf32>
      %swap3A_1000 = arith.constant 0 : i32
      %swap3A_1001 = arith.index_cast %swap3A_1000 : i32 to index
      %swap3A_1002 = arith.constant 208 : index
      %swap3A_1003 = tpu.vector_load %arg6[%swap3A_1001, %swap3A_1002] {strides = array<i32>} : memref<32x256xf32, #tpu.memory_space<vmem>>, vector<16xf32>,
      tpu.vector_store %arg6[%swap3A_1001, %swap3A_1002], %select_n3A_999 {strides = array<i32>} : memref<32x256xf32, #tpu.memory_space<vmem>>, vector<16xf32>,
      %add3A_1004 = arith.constant 224 : i32
      %add3A_1005 = vector.broadcast %add3A_1004 : i32 to vector<16xi32>
      %add3A_1006 = arith.addi %iota3A, %add3A_1005 : vector<16xi32>
      %max3A_1007 = arith.constant 1 : i32
      %max3A_1008 = vector.broadcast %max3A_1007 : i32 to vector<16xi32>
      %max3A_1009 = arith.maxsi %add3A_1006, %max3A_1008 : vector<16xi32>
      %sub3A_1010 = arith.constant 1 : i32
      %sub3A_1011 = vector.broadcast %sub3A_1010 : i32 to vector<16xi32>
      %sub3A_1012 = arith.subi %max3A_1009, %sub3A_1011 : vector<16xi32>
      %gather3A_1013 = tpu.vector_load_idx %arg4[%max3A_1009] : memref<10240xf32, #tpu.memory_space<vmem>>[vector<16xi32>], vector<16xf32>,
      %gather3A_1014 = tpu.vector_load_idx %arg5[%max3A_1009] : memref<10240xf32, #tpu.memory_space<vmem>>[vector<16xi32>], vector<16xf32>,
      %gather3A_1015 = tpu.vector_load_idx %arg4[%sub3A_1012] : memref<10240xf32, #tpu.memory_space<vmem>>[vector<16xi32>], vector<16xf32>,
      %gather3A_1016 = tpu.vector_load_idx %arg5[%sub3A_1012] : memref<10240xf32, #tpu.memory_space<vmem>>[vector<16xi32>], vector<16xf32>,
      %add3A_1017 = arith.constant 256 : i32
      %add3A_1018 = vector.broadcast %add3A_1017 : i32 to vector<16xi32>
      %add3A_1019 = arith.addi %sub3A_1012, %add3A_1018 : vector<16xi32>
      %gather3A_1020 = tpu.vector_load_idx %arg4[%add3A_1019] : memref<10240xf32, #tpu.memory_space<vmem>>[vector<16xi32>], vector<16xf32>,
      %add3A_1021 = arith.constant 256 : i32
      %add3A_1022 = vector.broadcast %add3A_1021 : i32 to vector<16xi32>
      %add3A_1023 = arith.addi %sub3A_1012, %add3A_1022 : vector<16xi32>
      %gather3A_1024 = tpu.vector_load_idx %arg5[%add3A_1023] : memref<10240xf32, #tpu.memory_space<vmem>>[vector<16xi32>], vector<16xf32>,
      %sub3A_1025 = arith.subf %gather3A_1013, %gather3A_1015 : vector<16xf32>
      %sub3A_1026 = arith.subf %gather3A_1014, %gather3A_1024 : vector<16xf32>
      %mul3A_1027 = arith.mulf %sub3A_1025, %sub3A_1026 : vector<16xf32>
      %sub3A_1028 = arith.subf %gather3A_1014, %gather3A_1016 : vector<16xf32>
      %sub3A_1029 = arith.subf %gather3A_1013, %gather3A_1020 : vector<16xf32>
      %mul3A_1030 = arith.mulf %sub3A_1028, %sub3A_1029 : vector<16xf32>
      %sub3A_1031 = arith.subf %mul3A_1027, %mul3A_1030 : vector<16xf32>
      %ge3A_1032 = arith.constant 0.000000e+00 : f32
      %ge3A_1033 = vector.broadcast %ge3A_1032 : f32 to vector<16xf32>
      %ge3A_1034 = arith.cmpf oge, %sub3A_1031, %ge3A_1033 : vector<16xf32>
      %jit3A_1035 = arith.constant 0.000000e+00 : f32
      %jit3A_1036 = arith.constant 1.000000e+00 : f32
      %broadcast_in_dim3A_1037 = vector.broadcast %jit3A_1035 : f32 to vector<16xf32>
      %broadcast_in_dim3A_1038 = vector.broadcast %jit3A_1036 : f32 to vector<16xf32>
      %select_n3A_1039 = arith.select %ge3A_1034, %broadcast_in_dim3A_1037, %broadcast_in_dim3A_1038 : vector<16xi1>, vector<16xf32>
      %swap3A_1040 = arith.constant 0 : i32
      %swap3A_1041 = arith.index_cast %swap3A_1040 : i32 to index
      %swap3A_1042 = arith.constant 224 : index
      %swap3A_1043 = tpu.vector_load %arg6[%swap3A_1041, %swap3A_1042] {strides = array<i32>} : memref<32x256xf32, #tpu.memory_space<vmem>>, vector<16xf32>,
      tpu.vector_store %arg6[%swap3A_1041, %swap3A_1042], %select_n3A_1039 {strides = array<i32>} : memref<32x256xf32, #tpu.memory_space<vmem>>, vector<16xf32>,
      %add3A_1044 = arith.constant 240 : i32
      %add3A_1045 = vector.broadcast %add3A_1044 : i32 to vector<16xi32>
      %add3A_1046 = arith.addi %iota3A, %add3A_1045 : vector<16xi32>
      %max3A_1047 = arith.constant 1 : i32
      %max3A_1048 = vector.broadcast %max3A_1047 : i32 to vector<16xi32>
      %max3A_1049 = arith.maxsi %add3A_1046, %max3A_1048 : vector<16xi32>
      %sub3A_1050 = arith.constant 1 : i32
      %sub3A_1051 = vector.broadcast %sub3A_1050 : i32 to vector<16xi32>
      %sub3A_1052 = arith.subi %max3A_1049, %sub3A_1051 : vector<16xi32>
      %gather3A_1053 = tpu.vector_load_idx %arg4[%max3A_1049] : memref<10240xf32, #tpu.memory_space<vmem>>[vector<16xi32>], vector<16xf32>,
      %gather3A_1054 = tpu.vector_load_idx %arg5[%max3A_1049] : memref<10240xf32, #tpu.memory_space<vmem>>[vector<16xi32>], vector<16xf32>,
      %gather3A_1055 = tpu.vector_load_idx %arg4[%sub3A_1052] : memref<10240xf32, #tpu.memory_space<vmem>>[vector<16xi32>], vector<16xf32>,
      %gather3A_1056 = tpu.vector_load_idx %arg5[%sub3A_1052] : memref<10240xf32, #tpu.memory_space<vmem>>[vector<16xi32>], vector<16xf32>,
      %add3A_1057 = arith.constant 256 : i32
      %add3A_1058 = vector.broadcast %add3A_1057 : i32 to vector<16xi32>
      %add3A_1059 = arith.addi %sub3A_1052, %add3A_1058 : vector<16xi32>
      %gather3A_1060 = tpu.vector_load_idx %arg4[%add3A_1059] : memref<10240xf32, #tpu.memory_space<vmem>>[vector<16xi32>], vector<16xf32>,
      %add3A_1061 = arith.constant 256 : i32
      %add3A_1062 = vector.broadcast %add3A_1061 : i32 to vector<16xi32>
      %add3A_1063 = arith.addi %sub3A_1052, %add3A_1062 : vector<16xi32>
      %gather3A_1064 = tpu.vector_load_idx %arg5[%add3A_1063] : memref<10240xf32, #tpu.memory_space<vmem>>[vector<16xi32>], vector<16xf32>,
      %sub3A_1065 = arith.subf %gather3A_1053, %gather3A_1055 : vector<16xf32>
      %sub3A_1066 = arith.subf %gather3A_1054, %gather3A_1064 : vector<16xf32>
      %mul3A_1067 = arith.mulf %sub3A_1065, %sub3A_1066 : vector<16xf32>
      %sub3A_1068 = arith.subf %gather3A_1054, %gather3A_1056 : vector<16xf32>
      %sub3A_1069 = arith.subf %gather3A_1053, %gather3A_1060 : vector<16xf32>
      %mul3A_1070 = arith.mulf %sub3A_1068, %sub3A_1069 : vector<16xf32>
      %sub3A_1071 = arith.subf %mul3A_1067, %mul3A_1070 : vector<16xf32>
      %ge3A_1072 = arith.constant 0.000000e+00 : f32
      %ge3A_1073 = vector.broadcast %ge3A_1072 : f32 to vector<16xf32>
      %ge3A_1074 = arith.cmpf oge, %sub3A_1071, %ge3A_1073 : vector<16xf32>
      %jit3A_1075 = arith.constant 0.000000e+00 : f32
      %jit3A_1076 = arith.constant 1.000000e+00 : f32
      %broadcast_in_dim3A_1077 = vector.broadcast %jit3A_1075 : f32 to vector<16xf32>
      %broadcast_in_dim3A_1078 = vector.broadcast %jit3A_1076 : f32 to vector<16xf32>
      %select_n3A_1079 = arith.select %ge3A_1074, %broadcast_in_dim3A_1077, %broadcast_in_dim3A_1078 : vector<16xi1>, vector<16xf32>
      %swap3A_1080 = arith.constant 0 : i32
      %swap3A_1081 = arith.index_cast %swap3A_1080 : i32 to index
      %swap3A_1082 = arith.constant 240 : index
      %swap3A_1083 = tpu.vector_load %arg6[%swap3A_1081, %swap3A_1082] {strides = array<i32>} : memref<32x256xf32, #tpu.memory_space<vmem>>, vector<16xf32>,
      tpu.vector_store %arg6[%swap3A_1081, %swap3A_1082], %select_n3A_1079 {strides = array<i32>} : memref<32x256xf32, #tpu.memory_space<vmem>>, vector<16xf32>,
    } else {
    }
    %run_scoped3A_444 = arith.constant 0 : i32
    "tpu.region"() ({
      %run_scoped3A_447 = tpu.sem_alloc : memref<!tpu.dma_semaphore, #tpu.memory_space<semaphore_mem>>
      %dma_start3A = arith.constant 0 : i32
      %dma_start3A_448 = tpu.memref_slice %arg3[%select_n3A, %run_scoped3A_444, %mul3A_32, %dma_start3A] : memref<4x3x256x256xf32, #tpu.memory_space<hbm>> -> memref<1x1x32x256xf32, #tpu.memory_space<hbm>>
      %dma_start3A_449 = tpu.memref_squeeze %dma_start3A_448 : memref<1x1x32x256xf32, #tpu.memory_space<hbm>> -> memref<32x256xf32, #tpu.memory_space<hbm>>
      %dma_start3A_450 = arith.constant 0 : i32
      %dma_start3A_451 = tpu.memref_slice %arg3[%select_n3A, %run_scoped3A_444, %mul3A_32, %dma_start3A_450] : memref<4x3x256x256xf32, #tpu.memory_space<hbm>> -> memref<1x1x32x256xf32, #tpu.memory_space<hbm>>
      %dma_start3A_452 = tpu.memref_squeeze %dma_start3A_451 : memref<1x1x32x256xf32, #tpu.memory_space<hbm>> -> memref<32x256xf32, #tpu.memory_space<hbm>>
      tpu.enqueue_dma source(%arg6 : memref<32x256xf32, #tpu.memory_space<vmem>>) target(%dma_start3A_452 : memref<32x256xf32, #tpu.memory_space<hbm>>) target_semaphore(%run_scoped3A_447 : memref<!tpu.dma_semaphore, #tpu.memory_space<semaphore_mem>>)
      %dma_wait3A = arith.constant 0 : i32
      %dma_wait3A_453 = tpu.memref_slice %arg3[%select_n3A, %run_scoped3A_444, %mul3A_32, %dma_wait3A] : memref<4x3x256x256xf32, #tpu.memory_space<hbm>> -> memref<1x1x32x256xf32, #tpu.memory_space<hbm>>
      %dma_wait3A_454 = tpu.memref_squeeze %dma_wait3A_453 : memref<1x1x32x256xf32, #tpu.memory_space<hbm>> -> memref<32x256xf32, #tpu.memory_space<hbm>>
      %dma_wait3A_455 = arith.constant 0 : i32
      %dma_wait3A_456 = tpu.memref_slice %arg3[%select_n3A, %run_scoped3A_444, %mul3A_32, %dma_wait3A_455] : memref<4x3x256x256xf32, #tpu.memory_space<hbm>> -> memref<1x1x32x256xf32, #tpu.memory_space<hbm>>
      %dma_wait3A_457 = tpu.memref_squeeze %dma_wait3A_456 : memref<1x1x32x256xf32, #tpu.memory_space<hbm>> -> memref<32x256xf32, #tpu.memory_space<hbm>>
      tpu.wait_dma2 semaphore(%run_scoped3A_447 : memref<!tpu.dma_semaphore, #tpu.memory_space<semaphore_mem>>) src(%arg6 : memref<32x256xf32, #tpu.memory_space<vmem>>) dst(%dma_wait3A_457 : memref<32x256xf32, #tpu.memory_space<hbm>>)
      tpu.yield
    }) : () -> ()
    %run_scoped3A_445 = arith.constant 1 : i32
    "tpu.region"() ({
      %run_scoped3A_447 = tpu.sem_alloc : memref<!tpu.dma_semaphore, #tpu.memory_space<semaphore_mem>>
      %dma_start3A = arith.constant 0 : i32
      %dma_start3A_448 = tpu.memref_slice %arg3[%select_n3A, %run_scoped3A_445, %mul3A_32, %dma_start3A] : memref<4x3x256x256xf32, #tpu.memory_space<hbm>> -> memref<1x1x32x256xf32, #tpu.memory_space<hbm>>
      %dma_start3A_449 = tpu.memref_squeeze %dma_start3A_448 : memref<1x1x32x256xf32, #tpu.memory_space<hbm>> -> memref<32x256xf32, #tpu.memory_space<hbm>>
      %dma_start3A_450 = arith.constant 0 : i32
      %dma_start3A_451 = tpu.memref_slice %arg3[%select_n3A, %run_scoped3A_445, %mul3A_32, %dma_start3A_450] : memref<4x3x256x256xf32, #tpu.memory_space<hbm>> -> memref<1x1x32x256xf32, #tpu.memory_space<hbm>>
      %dma_start3A_452 = tpu.memref_squeeze %dma_start3A_451 : memref<1x1x32x256xf32, #tpu.memory_space<hbm>> -> memref<32x256xf32, #tpu.memory_space<hbm>>
      tpu.enqueue_dma source(%arg6 : memref<32x256xf32, #tpu.memory_space<vmem>>) target(%dma_start3A_452 : memref<32x256xf32, #tpu.memory_space<hbm>>) target_semaphore(%run_scoped3A_447 : memref<!tpu.dma_semaphore, #tpu.memory_space<semaphore_mem>>)
      %dma_wait3A = arith.constant 0 : i32
      %dma_wait3A_453 = tpu.memref_slice %arg3[%select_n3A, %run_scoped3A_445, %mul3A_32, %dma_wait3A] : memref<4x3x256x256xf32, #tpu.memory_space<hbm>> -> memref<1x1x32x256xf32, #tpu.memory_space<hbm>>
      %dma_wait3A_454 = tpu.memref_squeeze %dma_wait3A_453 : memref<1x1x32x256xf32, #tpu.memory_space<hbm>> -> memref<32x256xf32, #tpu.memory_space<hbm>>
      %dma_wait3A_455 = arith.constant 0 : i32
      %dma_wait3A_456 = tpu.memref_slice %arg3[%select_n3A, %run_scoped3A_445, %mul3A_32, %dma_wait3A_455] : memref<4x3x256x256xf32, #tpu.memory_space<hbm>> -> memref<1x1x32x256xf32, #tpu.memory_space<hbm>>
      %dma_wait3A_457 = tpu.memref_squeeze %dma_wait3A_456 : memref<1x1x32x256xf32, #tpu.memory_space<hbm>> -> memref<32x256xf32, #tpu.memory_space<hbm>>
      tpu.wait_dma2 semaphore(%run_scoped3A_447 : memref<!tpu.dma_semaphore, #tpu.memory_space<semaphore_mem>>) src(%arg6 : memref<32x256xf32, #tpu.memory_space<vmem>>) dst(%dma_wait3A_457 : memref<32x256xf32, #tpu.memory_space<hbm>>)
      tpu.yield
    }) : () -> ()
    %run_scoped3A_446 = arith.constant 2 : i32
    "tpu.region"() ({
      %run_scoped3A_447 = tpu.sem_alloc : memref<!tpu.dma_semaphore, #tpu.memory_space<semaphore_mem>>
      %dma_start3A = arith.constant 0 : i32
      %dma_start3A_448 = tpu.memref_slice %arg3[%select_n3A, %run_scoped3A_446, %mul3A_32, %dma_start3A] : memref<4x3x256x256xf32, #tpu.memory_space<hbm>> -> memref<1x1x32x256xf32, #tpu.memory_space<hbm>>
      %dma_start3A_449 = tpu.memref_squeeze %dma_start3A_448 : memref<1x1x32x256xf32, #tpu.memory_space<hbm>> -> memref<32x256xf32, #tpu.memory_space<hbm>>
      %dma_start3A_450 = arith.constant 0 : i32
      %dma_start3A_451 = tpu.memref_slice %arg3[%select_n3A, %run_scoped3A_446, %mul3A_32, %dma_start3A_450] : memref<4x3x256x256xf32, #tpu.memory_space<hbm>> -> memref<1x1x32x256xf32, #tpu.memory_space<hbm>>
      %dma_start3A_452 = tpu.memref_squeeze %dma_start3A_451 : memref<1x1x32x256xf32, #tpu.memory_space<hbm>> -> memref<32x256xf32, #tpu.memory_space<hbm>>
      tpu.enqueue_dma source(%arg6 : memref<32x256xf32, #tpu.memory_space<vmem>>) target(%dma_start3A_452 : memref<32x256xf32, #tpu.memory_space<hbm>>) target_semaphore(%run_scoped3A_447 : memref<!tpu.dma_semaphore, #tpu.memory_space<semaphore_mem>>)
      %dma_wait3A = arith.constant 0 : i32
      %dma_wait3A_453 = tpu.memref_slice %arg3[%select_n3A, %run_scoped3A_446, %mul3A_32, %dma_wait3A] : memref<4x3x256x256xf32, #tpu.memory_space<hbm>> -> memref<1x1x32x256xf32, #tpu.memory_space<hbm>>
      %dma_wait3A_454 = tpu.memref_squeeze %dma_wait3A_453 : memref<1x1x32x256xf32, #tpu.memory_space<hbm>> -> memref<32x256xf32, #tpu.memory_space<hbm>>
      %dma_wait3A_455 = arith.constant 0 : i32
      %dma_wait3A_456 = tpu.memref_slice %arg3[%select_n3A, %run_scoped3A_446, %mul3A_32, %dma_wait3A_455] : memref<4x3x256x256xf32, #tpu.memory_space<hbm>> -> memref<1x1x32x256xf32, #tpu.memory_space<hbm>>
      %dma_wait3A_457 = tpu.memref_squeeze %dma_wait3A_456 : memref<1x1x32x256xf32, #tpu.memory_space<hbm>> -> memref<32x256xf32, #tpu.memory_space<hbm>>
      tpu.wait_dma2 semaphore(%run_scoped3A_447 : memref<!tpu.dma_semaphore, #tpu.memory_space<semaphore_mem>>) src(%arg6 : memref<32x256xf32, #tpu.memory_space<vmem>>) dst(%dma_wait3A_457 : memref<32x256xf32, #tpu.memory_space<hbm>>)
      tpu.yield
    }) : () -> ()
    return
  }
}

</mosaic_0001>

<sc_bundles>
// kernel: kernel.3.cloned.1.call-start
scs
__scs_entry_jumppad:
0x0: {  	(pc) =	sbr.rel $0x88, $3  }
0x1: {  	(tag) =	ssettag $0x0;
	lr =	simm.s32 $0x1  }
0x2: {  	[smem:$0x3FA0] =	sst lr;
	_ =	strace $0xD0000000  }
0x3: {  	_ = 	snop  }
0x4: {  	_ = 	snop  }
0x5: {  	_ = 	snop  }
0x6: {  	_ = 	snop  }
0x7: {  	_ = 	snop  }
__scs_overlays_trampoline_lowered:
0x8: {  	[smem:$0x3FAF] =	sst s0  }
0x9: {  	[smem:$0x3FB0] =	sst s1  }
0xa: {  	[smem:$0x3FB1] =	sst s2  }
0xb: {  	[smem:$0x3FB2] =	sst s3  }
0xc: {  	[smem:$0x3FB3] =	sst s4  }
0xd: {  	[smem:$0x3FB4] =	sst s5  }
0xe: {  	[smem:$0x3FB5] =	sst s6  }
0xf: {  	[smem:$0x3FB6] =	sst s7  }
0x10: {  	[smem:$0x3FB7] =	sst s8  }
0x11: {  	[smem:$0x3FB8] =	sst s9;
	s0 =	simm.s32 @!p0 $0x0  }
0x12: {  	s1 =	sld [smem:$0x3F9E];
	s0 =	simm.s32 @p0 $0x1  }
0x13: {  	[smem:$0x3FB9] =	sst s0;
	s0 =	simm.s32 @!p1 $0x0  }
0x14: {  	s2 =	sld [smem:$0x3F9D];
	s0 =	simm.s32 @p1 $0x1  }
0x15: {  	[smem:$0x3FBA] =	sst s0;
	s0 =	simm.s32 @!p2 $0x0  }
0x16: {  	s3 =	sld [smem:$0x3FDB];
	s0 =	simm.s32 @p2 $0x1  }
0x17: {  	s4 =	simm.s32 $0x1BF5;
	[smem:$0x3FBC] =	sst s0  }
0x18: {  	s0 =	sld [smem:$0x3F9F];
	_ =	swait.ge [sflag:s4], $0x0  }
0x19: {  	s7 =	sld [smem:$0x3FA0]  }
0x1a: {  	s8 =	sadd.s32 $0xFFFFE003, lr  }
0x1b: {  	s9 =	sadd.s32 $0xFFFFFEF7, lr;
	s5 =	simm.s32 $0xFFFFFFFF;
	p2 =	slt.u32 s8, $0xFFFFF086  }
0x1c: {  	p1 =	slt.u32 s9, $0xF7A;
	s5 =	simm.s32 @!p2 $0x0  }
0x1d: {  	s5 =	simm.s32 @p1 $0x1;
	p0 =	seq.s32 s7, s2  }
0x1e: {  	s7 =	smul.u32 @!p0 $0xF7A, s2;
	p2 =	seq.s32 @!p0 s5, $0x0  }
0x1f: {  	s9 =	smul.u32 $0xF7A, s1;
	s8 =	simm.s32 @!p0 $0x1BF5;
	p2 =	por !p2, p0  }
0x20: {  	[sflag:s8] =	ssyncset.s32 @!p0 $0xFFFFF086;
	s6 =	sadd.s32 @!p0 s3, s7;
	s7 =	simm.s32 @!p0 $0x108  }
0x21: {  	s3 =	sadd.s32 s3, s9;
	s6 =	sadd.s32 @!p0 $0x88, s6;
	s7 =	simm.s32 @p2 $0x1082  }
0x22: {  	[simem:s7], [sflag:s8] =	dma.local @!p0 [hbm:s6], $0xF7A  }
0x23: {  	s9 =	sor.u32 $0xD0000000, s2;
	s6 =	simm.s32 $0x108;
	_ =	swait.ge @!p0 [sflag:s8], $0x0  }
0x24: {  	s3 =	sadd.s32 $0x88, s3;
	s6 =	simm.s32 @!p1 $0x1082;
	[sflag:s4] =	ssyncset.s32 $0xFFFFF086  }
0x25: {  	[simem:s6], [sflag:s4] =	dma.local [hbm:s3], $0xF7A  }
0x26: {  	[smem:$0x3FA0] =	sst s1;
	(tag) =	ssettag s2;
	_ =	strace s9  }
0x27: {  	s1 =	sld [smem:$0x3FB0]  }
0x28: {  	s2 =	sld [smem:$0x3FB1]  }
0x29: {  	s4 =	sld [smem:$0x3FB3]  }
0x2a: {  	p0 =	seq.s32 s5, $0x0;
	s5 =	sld [smem:$0x3FB4]  }
0x2b: {  	s6 =	sld [smem:$0x3FB5]  }
0x2c: {  	s7 =	sld [smem:$0x3FB6]  }
0x2d: {  	s3 =	simm.s32 $0x108;
	s8 =	sld [smem:$0x3FB7]  }
0x2e: {  	s3 =	simm.s32 @!p0 $0x1082;
	s9 =	sld [smem:$0x3FB8]  }
0x2f: {  	lr =	sadd.s32 s0, s3;
	s0 =	sld [smem:$0x3FAF]  }
0x30: {  	s3 =	sld [smem:$0x3FB2]  }
0x31: {  	[smem:$0x3FBB] =	sst s10  }
0x32: {  	s10 =	sld [smem:$0x3FB9];
	_ =	sdelay $0x3  }
0x33: {  	p0 =	seq.s32 s10, $0x1;
	s10 =	sld [smem:$0x3FBB];
	_ =	sdelay $0x3  }
0x34: {  	[smem:$0x3FBB] =	sst s10  }
0x35: {  	s10 =	sld [smem:$0x3FBA];
	_ =	sdelay $0x3  }
0x36: {  	p1 =	seq.s32 s10, $0x1;
	s10 =	sld [smem:$0x3FBB];
	_ =	sdelay $0x3  }
0x37: {  	[smem:$0x3FBB] =	sst s10  }
0x38: {  	s10 =	sld [smem:$0x3FBC]  }
0x39: {  	_ = 	snop;
	(pc) =	sbr.ind lr, $3  }
0x3a: {  	_ = 	snop  }
0x3b: {  	_ = 	snop  }
0x3c: {  	p2 =	seq.s32 s10, $0x1;
	s10 =	sld [smem:$0x3FBB]  }
0x3d: {  	_ =	shalt  }
0x3e: {  	_ =	shalt  }
0x3f: {  	_ =	shalt  }
0x40: {  	_ =	shalt  }
0x41: {  	_ =	shalt  }
0x42: {  	_ =	shalt  }
0x43: {  	_ =	shalt  }
0x44: {  	_ =	shalt  }
0x45: {  	_ =	shalt  }
0x46: {  	_ =	shalt  }
0x47: {  	_ =	shalt  }
0x48: {  	_ =	shalt  }
0x49: {  	_ =	shalt  }
0x4a: {  	_ =	shalt  }
0x4b: {  	_ =	shalt  }
0x4c: {  	_ =	shalt  }
0x4d: {  	_ =	shalt  }
0x4e: {  	_ =	shalt  }
0x4f: {  	_ =	shalt  }
0x50: {  	_ =	shalt  }
0x51: {  	_ =	shalt  }
0x52: {  	_ =	shalt  }
0x53: {  	_ =	shalt  }
0x54: {  	_ =	shalt  }
0x55: {  	_ =	shalt  }
0x56: {  	_ =	shalt  }
0x57: {  	_ =	shalt  }
0x58: {  	_ =	shalt  }
0x59: {  	_ =	shalt  }
0x5a: {  	_ =	shalt  }
0x5b: {  	_ =	shalt  }
0x5c: {  	_ =	shalt  }
0x5d: {  	_ =	shalt  }
0x5e: {  	_ =	shalt  }
0x5f: {  	_ =	shalt  }
0x60: {  	_ =	shalt  }
0x61: {  	_ =	shalt  }
0x62: {  	_ =	shalt  }
0x63: {  	_ =	shalt  }
0x64: {  	_ =	shalt  }
0x65: {  	_ =	shalt  }
0x66: {  	_ =	shalt  }
0x67: {  	_ =	shalt  }
0x68: {  	_ =	shalt  }
0x69: {  	_ =	shalt  }
0x6a: {  	_ =	shalt  }
0x6b: {  	_ =	shalt  }
0x6c: {  	_ =	shalt  }
0x6d: {  	_ =	shalt  }
0x6e: {  	_ =	shalt  }
0x6f: {  	_ =	shalt  }
0x70: {  	_ =	shalt  }
0x71: {  	_ =	shalt  }
0x72: {  	_ =	shalt  }
0x73: {  	_ =	shalt  }
0x74: {  	_ =	shalt  }
0x75: {  	_ =	shalt  }
0x76: {  	_ =	shalt  }
0x77: {  	_ =	shalt  }
0x78: {  	_ =	shalt  }
0x79: {  	_ =	shalt  }
0x7a: {  	_ =	shalt  }
0x7b: {  	_ =	shalt  }
0x7c: {  	_ =	shalt  }
0x7d: {  	_ =	shalt  }
0x7e: {  	_ =	shalt  }
0x7f: {  	_ =	shalt  }
0x80: {  	_ =	shalt  }
0x81: {  	_ =	shalt  }
0x82: {  	_ =	shalt  }
0x83: {  	_ =	shalt  }
0x84: {  	_ =	shalt  }
0x85: {  	_ =	shalt  }
0x86: {  	_ =	shalt  }
0x87: {  	_ =	shalt  }
.Lfunc_end0:
.L_simem_size_0:
called_computation_lowered:
.L_overlay_start_0:
0x88: {  	s2 =	sld [smem:$0x3FD9]  }
0x89: {  	s3 =	sld [smem:$0x3FFE];
	_ =	sdelay $0x1  }
0x8a: {  	s1 =	srdreg.scid  }
0x8b: {  	s0 =	sand.u32 $0x1, s1  }
0x8c: {  	s17 =	sshll.u32 s0, $0xA;
	s2 =	sadd.s32 s3, s2  }
0x8d: {  	s2 =	sadd.s32 s2, s17  }
0x8e: {  	[smem:$0x3FC7] =	sst s2  }
0x8f: {  	_ = 	snop  }
0x90: {  	s2 =	sld [smem:$0x3FD0];
	(tm) =	ssettm $0x1  }
0x91: {  	s18 =	sld [smem:$0x3FFB];
	_ =	sdelay $0x3  }
0x92: {  	_ =	strace s18  }
0x93: {  	s3 =	sld [smem:$0x3FFC];
	_ =	sdelay $0x3  }
0x94: {  	_ =	strace s3  }
0x95: {  	s3 =	sld [smem:$0x3FFD];
	_ =	sdelay $0x3  }
0x96: {  	_ =	strace s3  }
0x97: {  	_ =	strace $0x8FFFFFFF  }
0x98: {  	s19 =	sld [smem:$0x3FDB];
	_ =	sdelay $0x1  }
0x99: {  	s4 =	simm.s32 $_scs_section_size  }
0x9a: {  	s5 =	simm.s32 $_size__tile_overlayer_lowered;
	s6 =	simm.s32 $_tile_overlayer_lowered  }
0x9b: {  	s22 =	simm.s32 $0x1BFF;
	s21 =	sshll.u32 s6, $0x1;
	s3 =	sadd.s32 s4, s19  }
0x9c: {  	s7 =	simm.s32 $0x0;
	s20 =	sshll.u32 s5, $0x1;
	s5 =	sadd.s32 s21, s3  }
0x9d: {  	[timem:s7], [sflag:s22] =	dma.local [hbm:s5], s20  }
0x9e: {  	_ =	swait.ge [sflag:s22], s20  }
0x9f: {  	s4 =	ssub.s32 $0x0, s20;
	[sflag:s22] =	ssyncset.done $0x0  }
0xa0: {  	[sflag:s22] =	ssyncadd.s32 s4;
	_ =	sdelay $0x1  }
0xa1: {  	s23 =	simm.s32 $0x1B8B  }
0xa2: {  	_ =	swait.ge [sflag:s23], $0x1  }
0xa3: {  	[sflag:s23] =	ssyncset.done $0x0  }
0xa4: {  	s25 =	simm.s32 $0x1B8E;
	s24 =	sld [smem:$0x3FFE];
	[sflag:s23] =	ssyncadd.s32 $0xFFFFFFFF  }
0xa5: {  	s26 =	simm.s32 $execute0_lowered;
	[smem:$0x3FD2] =	sst s25  }
0xa6: {  	s5 =	sshll.u32 s26, $0x1;
	_ =	strace $0x80000046;
	[dreg:$0x1] =	wrdreg $0xFFFFFFFF  }
0xa7: {  	s28 =	simm.s32 $_size_execute0_lowered;
	s3 =	sadd.s32 s3, s5;
	[dreg:$0x0] =	wrdreg $0x0  }
0xa8: {  	s5 =	sshll.u32 s28, $0x1;
	[dreg:$0x2] =	wrdreg s3  }
0xa9: {  	[dreg:$0x3] =	wrdreg s5  }
0xaa: {  	[dreg:$0x4] =	wrdreg $0xC0  }
0xab: {  	_ =	task [dreg:s7], $0x5FFFF  }
0xac: {  	[dreg:$0x1] =	wrdreg $0xFFFFFFFF  }
0xad: {  	[dreg:$0x0] =	wrdreg $0x60  }
0xae: {  	[dreg:$0x2] =	wrdreg s24  }
0xaf: {  	[dreg:$0x3] =	wrdreg s2  }
0xb0: {  	[dreg:$0x4] =	wrdreg $0x9  }
0xb1: {  	_ =	task.clear_ibuf [dreg:s7], $0x5FFFF;
	_ =	strace $0x90000046  }
0xb2: {  	s29 =	simm.s32 $0x9;
	_ =	strace $0x80000048  }
0xb3: {  	_ =	swait.ge [sflag:s29], $0x1  }
0xb4: {  	[sflag:s29] =	ssyncadd.s32 $0xFFFFFFFF  }
0xb5: {  	_ =	strace $0x90000048  }
0xb6: {  	_ =	sfence  }
0xb7: {  	s30 =	sld [smem:$0x0];
	_ =	sdelay $0x2  }
0xb8: {  	s31 =	sshll.u32 s1, $0xD;
	s1 =	sshrl.u32 s1, $0x2  }
0xb9: {  	s3 =	sand.u32 $0x4000, s31;
	s1 =	sadd.s32 s1, s30  }
0xba: {  	s0 =	sor.u32 s3, s0;
	s1 =	sshll.u32 s1, $0x11  }
0xbb: {  	s0 =	sor.u32 s1, s0  }
0xbc: {  	s0 =	sadd.s32 $0x8F2B, s0  }
0xbd: {  	[sflag:s0] =	ssyncadd.remote.s32 $0x1  }
0xbe: {  	_ =	sfence.sel $0xFFFF  }
0xbf: {  	[dreg:$0x0] =	wrdreg $0xFFFFFFFF;
	(pc) =	sbr.abs _section_cstart, $3  }
0xc0: {  	[dreg:$0x1] =	wrdreg $0xFFFFFFFF  }
0xc1: {  	_ =	task.clear_ibuf [dreg:s7], $0x2FFFF;
	_ =	strace $0x9FFFFFFF  }
0xc2: {  	(tm) =	ssettm $0x7FFFFFFF  }
0xc3: {  	_ =	shalt  }
tec
execute0_lowered:
.L_overlay_start_1:
0x0: {  	(tag) =	ssettag $0x1  }
0x1: {  	s5 =	stileid.u32;
	s0 =	srdreg.scid  }
0x2: {  	s6 =	simm.s32 $0x0;
	s28 =	simm.s32 $0x1;
	s1 =	sshll.u32 s5, $0x1  }
0x3: {  	s4 =	sand.u32 $0x1, s0;
	s5 =	sshrl.u32 s5, $0x2;
	s7 =	sand.u32 $0x6, s1  }
0x4: {  	s0 =	sor.u32 s4, s7;
	s7 =	rddreg [dreg:$0x0];
	s4 =	ssub.s32 $0x2, s4  }
0x5: {  	p0 =	seq.s32 s0, $0x0;
	s3 =	sshll.u32 s0, $0x5;
	s10 =	sshrl.u32 s4, $0x1  }
0x6: {  	s6 =	simm.s32 @!p0 $0x8;
	s9 =	smax.u32 s3, $0x8;
	s4 =	ssub.s32 s4, s10  }
0x7: {  	p0 =	sne.s32 s0, $0x0;
	s8 =	smax.u32 s6, $0x1;
	s3 =	sshll.u32 s9, $0x9  }
0x8: {  	v1 =	vimm.s32 $0x7C7B7A79;
	v2 =	vimm.s32 $0x7F7F7E7D;
	s6 =	sshll.u32 s6, $0x8;
	s1 =	sshll.u32 s8, $0x8;
	s8 =	sshll.u32 s5, $0x11  }
0x9: {  	v3 =	vimm.s32 $0x74737271;
	s14 =	sadd.s32 $0xFFFFFF10, s6;
	s16 =	sadd.s32 $0xFFFFFF20, s6;
	s18 =	sadd.s32 $0xFFFFFF30, s6  }
0xa: {  	v4 =	vimm.s32 $0x78777675;
	s20 =	sadd.s32 $0xFFFFFF40, s6;
	s21 =	sor.u32 $0x11, s6;
	s22 =	sadd.s32 $0x2811, s6  }
0xb: {  	v5 =	vimm.s32 $0xFFEDCBA9;
	s9 =	sor.u32 $0x21, s6;
	s10 =	sadd.s32 $0x2821, s6;
	s23 =	sor.u32 $0x31, s6  }
0xc: {  	v6 =	vimm.s32 $0xF4F3F2F1;
	s24 =	sadd.s32 $0x2841, s6;
	s25 =	sor.u32 $0x51, s6;
	s26 =	sadd.s32 $0x2851, s6  }
0xd: {  	v7 =	vimm.s32 $0xF8F7F6F5;
	v1 =	vunpack.c.0.s8.s32 v1;
	v2 =	vunpack.c.0.s8.s32 v2;
	s30 =	sor.u32 $0x61, s6;
	s5 =	smul.u32 $0x30000, s5;
	s29 =	sadd.s32 $0xFFFFFFA0, s6  }
0xe: {  	v3 =	vunpack.c.0.s8.s32 v3;
	v5 =	vunpack.c.l.s4.s8 v5;
	v4 =	vunpack.c.0.s8.s32 v4;
	s31 =	sadd.s32 $0xFFFFFFB0, s6;
	s2 =	sadd.s32 $0xFFFFFF00, s1;
	s3 =	sor.u32 s3, s8  }
0xf: {  	v6 =	vunpack.c.0.s8.s32 v6;
	v7 =	vunpack.c.0.s8.s32 v7;
	v0 =	vmov s2;
	s2 =	rddreg [dreg:$0x1];
	s8 =	sadd.s32 $0xFFFFF000, s3;
	s3 =	simm.s32 $0x0  }
0x10: {  	vm0 =	vcmask $0x1F10;
	v5 =	vunpack.c.0.s8.s32 v5;
	s12 =	sadd.s32 $0xFFFFFF01, s1;
	s13 =	sadd.s32 $0xFFFFFF11, s1;
	[smem:$0x7FF] =	sst s3  }
0x11: {  	v1 =	vsel vm0, v2, v1;
	v2 =	vsel vm0, v4, v3;
	v3 =	vsel vm0, v7, v6;
	s15 =	sadd.s32 $0xFFFFFF21, s1;
	_ =	strace $0x80000047;
	[dreg:$0x5] =	wrdreg s12  }
0x12: {  	v1 =	vcombine.low v2, v1;
	v2 =	vcombine.low v3, v5;
	v3 =	vimm.s32 $0xFEDCBA98;
	s17 =	sadd.s32 $0xFFFFFF31, s1;
	s19 =	sadd.s32 $0xFFFFFF41, s1;
	[dreg:$0x6] =	wrdreg s13  }
0x13: {  	v3 =	vunpack.c.l.s4.s8 v3;
	v6 =	vmov s23;
	v9 =	vmov s24;
	s23 =	sor.u32 $0xC1, s6;
	s24 =	sadd.s32 $0x28C1, s6;
	[dreg:$0x7] =	wrdreg s14  }
0x14: {  	vm14 =	vcmask $0x700;
	v10 =	vmov s25;
	v11 =	vmov s26;
	s25 =	sshll.u32 s0, $0xD;
	s26 =	sor.u32 $0xD1, s6;
	[dreg:$0x8] =	wrdreg s15  }
0x15: {  	v23 =	vunpack.c.0.s8.s32 v3;
	v3 =	vimm.s32 $0x10E;
	v12 =	vmov s30;
	s30 =	sadd.s32 $0x28D1, s6;
	s0 =	sadd.s32 $0xFFFFFFC0, s6;
	[dreg:$0x9] =	wrdreg s16  }
0x16: {  	v25 =	vsel vm14, $0x100, v3;
	v3 =	vmov s22;
	s22 =	sadd.s32 $0x28B1, s6;
	s5 =	sor.u32 s5, s25;
	[dreg:$0xa] =	wrdreg s17  }
0x17: {  	vm15 =	vcmask $0xB08;
	v22 =	vmov s23;
	s23 =	sadd.s32 $0xFFFFFFC1, s1;
	s25 =	sadd.s32 $0xFFFFFFE1, s1;
	[dreg:$0xb] =	wrdreg s18  }
0x18: {  	vm4 =	vcmask $0xF0C;
	vm5 =	vcmask $0x1310;
	vm6 =	vcmask $0x1714;
	s8 =	sshrl.u32 s8, $0x3;
	s5 =	sshrl.u32 s5, $0x3;
	[dreg:$0xc] =	wrdreg s19  }
0x19: {  	v29 =	vimm.s32 $0x65432100;
	v31 =	vimm.s32 $0xEDCBA987;
	v21 =	vmov s22;
	s22 =	sadd.s32 $0xFFFFFF70, s6;
	s7 =	sadd.s32 s8, s7;
	[dreg:$0xd] =	wrdreg s20  }
0x1a: {  	vm7 =	vcmask $0x1B18;
	vm8 =	vcmask $0x1F1C;
	v31 =	vunpack.c.l.s4.s8 v31;
	s12 =	sadd.s32 $0x2831, s6;
	s14 =	sor.u32 $0x41, s6;
	s13 =	sor.u32 $0x71, s6  }
0x1b: {  	vm9 =	vcmask $0x2320;
	vm10 =	vcmask $0x2724;
	v29 =	vunpack.c.l.s4.s8 v29;
	s15 =	sadd.s32 $0x2871, s6;
	s16 =	sor.u32 $0x91, s6;
	s17 =	sadd.s32 $0x2891, s6  }
0x1c: {  	vm11 =	vcmask $0x2B28;
	vm12 =	vcmask $0x2F2C;
	v31 =	vunpack.c.0.s8.s32 v31;
	s18 =	sadd.s32 $0xFFFFFF51, s1;
	s19 =	sor.u32 $0xA1, s6;
	[dreg:$0x17] =	wrdreg s23  }
0x1d: {  	vm13 =	vcmask $0x3330;
	v4 =	vimm.s32 $0x76543211;
	v29 =	vunpack.c.0.s8.s32 v29;
	s20 =	sadd.s32 $0x28A1, s6;
	s2 =	sadd.s32 s2, s5;
	[dreg:$0x19] =	wrdreg s25  }
0x1e: {  	v31 =	vand.u32 $0xF, v31;
	v5 =	vmov s10;
	v0 =	vor.u32 $0x80, v0;
	s5 =	sadd.s32 $0xFFFFFFD0, s6;
	s8 =	sadd.s32 $0xFFFFFFE0, s6;
	[dreg:$0xe] =	wrdreg s18  }
0x1f: {  	v26 =	vsel vm15, $0x101, v25;
	v25 =	vmov s30;
	v0 =	vbroadcast v0, $0x0;
	s23 =	sadd.s32 $0x2881, s6;
	s11 =	sadd.s32 $0x800, s7;
	[dreg:$0x11] =	wrdreg s2  }
0x20: {  	v27 =	vsel vm4, $0x102, v26;
	s25 =	sadd.s32 $0x2880, s6;
	s7 =	sadd.s32 $0x810, s7;
	v7 =	vmov s12;
	v8 =	vmov s14;
	[dreg:$0x3] =	wrdreg s11  }
0x21: {  	v14 =	vmov s13;
	v15 =	vmov s15;
	v17 =	vmov s17;
	s17 =	sadd.s32 $0xFFFFFF50, s6;
	s14 =	sadd.s32 $0xFFFFFF71, s1;
	[dreg:$0x4] =	wrdreg s7  }
0x22: {  	v16 =	vmov s16;
	v18 =	vmov s19;
	s12 =	sor.u32 $0xE1, s6;
	v28 =	vsel vm5, $0x103, v27;
	s15 =	sadd.s32 $0xFFFFFF81, s1;
	[dreg:$0x10] =	wrdreg s14  }
0x23: {  	v19 =	vmov s20;
	s19 =	sadd.s32 $0xFFFFFF60, s6;
	s16 =	sadd.s32 $0xFFFFFF91, s1;
	v0 =	vor.u32 v1, v0;
	[dreg:$0x12] =	wrdreg s15;
	v28 =	vsel vm6, $0x104, v28  }
0x24: {  	s13 =	sadd.s32 $0x28E1, s6;
	s18 =	smax.u32 s4, $0x1;
	v1 =	vadd.s32 s6, v2;
	v2 =	vunpack.c.l.s4.s8 v4;
	[dreg:$0x13] =	wrdreg s16;
	v28 =	vsel vm7, $0x105, v28  }
0x25: {  	s20 =	sadd.s32 $0xFFFFFFA1, s1;
	s30 =	sadd.s32 $0x2000, s2;
	v4 =	vmov s9;
	v26 =	vmov s12;
	[dreg:$0x14] =	wrdreg s18;
	v28 =	vsel vm8, $0x106, v28  }
0x26: {  	s2 =	sadd.s32 $0x4000, s2;
	[dreg:$0x15] =	wrdreg s20;
	v24 =	vunpack.c.0.s8.s32 v2;
	v2 =	vmov s21;
	s21 =	sor.u32 $0xB1, s6;
	v28 =	vsel vm9, $0x107, v28  }
0x27: {  	s4 =	simm.s32 $0x0;
	s11 =	sadd.s32 $0x2861, s6;
	v27 =	vmov s13;
	[dreg:$0x1a] =	wrdreg s30;
	v20 =	vmov s21;
	v28 =	vsel vm10, $0x108, v28  }
.Ltmp0:
0x28: {  	[dreg:$0x1b] =	wrdreg s2;
	s14 =	sor.u32 $0x1, s6;
	v30 =	vcombine.low v24, v23;
	v24 =	vmov s26;
	v28 =	vsel vm11, $0x109, v28;
	(pc) =	sbr.rel .LBB2_1-.Ltmp0, $4  }
0x29: {  	s16 =	sadd.s32 $0x2801, s6;
	s18 =	sadd.s32 $0x2800, s6;
	v13 =	vmov s11;
	s11 =	sadd.s32 $0xFFFFFF61, s1;
	v23 =	vmov s24;
	v32 =	vsel vm12, $0x10A, v28  }
0x2a: {  	vm14 =	vcmask $0x3734;
	s20 =	sor.u32 $0x81, s6;
	[dreg:$0xf] =	wrdreg s11;
	s21 =	sadd.s32 $0xFFFFFFB1, s1;
	v28 =	vcombine.low v29, v31;
	v31 =	vsel vm13, $0x10B, v32  }
0x2b: {  	vm15 =	vcmask $0x3B38;
	s2 =	simm.s32 $0x2800;
	[dreg:$0x16] =	wrdreg s21;
	s24 =	sadd.s32 $0xFFFFFFD1, s1;
	v29 =	vimm.f32 $1.000000000e+00;
	v31 =	vsel vm14, $0x10C, v31  }
0x2c: {  	s26 =	sadd.s32 $0xFFFFFF90, s6;
	[dreg:$0x18] =	wrdreg s24;
	s24 =	sor.u32 $0x80, s6;
	v30 =	vand.u32 $0xF, v30;
	v32 =	vlaneseq.u32;
	v31 =	vsel vm15, $0x10D, v31  }
.LBB2_35:
0x2d: {  	s7 =	rddreg [dreg:$0x11];
	s9 =	simm.s32 $0x5000  }
0x2e: {  	[hbm4b:s7+s3] =	stream.linear.scatter [tilespmem:s9], [sflag:$0x1], $0x2000, $0x38;
	[tilespmem:$0x7000] =	vst v63  }
0x2f: {  	_ =	swait.ge [sflag:s28], $0x2000  }
0x30: {  	[sflag:s28] =	ssyncset.done $0x0  }
0x31: {  	s15 =	rddreg [dreg:$0x1a];
	[sflag:s28] =	ssyncadd.s32 $0xFFFFE000  }
0x32: {  	[hbm4b:s15+s3] =	stream.linear.scatter [tilespmem:s9], [sflag:$0x1], $0x2000, $0x38;
	[tilespmem:$0x7000] =	vst v63  }
0x33: {  	_ =	swait.ge [sflag:s28], $0x2000  }
0x34: {  	[sflag:s28] =	ssyncset.done $0x0  }
0x35: {  	s21 =	rddreg [dreg:$0x1b];
	[sflag:s28] =	ssyncadd.s32 $0xFFFFE000  }
0x36: {  	[hbm4b:s21+s3] =	stream.linear.scatter [tilespmem:s9], [sflag:$0x1], $0x2000, $0x38;
	[tilespmem:$0x7000] =	vst v63  }
0x37: {  	_ =	swait.ge [sflag:s28], $0x2000  }
0x38: {  	s4 =	sadd.s32 $0x1, s4;
	s30 =	rddreg [dreg:$0x14]  }
0x39: {  	p1 =	sne.s32 s4, s30  }
.Ltmp1:
0x3a: {  	_ = 	snop;
	(pc) =	sbr.rel @!p1 .LBB2_36-.Ltmp1, $3  }
0x3b: {  	_ =	sdelay $0x1  }
0x3c: {  	[sflag:s28] =	ssyncset.done $0x0  }
0x3d: {  	[sflag:s28] =	ssyncadd.s32 $0xFFFFE000  }
.LBB2_1:
0x3e: {  	s7 =	rddreg [dreg:$0x3];
	s9 =	simm.s32 $0x80;
	s10 =	simm.s32 $0x100  }
0x3f: {  	[tilespmem:s3], [sflag:$0x1] =	stream.strided.gather [hbm4b:s7+s9], $0x2800, s10, s9, $0x38;
	[tilespmem:$0x7000] =	vst v63  }
0x40: {  	_ =	swait.ge [sflag:s28], $0x2800  }
0x41: {  	[sflag:s28] =	ssyncset.done $0x0  }
0x42: {  	s12 =	rddreg [dreg:$0x4];
	[sflag:s28] =	ssyncadd.s32 $0xFFFFD800  }
0x43: {  	[tilespmem:s2], [sflag:$0x1] =	stream.strided.gather [hbm4b:s12+s9], $0x2800, s10, s9, $0x38;
	[tilespmem:$0x7000] =	vst v63  }
0x44: {  	_ =	swait.ge [sflag:s28], $0x2800  }
0x45: {  	[sflag:s28] =	ssyncset.done $0x0  }
0x46: {  	[sflag:s28] =	ssyncadd.s32 $0xFFFFD800  }
0x47: {  	s13 =	rddreg [dreg:$0x5];
	v35 =	vld [tilespmem:s1+$0xFFFFFF01]  }
0x48: {  	v36 =	vld [tilespmem:s13+$0x2800]  }
0x49: {  	v37 =	vld [tilespmem:s16+$0xFFFFFFFF]  }
0x4a: {  	v38 =	vld [tilespmem:s14+$0xFFFFFFFF]  }
0x4b: {  	v34 =	vld [tilespmem:s14+$0x0]  }
0x4c: {  	v33 =	vld [tilespmem:s16+$0x0];
	_ =	sdelay $0x3  }
0x4d: {  	v35 =	vsub.f32 v34, v35;
	v38 =	vsub.f32 v34, v38  }
0x4e: {  	v37 =	vsub.f32 v33, v37;
	v36 =	vsub.f32 v33, v36;
	_ =	sdelay $0x1  }
0x4f: {  	v35 =	vmul.f32 v37, v35;
	v36 =	vmul.f32 v38, v36;
	_ =	sdelay $0x1  }
0x50: {  	v35 =	vsub.f32 v35, v36;
	_ =	sdelay $0x1  }
0x51: {  	s15 =	sand.u32 $0x1800, s3;
	s21 =	sand.u32 $0x380, s3;
	vm0 =	vge.f32 v35, $0.0e+00  }
0x52: {  	s7 =	sor.u32 s21, s15;
	v35 =	vsel vm0, $0x0, v29  }
0x53: {  	s12 =	sadd.s32 $0x100, s16;
	[tilespmem:s7+$0x5000] =	vst v35  }
0x54: {  	s21 =	sadd.s32 $0x100, s14;
	v35 =	vld [tilespmem:s12+$0xFFFFFFFF]  }
0x55: {  	v36 =	vld [tilespmem:s21+$0xFFFFFFFF]  }
0x56: {  	v38 =	vld [tilespmem:s21+$0x0]  }
0x57: {  	s30 =	simm.s32 $0x100;
	s10 =	simm.s32 $0x0;
	s7 =	simm.s32 $0x80;
	v37 =	vld [tilespmem:s12+$0x0]  }
.LBB2_2:
0x58: {  	p1 =	sne.s32 s30, $0xF80;
	_ =	sdelay $0x2  }
0x59: {  	v39 =	vsub.f32 v38, v34;
	v36 =	vsub.f32 v38, v36;
	v34 =	vmov v38  }
0x5a: {  	v35 =	vsub.f32 v37, v35;
	v38 =	vsub.f32 v37, v33;
	v33 =	vmov v37;
	_ =	sdelay $0x1  }
0x5b: {  	v35 =	vmul.f32 v35, v39;
	v36 =	vmul.f32 v36, v38;
	_ =	sdelay $0x1  }
0x5c: {  	v35 =	vsub.f32 v35, v36  }
0x5d: {  	s10 =	sadd.s32 $0x100, s10  }
0x5e: {  	s11 =	sand.u32 $0x380, s7;
	s7 =	smov.u32 s30;
	s9 =	sand.u32 $0x1800, s10;
	vm0 =	vge.f32 v35, $0.0e+00  }
0x5f: {  	s9 =	sor.u32 s11, s9;
	v35 =	vsel vm0, $0x0, v29  }
.Ltmp2:
0x60: {  	s12 =	sadd.s32 $0x100, s12;
	[tilespmem:s9+$0x5000] =	vst v35;
	(pc) =	sbr.rel @p1 .LBB2_2-.Ltmp2, $4  }
0x61: {  	s21 =	sadd.s32 $0x100, s21;
	v35 =	vld [tilespmem:s12+$0xFFFFFFFF]  }
0x62: {  	v36 =	vld [tilespmem:s21+$0xFFFFFFFF]  }
0x63: {  	v38 =	vld [tilespmem:s21+$0x0]  }
0x64: {  	s30 =	sadd.s32 $0x80, s30;
	v37 =	vld [tilespmem:s12+$0x0]  }
0x65: {  	_ =	sdelay $0x2  }
0x66: {  	v34 =	vsub.f32 v38, v34;
	v36 =	vsub.f32 v38, v36  }
0x67: {  	v35 =	vsub.f32 v37, v35;
	v33 =	vsub.f32 v37, v33;
	_ =	sdelay $0x1  }
0x68: {  	v34 =	vmul.f32 v35, v34;
	v33 =	vmul.f32 v36, v33;
	_ =	sdelay $0x1  }
0x69: {  	v33 =	vsub.f32 v34, v33  }
0x6a: {  	s9 =	sadd.s32 $0x100, s10  }
0x6b: {  	s7 =	sand.u32 $0x380, s7;
	s9 =	sand.u32 $0x1800, s9;
	vm0 =	vge.f32 v33, $0.0e+00  }
0x6c: {  	s11 =	rddreg [dreg:$0x7];
	s7 =	sor.u32 s7, s9;
	v33 =	vsel vm0, $0x0, v29  }
0x6d: {  	s12 =	sand.u32 $0x70, s11;
	[tilespmem:s7+$0x5000] =	vst v33  }
0x6e: {  	s15 =	rddreg [dreg:$0x6];
	s13 =	sadd.s32 s12, s6;
	v60 =	vld [tilespmem:s1+$0xFFFFFF11]  }
0x6f: {  	s9 =	sadd.s32 $0x0, s13;
	v61 =	vld [tilespmem:s15+$0x2800]  }
0x70: {  	s21 =	simm.s32 $0x0;
	v62 =	vld [tilespmem:s9+$0x0]  }
0x71: {  	s7 =	sadd.s32 s12, s18;
	v34 =	vld.idx.msk [tilespmem:v2+s21+$0x0 ss:$0x1], $0xffff  }
0x72: {  	v33 =	vld.idx.msk [tilespmem:v3+s21+$0x0 ss:$0x1], $0xffff;
	s7 =	sadd.s32 $0x0, s7  }
0x73: {  	v63 =	vld [tilespmem:s7+$0x0];
	_ =	sdelay $0x3  }
0x74: {  	v35 =	vsub.f32 v34, v60;
	v37 =	vsub.f32 v34, v62  }
0x75: {  	v36 =	vsub.f32 v33, v61;
	v38 =	vsub.f32 v33, v63;
	_ =	sdelay $0x1  }
0x76: {  	v36 =	vmul.f32 v37, v36;
	v35 =	vmul.f32 v38, v35;
	_ =	sdelay $0x1  }
0x77: {  	v35 =	vsub.f32 v35, v36  }
0x78: {  	s12 =	sadd.s32 $0x100, s11;
	s7 =	simm.s32 $0x0  }
0x79: {  	s30 =	sand.u32 $0x70, s12;
	s11 =	sand.u32 $0x1800, s7;
	s13 =	sand.u32 $0x380, s7;
	vm15 =	vge.f32 v35, $0.0e+00  }
0x7a: {  	s15 =	sadd.s32 s30, s6;
	s9 =	sor.u32 s13, s11;
	v35 =	vsel vm15, $0x0, v29  }
0x7b: {  	s21 =	sadd.s32 $0x100, s15;
	[tilespmem:s9+$0x5010] =	vst v35  }
0x7c: {  	s10 =	simm.s32 $0x0;
	s9 =	simm.s32 $0x100;
	v35 =	vld [tilespmem:s21+$0x0];
	s21 =	simm.s32 $0x800  }
.LBB2_4:
0x7d: {  	p1 =	sne.s32 s21, $0x7C00;
	s11 =	sadd.s32 s30, s18;
	v36 =	vld.idx.msk [tilespmem:v2+s9+$0x0 ss:$0x1], $0xffff  }
0x7e: {  	v37 =	vld.idx.msk [tilespmem:v3+s9+$0x0 ss:$0x1], $0xffff;
	s9 =	sadd.s32 s9, s11  }
0x7f: {  	v38 =	vld [tilespmem:s9+$0x0];
	_ =	sdelay $0x3  }
0x80: {  	v39 =	vsub.f32 v36, v34;
	v35 =	vsub.f32 v36, v35;
	v34 =	vmov v36  }
0x81: {  	v36 =	vsub.f32 v37, v38;
	v38 =	vsub.f32 v37, v33;
	v33 =	vmov v37;
	_ =	sdelay $0x1  }
0x82: {  	v36 =	vmul.f32 v36, v39;
	v35 =	vmul.f32 v35, v38;
	_ =	sdelay $0x1  }
0x83: {  	s12 =	sadd.s32 $0x100, s12;
	v35 =	vsub.f32 v36, v35  }
.Ltmp3:
0x84: {  	s7 =	sadd.s32 $0x100, s7;
	s10 =	sadd.s32 $0x80, s10;
	(pc) =	sbr.rel @p1 .LBB2_4-.Ltmp3, $4  }
0x85: {  	s30 =	sand.u32 $0x70, s12;
	s11 =	sand.u32 $0x1800, s7;
	s13 =	sand.u32 $0x380, s10;
	vm0 =	vge.f32 v35, $0.0e+00  }
0x86: {  	s15 =	sadd.s32 s30, s6;
	s9 =	sshra.s32 s21, $0x2;
	s11 =	sor.u32 s13, s11;
	v35 =	vsel vm0, $0x0, v29  }
0x87: {  	s13 =	sadd.s32 s9, s15;
	[tilespmem:s11+$0x5010] =	vst v35  }
0x88: {  	s21 =	sadd.s32 $0x400, s21;
	v35 =	vld [tilespmem:s13+$0x0]  }
0x89: {  	_ =	sdelay $0x3  }
0x8a: {  	s11 =	sadd.s32 s30, s18;
	v36 =	vld.idx.msk [tilespmem:v2+s9+$0x0 ss:$0x1], $0xffff  }
0x8b: {  	v37 =	vld.idx.msk [tilespmem:v3+s9+$0x0 ss:$0x1], $0xffff;
	s21 =	sadd.s32 s9, s11  }
0x8c: {  	v38 =	vld [tilespmem:s21+$0x0];
	_ =	sdelay $0x3  }
0x8d: {  	v34 =	vsub.f32 v36, v34;
	v35 =	vsub.f32 v36, v35  }
0x8e: {  	v33 =	vsub.f32 v37, v33;
	v59 =	vsub.f32 v37, v38;
	_ =	sdelay $0x1  }
0x8f: {  	v33 =	vmul.f32 v35, v33;
	v34 =	vmul.f32 v59, v34;
	_ =	sdelay $0x1  }
0x90: {  	v33 =	vsub.f32 v34, v33  }
0x91: {  	s7 =	sadd.s32 $0x100, s7;
	s11 =	sadd.s32 $0x80, s10  }
0x92: {  	s7 =	sand.u32 $0x1800, s7;
	s9 =	sand.u32 $0x380, s11;
	vm0 =	vge.f32 v33, $0.0e+00  }
0x93: {  	s11 =	rddreg [dreg:$0x9];
	s7 =	sor.u32 s9, s7;
	v33 =	vsel vm0, $0x0, v29  }
0x94: {  	s12 =	sand.u32 $0x60, s11;
	[tilespmem:s7+$0x5010] =	vst v33  }
0x95: {  	s15 =	rddreg [dreg:$0x8];
	s13 =	sadd.s32 s12, s6;
	v60 =	vld [tilespmem:s1+$0xFFFFFF21]  }
0x96: {  	s9 =	sadd.s32 $0x0, s13;
	v61 =	vld [tilespmem:s15+$0x2800]  }
0x97: {  	s21 =	simm.s32 $0x0;
	v62 =	vld [tilespmem:s9+$0x0]  }
0x98: {  	s7 =	sadd.s32 s12, s18;
	v34 =	vld.idx.msk [tilespmem:v4+s21+$0x0 ss:$0x1], $0xffff  }
0x99: {  	v33 =	vld.idx.msk [tilespmem:v5+s21+$0x0 ss:$0x1], $0xffff;
	s7 =	sadd.s32 $0x0, s7  }
0x9a: {  	v63 =	vld [tilespmem:s7+$0x0];
	_ =	sdelay $0x3  }
0x9b: {  	v35 =	vsub.f32 v34, v60;
	v37 =	vsub.f32 v34, v62  }
0x9c: {  	v36 =	vsub.f32 v33, v61;
	v38 =	vsub.f32 v33, v63;
	_ =	sdelay $0x1  }
0x9d: {  	v36 =	vmul.f32 v37, v36;
	v35 =	vmul.f32 v38, v35;
	_ =	sdelay $0x1  }
0x9e: {  	v35 =	vsub.f32 v35, v36  }
0x9f: {  	s12 =	sadd.s32 $0x100, s11;
	s7 =	simm.s32 $0x0  }
0xa0: {  	s30 =	sand.u32 $0x60, s12;
	s11 =	sand.u32 $0x1800, s7;
	s13 =	sand.u32 $0x380, s7;
	vm15 =	vge.f32 v35, $0.0e+00  }
0xa1: {  	s15 =	sadd.s32 s30, s6;
	s9 =	sor.u32 s13, s11;
	v35 =	vsel vm15, $0x0, v29  }
0xa2: {  	s21 =	sadd.s32 $0x100, s15;
	[tilespmem:s9+$0x5020] =	vst v35  }
0xa3: {  	s10 =	simm.s32 $0x0;
	s9 =	simm.s32 $0x100;
	v35 =	vld [tilespmem:s21+$0x0];
	s21 =	simm.s32 $0x800  }
.LBB2_6:
0xa4: {  	p1 =	sne.s32 s21, $0x7C00;
	s11 =	sadd.s32 s30, s18;
	v36 =	vld.idx.msk [tilespmem:v4+s9+$0x0 ss:$0x1], $0xffff  }
0xa5: {  	v37 =	vld.idx.msk [tilespmem:v5+s9+$0x0 ss:$0x1], $0xffff;
	s9 =	sadd.s32 s9, s11  }
0xa6: {  	v38 =	vld [tilespmem:s9+$0x0];
	_ =	sdelay $0x3  }
0xa7: {  	v39 =	vsub.f32 v36, v34;
	v35 =	vsub.f32 v36, v35;
	v34 =	vmov v36  }
0xa8: {  	v36 =	vsub.f32 v37, v38;
	v38 =	vsub.f32 v37, v33;
	v33 =	vmov v37;
	_ =	sdelay $0x1  }
0xa9: {  	v36 =	vmul.f32 v36, v39;
	v35 =	vmul.f32 v35, v38;
	_ =	sdelay $0x1  }
0xaa: {  	s12 =	sadd.s32 $0x100, s12;
	v35 =	vsub.f32 v36, v35  }
.Ltmp4:
0xab: {  	s7 =	sadd.s32 $0x100, s7;
	s10 =	sadd.s32 $0x80, s10;
	(pc) =	sbr.rel @p1 .LBB2_6-.Ltmp4, $4  }
0xac: {  	s30 =	sand.u32 $0x60, s12;
	s11 =	sand.u32 $0x1800, s7;
	s13 =	sand.u32 $0x380, s10;
	vm0 =	vge.f32 v35, $0.0e+00  }
0xad: {  	s15 =	sadd.s32 s30, s6;
	s9 =	sshra.s32 s21, $0x2;
	s11 =	sor.u32 s13, s11;
	v35 =	vsel vm0, $0x0, v29  }
0xae: {  	s13 =	sadd.s32 s9, s15;
	[tilespmem:s11+$0x5020] =	vst v35  }
0xaf: {  	s21 =	sadd.s32 $0x400, s21;
	v35 =	vld [tilespmem:s13+$0x0]  }
0xb0: {  	_ =	sdelay $0x3  }
0xb1: {  	s11 =	sadd.s32 s30, s18;
	v36 =	vld.idx.msk [tilespmem:v4+s9+$0x0 ss:$0x1], $0xffff  }
0xb2: {  	v37 =	vld.idx.msk [tilespmem:v5+s9+$0x0 ss:$0x1], $0xffff;
	s21 =	sadd.s32 s9, s11  }
0xb3: {  	v38 =	vld [tilespmem:s21+$0x0];
	_ =	sdelay $0x3  }
0xb4: {  	v34 =	vsub.f32 v36, v34;
	v35 =	vsub.f32 v36, v35  }
0xb5: {  	v33 =	vsub.f32 v37, v33;
	v59 =	vsub.f32 v37, v38;
	_ =	sdelay $0x1  }
0xb6: {  	v33 =	vmul.f32 v35, v33;
	v34 =	vmul.f32 v59, v34;
	_ =	sdelay $0x1  }
0xb7: {  	v33 =	vsub.f32 v34, v33  }
0xb8: {  	s7 =	sadd.s32 $0x100, s7;
	s11 =	sadd.s32 $0x80, s10  }
0xb9: {  	s7 =	sand.u32 $0x1800, s7;
	s9 =	sand.u32 $0x380, s11;
	vm0 =	vge.f32 v33, $0.0e+00  }
0xba: {  	s11 =	rddreg [dreg:$0xb];
	s7 =	sor.u32 s9, s7;
	v33 =	vsel vm0, $0x0, v29  }
0xbb: {  	s12 =	sand.u32 $0x70, s11;
	[tilespmem:s7+$0x5020] =	vst v33  }
0xbc: {  	s15 =	rddreg [dreg:$0xa];
	s13 =	sadd.s32 s12, s6;
	v60 =	vld [tilespmem:s1+$0xFFFFFF31]  }
0xbd: {  	s9 =	sadd.s32 $0x0, s13;
	v61 =	vld [tilespmem:s15+$0x2800]  }
0xbe: {  	s21 =	simm.s32 $0x0;
	v62 =	vld [tilespmem:s9+$0x0]  }
0xbf: {  	s7 =	sadd.s32 s12, s18;
	v34 =	vld.idx.msk [tilespmem:v6+s21+$0x0 ss:$0x1], $0xffff  }
0xc0: {  	v33 =	vld.idx.msk [tilespmem:v7+s21+$0x0 ss:$0x1], $0xffff;
	s7 =	sadd.s32 $0x0, s7  }
0xc1: {  	v63 =	vld [tilespmem:s7+$0x0];
	_ =	sdelay $0x3  }
0xc2: {  	v35 =	vsub.f32 v34, v60;
	v37 =	vsub.f32 v34, v62  }
0xc3: {  	v36 =	vsub.f32 v33, v61;
	v38 =	vsub.f32 v33, v63;
	_ =	sdelay $0x1  }
0xc4: {  	v36 =	vmul.f32 v37, v36;
	v35 =	vmul.f32 v38, v35;
	_ =	sdelay $0x1  }
0xc5: {  	v35 =	vsub.f32 v35, v36  }
0xc6: {  	s12 =	sadd.s32 $0x100, s11;
	s7 =	simm.s32 $0x0  }
0xc7: {  	s30 =	sand.u32 $0x70, s12;
	s11 =	sand.u32 $0x1800, s7;
	s13 =	sand.u32 $0x380, s7;
	vm15 =	vge.f32 v35, $0.0e+00  }
0xc8: {  	s15 =	sadd.s32 s30, s6;
	s9 =	sor.u32 s13, s11;
	v35 =	vsel vm15, $0x0, v29  }
0xc9: {  	s21 =	sadd.s32 $0x100, s15;
	[tilespmem:s9+$0x5030] =	vst v35  }
0xca: {  	s10 =	simm.s32 $0x0;
	s9 =	simm.s32 $0x100;
	v35 =	vld [tilespmem:s21+$0x0];
	s21 =	simm.s32 $0x800  }
.LBB2_8:
0xcb: {  	p1 =	sne.s32 s21, $0x7C00;
	s11 =	sadd.s32 s30, s18;
	v36 =	vld.idx.msk [tilespmem:v6+s9+$0x0 ss:$0x1], $0xffff  }
0xcc: {  	v37 =	vld.idx.msk [tilespmem:v7+s9+$0x0 ss:$0x1], $0xffff;
	s9 =	sadd.s32 s9, s11  }
0xcd: {  	v38 =	vld [tilespmem:s9+$0x0];
	_ =	sdelay $0x3  }
0xce: {  	v39 =	vsub.f32 v36, v34;
	v35 =	vsub.f32 v36, v35;
	v34 =	vmov v36  }
0xcf: {  	v36 =	vsub.f32 v37, v38;
	v38 =	vsub.f32 v37, v33;
	v33 =	vmov v37;
	_ =	sdelay $0x1  }
0xd0: {  	v36 =	vmul.f32 v36, v39;
	v35 =	vmul.f32 v35, v38;
	_ =	sdelay $0x1  }
0xd1: {  	s12 =	sadd.s32 $0x100, s12;
	v35 =	vsub.f32 v36, v35  }
.Ltmp5:
0xd2: {  	s7 =	sadd.s32 $0x100, s7;
	s10 =	sadd.s32 $0x80, s10;
	(pc) =	sbr.rel @p1 .LBB2_8-.Ltmp5, $4  }
0xd3: {  	s30 =	sand.u32 $0x70, s12;
	s11 =	sand.u32 $0x1800, s7;
	s13 =	sand.u32 $0x380, s10;
	vm0 =	vge.f32 v35, $0.0e+00  }
0xd4: {  	s15 =	sadd.s32 s30, s6;
	s9 =	sshra.s32 s21, $0x2;
	s11 =	sor.u32 s13, s11;
	v35 =	vsel vm0, $0x0, v29  }
0xd5: {  	s13 =	sadd.s32 s9, s15;
	[tilespmem:s11+$0x5030] =	vst v35  }
0xd6: {  	s21 =	sadd.s32 $0x400, s21;
	v35 =	vld [tilespmem:s13+$0x0]  }
0xd7: {  	_ =	sdelay $0x3  }
0xd8: {  	s11 =	sadd.s32 s30, s18;
	v36 =	vld.idx.msk [tilespmem:v6+s9+$0x0 ss:$0x1], $0xffff  }
0xd9: {  	v37 =	vld.idx.msk [tilespmem:v7+s9+$0x0 ss:$0x1], $0xffff;
	s21 =	sadd.s32 s9, s11  }
0xda: {  	v38 =	vld [tilespmem:s21+$0x0];
	_ =	sdelay $0x3  }
0xdb: {  	v34 =	vsub.f32 v36, v34;
	v35 =	vsub.f32 v36, v35  }
0xdc: {  	v33 =	vsub.f32 v37, v33;
	v59 =	vsub.f32 v37, v38;
	_ =	sdelay $0x1  }
0xdd: {  	v33 =	vmul.f32 v35, v33;
	v34 =	vmul.f32 v59, v34;
	_ =	sdelay $0x1  }
0xde: {  	v33 =	vsub.f32 v34, v33  }
0xdf: {  	s7 =	sadd.s32 $0x100, s7;
	s11 =	sadd.s32 $0x80, s10  }
0xe0: {  	s7 =	sand.u32 $0x1800, s7;
	s9 =	sand.u32 $0x380, s11;
	vm0 =	vge.f32 v33, $0.0e+00  }
0xe1: {  	s11 =	rddreg [dreg:$0xd];
	s7 =	sor.u32 s9, s7;
	v33 =	vsel vm0, $0x0, v29  }
0xe2: {  	s12 =	sand.u32 $0x40, s11;
	[tilespmem:s7+$0x5030] =	vst v33  }
0xe3: {  	s15 =	rddreg [dreg:$0xc];
	s13 =	sadd.s32 s12, s6;
	v60 =	vld [tilespmem:s1+$0xFFFFFF41]  }
0xe4: {  	s9 =	sadd.s32 $0x0, s13;
	v61 =	vld [tilespmem:s15+$0x2800]  }
0xe5: {  	s21 =	simm.s32 $0x0;
	v62 =	vld [tilespmem:s9+$0x0]  }
0xe6: {  	s7 =	sadd.s32 s12, s18;
	v34 =	vld.idx.msk [tilespmem:v8+s21+$0x0 ss:$0x1], $0xffff  }
0xe7: {  	v33 =	vld.idx.msk [tilespmem:v9+s21+$0x0 ss:$0x1], $0xffff;
	s7 =	sadd.s32 $0x0, s7  }
0xe8: {  	v63 =	vld [tilespmem:s7+$0x0];
	_ =	sdelay $0x3  }
0xe9: {  	v35 =	vsub.f32 v34, v60;
	v37 =	vsub.f32 v34, v62  }
0xea: {  	v36 =	vsub.f32 v33, v61;
	v38 =	vsub.f32 v33, v63;
	_ =	sdelay $0x1  }
0xeb: {  	v36 =	vmul.f32 v37, v36;
	v35 =	vmul.f32 v38, v35;
	_ =	sdelay $0x1  }
0xec: {  	v35 =	vsub.f32 v35, v36  }
0xed: {  	s12 =	sadd.s32 $0x100, s11;
	s7 =	simm.s32 $0x0  }
0xee: {  	s30 =	sand.u32 $0x40, s12;
	s11 =	sand.u32 $0x1800, s7;
	s13 =	sand.u32 $0x380, s7;
	vm15 =	vge.f32 v35, $0.0e+00  }
0xef: {  	s15 =	sadd.s32 s30, s6;
	s9 =	sor.u32 s13, s11;
	v35 =	vsel vm15, $0x0, v29  }
0xf0: {  	s21 =	sadd.s32 $0x100, s15;
	[tilespmem:s9+$0x5040] =	vst v35  }
0xf1: {  	s10 =	simm.s32 $0x0;
	s9 =	simm.s32 $0x100;
	v35 =	vld [tilespmem:s21+$0x0];
	s21 =	simm.s32 $0x800  }
.LBB2_10:
0xf2: {  	p1 =	sne.s32 s21, $0x7C00;
	s11 =	sadd.s32 s30, s18;
	v36 =	vld.idx.msk [tilespmem:v8+s9+$0x0 ss:$0x1], $0xffff  }
0xf3: {  	v37 =	vld.idx.msk [tilespmem:v9+s9+$0x0 ss:$0x1], $0xffff;
	s9 =	sadd.s32 s9, s11  }
0xf4: {  	v38 =	vld [tilespmem:s9+$0x0];
	_ =	sdelay $0x3  }
0xf5: {  	v39 =	vsub.f32 v36, v34;
	v35 =	vsub.f32 v36, v35;
	v34 =	vmov v36  }
0xf6: {  	v36 =	vsub.f32 v37, v38;
	v38 =	vsub.f32 v37, v33;
	v33 =	vmov v37;
	_ =	sdelay $0x1  }
0xf7: {  	v36 =	vmul.f32 v36, v39;
	v35 =	vmul.f32 v35, v38;
	_ =	sdelay $0x1  }
0xf8: {  	s12 =	sadd.s32 $0x100, s12;
	v35 =	vsub.f32 v36, v35  }
.Ltmp6:
0xf9: {  	s7 =	sadd.s32 $0x100, s7;
	s10 =	sadd.s32 $0x80, s10;
	(pc) =	sbr.rel @p1 .LBB2_10-.Ltmp6, $4  }
0xfa: {  	s30 =	sand.u32 $0x40, s12;
	s11 =	sand.u32 $0x1800, s7;
	s13 =	sand.u32 $0x380, s10;
	vm0 =	vge.f32 v35, $0.0e+00  }
0xfb: {  	s15 =	sadd.s32 s30, s6;
	s9 =	sshra.s32 s21, $0x2;
	s11 =	sor.u32 s13, s11;
	v35 =	vsel vm0, $0x0, v29  }
0xfc: {  	s13 =	sadd.s32 s9, s15;
	[tilespmem:s11+$0x5040] =	vst v35  }
0xfd: {  	s21 =	sadd.s32 $0x400, s21;
	v35 =	vld [tilespmem:s13+$0x0]  }
0xfe: {  	_ =	sdelay $0x3  }
0xff: {  	s11 =	sadd.s32 s30, s18;
	v36 =	vld.idx.msk [tilespmem:v8+s9+$0x0 ss:$0x1], $0xffff  }
0x100: {  	v37 =	vld.idx.msk [tilespmem:v9+s9+$0x0 ss:$0x1], $0xffff;
	s21 =	sadd.s32 s9, s11  }
0x101: {  	v38 =	vld [tilespmem:s21+$0x0];
	_ =	sdelay $0x3  }
0x102: {  	v34 =	vsub.f32 v36, v34;
	v35 =	vsub.f32 v36, v35  }
0x103: {  	v33 =	vsub.f32 v37, v33;
	v59 =	vsub.f32 v37, v38;
	_ =	sdelay $0x1  }
0x104: {  	v33 =	vmul.f32 v35, v33;
	v34 =	vmul.f32 v59, v34;
	_ =	sdelay $0x1  }
0x105: {  	v33 =	vsub.f32 v34, v33  }
0x106: {  	s7 =	sadd.s32 $0x100, s7;
	s11 =	sadd.s32 $0x80, s10  }
0x107: {  	s7 =	sand.u32 $0x1800, s7;
	s9 =	sand.u32 $0x380, s11;
	vm0 =	vge.f32 v33, $0.0e+00  }
0x108: {  	s7 =	sor.u32 s9, s7;
	v33 =	vsel vm0, $0x0, v29  }
0x109: {  	s12 =	sand.u32 $0x70, s17;
	[tilespmem:s7+$0x5040] =	vst v33  }
0x10a: {  	s15 =	rddreg [dreg:$0xe];
	s13 =	sadd.s32 s12, s6;
	v60 =	vld [tilespmem:s1+$0xFFFFFF51]  }
0x10b: {  	s9 =	sadd.s32 $0x0, s13;
	v61 =	vld [tilespmem:s15+$0x2800]  }
0x10c: {  	s21 =	simm.s32 $0x0;
	v62 =	vld [tilespmem:s9+$0x0]  }
0x10d: {  	s7 =	sadd.s32 s12, s18;
	v34 =	vld.idx.msk [tilespmem:v10+s21+$0x0 ss:$0x1], $0xffff  }
0x10e: {  	v33 =	vld.idx.msk [tilespmem:v11+s21+$0x0 ss:$0x1], $0xffff;
	s7 =	sadd.s32 $0x0, s7  }
0x10f: {  	v63 =	vld [tilespmem:s7+$0x0];
	_ =	sdelay $0x3  }
0x110: {  	v35 =	vsub.f32 v34, v60;
	v37 =	vsub.f32 v34, v62  }
0x111: {  	v36 =	vsub.f32 v33, v61;
	v38 =	vsub.f32 v33, v63;
	_ =	sdelay $0x1  }
0x112: {  	v36 =	vmul.f32 v37, v36;
	v35 =	vmul.f32 v38, v35;
	_ =	sdelay $0x1  }
0x113: {  	v35 =	vsub.f32 v35, v36  }
0x114: {  	s12 =	sadd.s32 $0x100, s17;
	s7 =	simm.s32 $0x0  }
0x115: {  	s30 =	sand.u32 $0x70, s12;
	s11 =	sand.u32 $0x1800, s7;
	s13 =	sand.u32 $0x380, s7;
	vm15 =	vge.f32 v35, $0.0e+00  }
0x116: {  	s15 =	sadd.s32 s30, s6;
	s9 =	sor.u32 s13, s11;
	v35 =	vsel vm15, $0x0, v29  }
0x117: {  	s21 =	sadd.s32 $0x100, s15;
	[tilespmem:s9+$0x5050] =	vst v35  }
0x118: {  	s10 =	simm.s32 $0x0;
	s9 =	simm.s32 $0x100;
	v35 =	vld [tilespmem:s21+$0x0];
	s21 =	simm.s32 $0x800  }
.LBB2_12:
0x119: {  	p1 =	sne.s32 s21, $0x7C00;
	s11 =	sadd.s32 s30, s18;
	v36 =	vld.idx.msk [tilespmem:v10+s9+$0x0 ss:$0x1], $0xffff  }
0x11a: {  	v37 =	vld.idx.msk [tilespmem:v11+s9+$0x0 ss:$0x1], $0xffff;
	s9 =	sadd.s32 s9, s11  }
0x11b: {  	v38 =	vld [tilespmem:s9+$0x0];
	_ =	sdelay $0x3  }
0x11c: {  	v39 =	vsub.f32 v36, v34;
	v35 =	vsub.f32 v36, v35;
	v34 =	vmov v36  }
0x11d: {  	v36 =	vsub.f32 v37, v38;
	v38 =	vsub.f32 v37, v33;
	v33 =	vmov v37;
	_ =	sdelay $0x1  }
0x11e: {  	v36 =	vmul.f32 v36, v39;
	v35 =	vmul.f32 v35, v38;
	_ =	sdelay $0x1  }
0x11f: {  	s12 =	sadd.s32 $0x100, s12;
	v35 =	vsub.f32 v36, v35  }
.Ltmp7:
0x120: {  	s7 =	sadd.s32 $0x100, s7;
	s10 =	sadd.s32 $0x80, s10;
	(pc) =	sbr.rel @p1 .LBB2_12-.Ltmp7, $4  }
0x121: {  	s30 =	sand.u32 $0x70, s12;
	s11 =	sand.u32 $0x1800, s7;
	s13 =	sand.u32 $0x380, s10;
	vm0 =	vge.f32 v35, $0.0e+00  }
0x122: {  	s15 =	sadd.s32 s30, s6;
	s9 =	sshra.s32 s21, $0x2;
	s11 =	sor.u32 s13, s11;
	v35 =	vsel vm0, $0x0, v29  }
0x123: {  	s13 =	sadd.s32 s9, s15;
	[tilespmem:s11+$0x5050] =	vst v35  }
0x124: {  	s21 =	sadd.s32 $0x400, s21;
	v35 =	vld [tilespmem:s13+$0x0]  }
0x125: {  	_ =	sdelay $0x3  }
0x126: {  	s11 =	sadd.s32 s30, s18;
	v36 =	vld.idx.msk [tilespmem:v10+s9+$0x0 ss:$0x1], $0xffff  }
0x127: {  	v37 =	vld.idx.msk [tilespmem:v11+s9+$0x0 ss:$0x1], $0xffff;
	s21 =	sadd.s32 s9, s11  }
0x128: {  	v38 =	vld [tilespmem:s21+$0x0];
	_ =	sdelay $0x3  }
0x129: {  	v34 =	vsub.f32 v36, v34;
	v35 =	vsub.f32 v36, v35  }
0x12a: {  	v33 =	vsub.f32 v37, v33;
	v59 =	vsub.f32 v37, v38;
	_ =	sdelay $0x1  }
0x12b: {  	v33 =	vmul.f32 v35, v33;
	v34 =	vmul.f32 v59, v34;
	_ =	sdelay $0x1  }
0x12c: {  	v33 =	vsub.f32 v34, v33  }
0x12d: {  	s7 =	sadd.s32 $0x100, s7;
	s11 =	sadd.s32 $0x80, s10  }
0x12e: {  	s7 =	sand.u32 $0x1800, s7;
	s9 =	sand.u32 $0x380, s11;
	vm0 =	vge.f32 v33, $0.0e+00  }
0x12f: {  	s7 =	sor.u32 s9, s7;
	v33 =	vsel vm0, $0x0, v29  }
0x130: {  	s12 =	sand.u32 $0x60, s19;
	[tilespmem:s7+$0x5050] =	vst v33  }
0x131: {  	s15 =	rddreg [dreg:$0xf];
	s13 =	sadd.s32 s12, s6;
	v60 =	vld [tilespmem:s1+$0xFFFFFF61]  }
0x132: {  	s9 =	sadd.s32 $0x0, s13;
	v61 =	vld [tilespmem:s15+$0x2800]  }
0x133: {  	s21 =	simm.s32 $0x0;
	v62 =	vld [tilespmem:s9+$0x0]  }
0x134: {  	s7 =	sadd.s32 s12, s18;
	v34 =	vld.idx.msk [tilespmem:v12+s21+$0x0 ss:$0x1], $0xffff  }
0x135: {  	v33 =	vld.idx.msk [tilespmem:v13+s21+$0x0 ss:$0x1], $0xffff;
	s7 =	sadd.s32 $0x0, s7  }
0x136: {  	v63 =	vld [tilespmem:s7+$0x0];
	_ =	sdelay $0x3  }
0x137: {  	v35 =	vsub.f32 v34, v60;
	v37 =	vsub.f32 v34, v62  }
0x138: {  	v36 =	vsub.f32 v33, v61;
	v38 =	vsub.f32 v33, v63;
	_ =	sdelay $0x1  }
0x139: {  	v36 =	vmul.f32 v37, v36;
	v35 =	vmul.f32 v38, v35;
	_ =	sdelay $0x1  }
0x13a: {  	v35 =	vsub.f32 v35, v36  }
0x13b: {  	s12 =	sadd.s32 $0x100, s19;
	s7 =	simm.s32 $0x0  }
0x13c: {  	s30 =	sand.u32 $0x60, s12;
	s11 =	sand.u32 $0x1800, s7;
	s13 =	sand.u32 $0x380, s7;
	vm15 =	vge.f32 v35, $0.0e+00  }
0x13d: {  	s15 =	sadd.s32 s30, s6;
	s9 =	sor.u32 s13, s11;
	v35 =	vsel vm15, $0x0, v29  }
0x13e: {  	s21 =	sadd.s32 $0x100, s15;
	[tilespmem:s9+$0x5060] =	vst v35  }
0x13f: {  	s10 =	simm.s32 $0x0;
	s9 =	simm.s32 $0x100;
	v35 =	vld [tilespmem:s21+$0x0];
	s21 =	simm.s32 $0x800  }
.LBB2_14:
0x140: {  	p1 =	sne.s32 s21, $0x7C00;
	s11 =	sadd.s32 s30, s18;
	v36 =	vld.idx.msk [tilespmem:v12+s9+$0x0 ss:$0x1], $0xffff  }
0x141: {  	v37 =	vld.idx.msk [tilespmem:v13+s9+$0x0 ss:$0x1], $0xffff;
	s9 =	sadd.s32 s9, s11  }
0x142: {  	v38 =	vld [tilespmem:s9+$0x0];
	_ =	sdelay $0x3  }
0x143: {  	v39 =	vsub.f32 v36, v34;
	v35 =	vsub.f32 v36, v35;
	v34 =	vmov v36  }
0x144: {  	v36 =	vsub.f32 v37, v38;
	v38 =	vsub.f32 v37, v33;
	v33 =	vmov v37;
	_ =	sdelay $0x1  }
0x145: {  	v36 =	vmul.f32 v36, v39;
	v35 =	vmul.f32 v35, v38;
	_ =	sdelay $0x1  }
0x146: {  	s12 =	sadd.s32 $0x100, s12;
	v35 =	vsub.f32 v36, v35  }
.Ltmp8:
0x147: {  	s7 =	sadd.s32 $0x100, s7;
	s10 =	sadd.s32 $0x80, s10;
	(pc) =	sbr.rel @p1 .LBB2_14-.Ltmp8, $4  }
0x148: {  	s30 =	sand.u32 $0x60, s12;
	s11 =	sand.u32 $0x1800, s7;
	s13 =	sand.u32 $0x380, s10;
	vm0 =	vge.f32 v35, $0.0e+00  }
0x149: {  	s15 =	sadd.s32 s30, s6;
	s9 =	sshra.s32 s21, $0x2;
	s11 =	sor.u32 s13, s11;
	v35 =	vsel vm0, $0x0, v29  }
0x14a: {  	s13 =	sadd.s32 s9, s15;
	[tilespmem:s11+$0x5060] =	vst v35  }
0x14b: {  	s21 =	sadd.s32 $0x400, s21;
	v35 =	vld [tilespmem:s13+$0x0]  }
0x14c: {  	_ =	sdelay $0x3  }
0x14d: {  	s11 =	sadd.s32 s30, s18;
	v36 =	vld.idx.msk [tilespmem:v12+s9+$0x0 ss:$0x1], $0xffff  }
0x14e: {  	v37 =	vld.idx.msk [tilespmem:v13+s9+$0x0 ss:$0x1], $0xffff;
	s21 =	sadd.s32 s9, s11  }
0x14f: {  	v38 =	vld [tilespmem:s21+$0x0];
	_ =	sdelay $0x3  }
0x150: {  	v34 =	vsub.f32 v36, v34;
	v35 =	vsub.f32 v36, v35  }
0x151: {  	v33 =	vsub.f32 v37, v33;
	v59 =	vsub.f32 v37, v38;
	_ =	sdelay $0x1  }
0x152: {  	v33 =	vmul.f32 v35, v33;
	v34 =	vmul.f32 v59, v34;
	_ =	sdelay $0x1  }
0x153: {  	v33 =	vsub.f32 v34, v33  }
0x154: {  	s7 =	sadd.s32 $0x100, s7;
	s11 =	sadd.s32 $0x80, s10  }
0x155: {  	s7 =	sand.u32 $0x1800, s7;
	s9 =	sand.u32 $0x380, s11;
	vm0 =	vge.f32 v33, $0.0e+00  }
0x156: {  	s7 =	sor.u32 s9, s7;
	v33 =	vsel vm0, $0x0, v29  }
0x157: {  	s12 =	sand.u32 $0x70, s22;
	[tilespmem:s7+$0x5060] =	vst v33  }
0x158: {  	s15 =	rddreg [dreg:$0x10];
	s13 =	sadd.s32 s12, s6;
	v60 =	vld [tilespmem:s1+$0xFFFFFF71]  }
0x159: {  	s9 =	sadd.s32 $0x0, s13;
	v61 =	vld [tilespmem:s15+$0x2800]  }
0x15a: {  	s21 =	simm.s32 $0x0;
	v62 =	vld [tilespmem:s9+$0x0]  }
0x15b: {  	s7 =	sadd.s32 s12, s18;
	v34 =	vld.idx.msk [tilespmem:v14+s21+$0x0 ss:$0x1], $0xffff  }
0x15c: {  	v33 =	vld.idx.msk [tilespmem:v15+s21+$0x0 ss:$0x1], $0xffff;
	s7 =	sadd.s32 $0x0, s7  }
0x15d: {  	v63 =	vld [tilespmem:s7+$0x0];
	_ =	sdelay $0x3  }
0x15e: {  	v35 =	vsub.f32 v34, v60;
	v37 =	vsub.f32 v34, v62  }
0x15f: {  	v36 =	vsub.f32 v33, v61;
	v38 =	vsub.f32 v33, v63;
	_ =	sdelay $0x1  }
0x160: {  	v36 =	vmul.f32 v37, v36;
	v35 =	vmul.f32 v38, v35;
	_ =	sdelay $0x1  }
0x161: {  	v35 =	vsub.f32 v35, v36  }
0x162: {  	s12 =	sadd.s32 $0x100, s22;
	s7 =	simm.s32 $0x0  }
0x163: {  	s30 =	sand.u32 $0x70, s12;
	s11 =	sand.u32 $0x1800, s7;
	s13 =	sand.u32 $0x380, s7;
	vm15 =	vge.f32 v35, $0.0e+00  }
0x164: {  	s15 =	sadd.s32 s30, s6;
	s9 =	sor.u32 s13, s11;
	v35 =	vsel vm15, $0x0, v29  }
0x165: {  	s21 =	sadd.s32 $0x100, s15;
	[tilespmem:s9+$0x5070] =	vst v35  }
0x166: {  	s10 =	simm.s32 $0x0;
	s9 =	simm.s32 $0x100;
	v35 =	vld [tilespmem:s21+$0x0];
	s21 =	simm.s32 $0x800  }
.LBB2_16:
0x167: {  	p1 =	sne.s32 s21, $0x7C00;
	s11 =	sadd.s32 s30, s18;
	v36 =	vld.idx.msk [tilespmem:v14+s9+$0x0 ss:$0x1], $0xffff  }
0x168: {  	v37 =	vld.idx.msk [tilespmem:v15+s9+$0x0 ss:$0x1], $0xffff;
	s9 =	sadd.s32 s9, s11  }
0x169: {  	v38 =	vld [tilespmem:s9+$0x0];
	_ =	sdelay $0x3  }
0x16a: {  	v39 =	vsub.f32 v36, v34;
	v35 =	vsub.f32 v36, v35;
	v34 =	vmov v36  }
0x16b: {  	v36 =	vsub.f32 v37, v38;
	v38 =	vsub.f32 v37, v33;
	v33 =	vmov v37;
	_ =	sdelay $0x1  }
0x16c: {  	v36 =	vmul.f32 v36, v39;
	v35 =	vmul.f32 v35, v38;
	_ =	sdelay $0x1  }
0x16d: {  	s12 =	sadd.s32 $0x100, s12;
	v35 =	vsub.f32 v36, v35  }
.Ltmp9:
0x16e: {  	s7 =	sadd.s32 $0x100, s7;
	s10 =	sadd.s32 $0x80, s10;
	(pc) =	sbr.rel @p1 .LBB2_16-.Ltmp9, $4  }
0x16f: {  	s30 =	sand.u32 $0x70, s12;
	s11 =	sand.u32 $0x1800, s7;
	s13 =	sand.u32 $0x380, s10;
	vm0 =	vge.f32 v35, $0.0e+00  }
0x170: {  	s15 =	sadd.s32 s30, s6;
	s9 =	sshra.s32 s21, $0x2;
	s11 =	sor.u32 s13, s11;
	v35 =	vsel vm0, $0x0, v29  }
0x171: {  	s13 =	sadd.s32 s9, s15;
	[tilespmem:s11+$0x5070] =	vst v35  }
0x172: {  	s21 =	sadd.s32 $0x400, s21;
	v35 =	vld [tilespmem:s13+$0x0]  }
0x173: {  	_ =	sdelay $0x3  }
0x174: {  	s11 =	sadd.s32 s30, s18;
	v36 =	vld.idx.msk [tilespmem:v14+s9+$0x0 ss:$0x1], $0xffff  }
0x175: {  	v37 =	vld.idx.msk [tilespmem:v15+s9+$0x0 ss:$0x1], $0xffff;
	s11 =	sadd.s32 s9, s11  }
0x176: {  	v38 =	vld [tilespmem:s11+$0x0];
	_ =	sdelay $0x3  }
0x177: {  	v34 =	vsub.f32 v36, v34;
	v35 =	vsub.f32 v36, v35  }
0x178: {  	v33 =	vsub.f32 v37, v33;
	v59 =	vsub.f32 v37, v38;
	_ =	sdelay $0x1  }
0x179: {  	v33 =	vmul.f32 v35, v33;
	v34 =	vmul.f32 v59, v34;
	_ =	sdelay $0x1  }
0x17a: {  	v33 =	vsub.f32 v34, v33  }
0x17b: {  	s7 =	sadd.s32 $0x100, s7;
	s12 =	sadd.s32 $0x80, s10  }
0x17c: {  	s7 =	sand.u32 $0x1800, s7;
	s9 =	sand.u32 $0x380, s12;
	vm0 =	vge.f32 v33, $0.0e+00  }
0x17d: {  	s7 =	sor.u32 s9, s7;
	v33 =	vsel vm0, $0x0, v29  }
0x17e: {  	[tilespmem:s7+$0x5070] =	vst v33  }
0x17f: {  	s13 =	rddreg [dreg:$0x12];
	v60 =	vld [tilespmem:s1+$0xFFFFFF81]  }
0x180: {  	v61 =	vld [tilespmem:s13+$0x2800]  }
0x181: {  	v62 =	vld [tilespmem:s23+$0xFFFFFFFF]  }
0x182: {  	v63 =	vld [tilespmem:s20+$0xFFFFFFFF]  }
0x183: {  	v34 =	vld [tilespmem:s20+$0x0]  }
0x184: {  	v33 =	vld [tilespmem:s23+$0x0];
	_ =	sdelay $0x3  }
0x185: {  	v35 =	vsub.f32 v34, v60;
	v38 =	vsub.f32 v34, v63  }
0x186: {  	v37 =	vsub.f32 v33, v62;
	v36 =	vsub.f32 v33, v61;
	_ =	sdelay $0x1  }
0x187: {  	v35 =	vmul.f32 v37, v35;
	v36 =	vmul.f32 v38, v36;
	_ =	sdelay $0x1  }
0x188: {  	v35 =	vsub.f32 v35, v36  }
0x189: {  	s7 =	simm.s32 $0x0  }
0x18a: {  	s15 =	sand.u32 $0x1800, s7;
	s21 =	sand.u32 $0x380, s7;
	vm15 =	vge.f32 v35, $0.0e+00  }
0x18b: {  	s9 =	sor.u32 s21, s15;
	v35 =	vsel vm15, $0x0, v29  }
0x18c: {  	s12 =	sadd.s32 $0x100, s23;
	[tilespmem:s9+$0x5400] =	vst v35  }
0x18d: {  	s21 =	sadd.s32 $0x100, s20;
	v35 =	vld [tilespmem:s12+$0xFFFFFFFF]  }
0x18e: {  	v36 =	vld [tilespmem:s21+$0xFFFFFFFF]  }
0x18f: {  	v38 =	vld [tilespmem:s21+$0x0]  }
0x190: {  	s10 =	simm.s32 $0x80;
	s30 =	simm.s32 $0x100;
	v37 =	vld [tilespmem:s12+$0x0]  }
.LBB2_18:
0x191: {  	p1 =	sne.s32 s30, $0xF80;
	_ =	sdelay $0x2  }
0x192: {  	v39 =	vsub.f32 v38, v34;
	v36 =	vsub.f32 v38, v36;
	v34 =	vmov v38  }
0x193: {  	v35 =	vsub.f32 v37, v35;
	v38 =	vsub.f32 v37, v33;
	v33 =	vmov v37;
	_ =	sdelay $0x1  }
0x194: {  	v35 =	vmul.f32 v35, v39;
	v36 =	vmul.f32 v36, v38;
	_ =	sdelay $0x1  }
0x195: {  	v35 =	vsub.f32 v35, v36  }
0x196: {  	s7 =	sadd.s32 $0x100, s7  }
0x197: {  	s11 =	sand.u32 $0x380, s10;
	s10 =	smov.u32 s30;
	s9 =	sand.u32 $0x1800, s7;
	vm0 =	vge.f32 v35, $0.0e+00  }
0x198: {  	s9 =	sor.u32 s11, s9;
	v35 =	vsel vm0, $0x0, v29  }
.Ltmp10:
0x199: {  	s12 =	sadd.s32 $0x100, s12;
	[tilespmem:s9+$0x5400] =	vst v35;
	(pc) =	sbr.rel @p1 .LBB2_18-.Ltmp10, $4  }
0x19a: {  	s21 =	sadd.s32 $0x100, s21;
	v35 =	vld [tilespmem:s12+$0xFFFFFFFF]  }
0x19b: {  	v36 =	vld [tilespmem:s21+$0xFFFFFFFF]  }
0x19c: {  	v38 =	vld [tilespmem:s21+$0x0]  }
0x19d: {  	s30 =	sadd.s32 $0x80, s30;
	v37 =	vld [tilespmem:s12+$0x0]  }
0x19e: {  	_ =	sdelay $0x2  }
0x19f: {  	v34 =	vsub.f32 v38, v34;
	v36 =	vsub.f32 v38, v36  }
0x1a0: {  	v35 =	vsub.f32 v37, v35;
	v33 =	vsub.f32 v37, v33;
	_ =	sdelay $0x1  }
0x1a1: {  	v34 =	vmul.f32 v35, v34;
	v33 =	vmul.f32 v36, v33;
	_ =	sdelay $0x1  }
0x1a2: {  	v33 =	vsub.f32 v34, v33  }
0x1a3: {  	s7 =	sadd.s32 $0x100, s7  }
0x1a4: {  	s9 =	sand.u32 $0x380, s10;
	s7 =	sand.u32 $0x1800, s7;
	vm0 =	vge.f32 v33, $0.0e+00  }
0x1a5: {  	s7 =	sor.u32 s9, s7;
	v33 =	vsel vm0, $0x0, v29  }
0x1a6: {  	s15 =	sand.u32 $0x70, s26;
	[tilespmem:s7+$0x5400] =	vst v33  }
0x1a7: {  	s11 =	rddreg [dreg:$0x13];
	s21 =	sadd.s32 s15, s24;
	v60 =	vld [tilespmem:s1+$0xFFFFFF91]  }
0x1a8: {  	s9 =	sadd.s32 $0x0, s21;
	v61 =	vld [tilespmem:s11+$0x2800]  }
0x1a9: {  	s12 =	simm.s32 $0x0;
	v62 =	vld [tilespmem:s9+$0x0]  }
0x1aa: {  	s7 =	sadd.s32 s15, s25;
	v34 =	vld.idx.msk [tilespmem:v16+s12+$0x0 ss:$0x1], $0xffff  }
0x1ab: {  	v33 =	vld.idx.msk [tilespmem:v17+s12+$0x0 ss:$0x1], $0xffff;
	s7 =	sadd.s32 $0x0, s7  }
0x1ac: {  	v63 =	vld [tilespmem:s7+$0x0];
	_ =	sdelay $0x3  }
0x1ad: {  	v35 =	vsub.f32 v34, v60;
	v37 =	vsub.f32 v34, v62  }
0x1ae: {  	v36 =	vsub.f32 v33, v61;
	v38 =	vsub.f32 v33, v63;
	_ =	sdelay $0x1  }
0x1af: {  	v36 =	vmul.f32 v37, v36;
	v35 =	vmul.f32 v38, v35;
	_ =	sdelay $0x1  }
0x1b0: {  	v35 =	vsub.f32 v35, v36  }
0x1b1: {  	s12 =	sadd.s32 $0x100, s26;
	s7 =	simm.s32 $0x0  }
0x1b2: {  	s30 =	sand.u32 $0x70, s12;
	s13 =	sand.u32 $0x1800, s7;
	s15 =	sand.u32 $0x380, s7;
	vm15 =	vge.f32 v35, $0.0e+00  }
0x1b3: {  	s11 =	sadd.s32 s30, s24;
	s9 =	sor.u32 s15, s13;
	v35 =	vsel vm15, $0x0, v29  }
0x1b4: {  	s21 =	sadd.s32 $0x100, s11;
	[tilespmem:s9+$0x5410] =	vst v35  }
0x1b5: {  	s10 =	simm.s32 $0x0;
	s9 =	simm.s32 $0x100;
	v35 =	vld [tilespmem:s21+$0x0];
	s21 =	simm.s32 $0x800  }
.LBB2_20:
0x1b6: {  	p1 =	sne.s32 s21, $0x7C00;
	s11 =	sadd.s32 s30, s25;
	v36 =	vld.idx.msk [tilespmem:v16+s9+$0x0 ss:$0x1], $0xffff  }
0x1b7: {  	v37 =	vld.idx.msk [tilespmem:v17+s9+$0x0 ss:$0x1], $0xffff;
	s9 =	sadd.s32 s9, s11  }
0x1b8: {  	v38 =	vld [tilespmem:s9+$0x0];
	_ =	sdelay $0x3  }
0x1b9: {  	v39 =	vsub.f32 v36, v34;
	v35 =	vsub.f32 v36, v35;
	v34 =	vmov v36  }
0x1ba: {  	v36 =	vsub.f32 v37, v38;
	v38 =	vsub.f32 v37, v33;
	v33 =	vmov v37;
	_ =	sdelay $0x1  }
0x1bb: {  	v36 =	vmul.f32 v36, v39;
	v35 =	vmul.f32 v35, v38;
	_ =	sdelay $0x1  }
0x1bc: {  	s12 =	sadd.s32 $0x100, s12;
	v35 =	vsub.f32 v36, v35  }
.Ltmp11:
0x1bd: {  	s7 =	sadd.s32 $0x100, s7;
	s10 =	sadd.s32 $0x80, s10;
	(pc) =	sbr.rel @p1 .LBB2_20-.Ltmp11, $4  }
0x1be: {  	s30 =	sand.u32 $0x70, s12;
	s11 =	sand.u32 $0x1800, s7;
	s13 =	sand.u32 $0x380, s10;
	vm0 =	vge.f32 v35, $0.0e+00  }
0x1bf: {  	s15 =	sadd.s32 s30, s24;
	s9 =	sshra.s32 s21, $0x2;
	s11 =	sor.u32 s13, s11;
	v35 =	vsel vm0, $0x0, v29  }
0x1c0: {  	s13 =	sadd.s32 s9, s15;
	[tilespmem:s11+$0x5410] =	vst v35  }
0x1c1: {  	s21 =	sadd.s32 $0x400, s21;
	v35 =	vld [tilespmem:s13+$0x0]  }
0x1c2: {  	_ =	sdelay $0x3  }
0x1c3: {  	s11 =	sadd.s32 s30, s25;
	v36 =	vld.idx.msk [tilespmem:v16+s9+$0x0 ss:$0x1], $0xffff  }
0x1c4: {  	v37 =	vld.idx.msk [tilespmem:v17+s9+$0x0 ss:$0x1], $0xffff;
	s21 =	sadd.s32 s9, s11  }
0x1c5: {  	v38 =	vld [tilespmem:s21+$0x0];
	_ =	sdelay $0x3  }
0x1c6: {  	v34 =	vsub.f32 v36, v34;
	v35 =	vsub.f32 v36, v35  }
0x1c7: {  	v33 =	vsub.f32 v37, v33;
	v59 =	vsub.f32 v37, v38;
	_ =	sdelay $0x1  }
0x1c8: {  	v33 =	vmul.f32 v35, v33;
	v34 =	vmul.f32 v59, v34;
	_ =	sdelay $0x1  }
0x1c9: {  	v33 =	vsub.f32 v34, v33  }
0x1ca: {  	s7 =	sadd.s32 $0x100, s7;
	s11 =	sadd.s32 $0x80, s10  }
0x1cb: {  	s7 =	sand.u32 $0x1800, s7;
	s9 =	sand.u32 $0x380, s11;
	vm0 =	vge.f32 v33, $0.0e+00  }
0x1cc: {  	s7 =	sor.u32 s9, s7;
	v33 =	vsel vm0, $0x0, v29  }
0x1cd: {  	s12 =	sand.u32 $0x60, s29;
	[tilespmem:s7+$0x5410] =	vst v33  }
0x1ce: {  	s15 =	rddreg [dreg:$0x15];
	s13 =	sadd.s32 s12, s24;
	v60 =	vld [tilespmem:s1+$0xFFFFFFA1]  }
0x1cf: {  	s9 =	sadd.s32 $0x0, s13;
	v61 =	vld [tilespmem:s15+$0x2800]  }
0x1d0: {  	s21 =	simm.s32 $0x0;
	v62 =	vld [tilespmem:s9+$0x0]  }
0x1d1: {  	s7 =	sadd.s32 s12, s25;
	v34 =	vld.idx.msk [tilespmem:v18+s21+$0x0 ss:$0x1], $0xffff  }
0x1d2: {  	v33 =	vld.idx.msk [tilespmem:v19+s21+$0x0 ss:$0x1], $0xffff;
	s7 =	sadd.s32 $0x0, s7  }
0x1d3: {  	v63 =	vld [tilespmem:s7+$0x0];
	_ =	sdelay $0x3  }
0x1d4: {  	v35 =	vsub.f32 v34, v60;
	v37 =	vsub.f32 v34, v62  }
0x1d5: {  	v36 =	vsub.f32 v33, v61;
	v38 =	vsub.f32 v33, v63;
	_ =	sdelay $0x1  }
0x1d6: {  	v36 =	vmul.f32 v37, v36;
	v35 =	vmul.f32 v38, v35;
	_ =	sdelay $0x1  }
0x1d7: {  	v35 =	vsub.f32 v35, v36  }
0x1d8: {  	s12 =	sadd.s32 $0x100, s29;
	s7 =	simm.s32 $0x0  }
0x1d9: {  	s30 =	sand.u32 $0x60, s12;
	s11 =	sand.u32 $0x1800, s7;
	s13 =	sand.u32 $0x380, s7;
	vm15 =	vge.f32 v35, $0.0e+00  }
0x1da: {  	s15 =	sadd.s32 s30, s24;
	s9 =	sor.u32 s13, s11;
	v35 =	vsel vm15, $0x0, v29  }
0x1db: {  	s21 =	sadd.s32 $0x100, s15;
	[tilespmem:s9+$0x5420] =	vst v35  }
0x1dc: {  	s10 =	simm.s32 $0x0;
	s9 =	simm.s32 $0x100;
	v35 =	vld [tilespmem:s21+$0x0];
	s21 =	simm.s32 $0x800  }
.LBB2_22:
0x1dd: {  	p1 =	sne.s32 s21, $0x7C00;
	s11 =	sadd.s32 s30, s25;
	v36 =	vld.idx.msk [tilespmem:v18+s9+$0x0 ss:$0x1], $0xffff  }
0x1de: {  	v37 =	vld.idx.msk [tilespmem:v19+s9+$0x0 ss:$0x1], $0xffff;
	s9 =	sadd.s32 s9, s11  }
0x1df: {  	v38 =	vld [tilespmem:s9+$0x0];
	_ =	sdelay $0x3  }
0x1e0: {  	v39 =	vsub.f32 v36, v34;
	v35 =	vsub.f32 v36, v35;
	v34 =	vmov v36  }
0x1e1: {  	v36 =	vsub.f32 v37, v38;
	v38 =	vsub.f32 v37, v33;
	v33 =	vmov v37;
	_ =	sdelay $0x1  }
0x1e2: {  	v36 =	vmul.f32 v36, v39;
	v35 =	vmul.f32 v35, v38;
	_ =	sdelay $0x1  }
0x1e3: {  	s12 =	sadd.s32 $0x100, s12;
	v35 =	vsub.f32 v36, v35  }
.Ltmp12:
0x1e4: {  	s7 =	sadd.s32 $0x100, s7;
	s10 =	sadd.s32 $0x80, s10;
	(pc) =	sbr.rel @p1 .LBB2_22-.Ltmp12, $4  }
0x1e5: {  	s30 =	sand.u32 $0x60, s12;
	s11 =	sand.u32 $0x1800, s7;
	s13 =	sand.u32 $0x380, s10;
	vm0 =	vge.f32 v35, $0.0e+00  }
0x1e6: {  	s15 =	sadd.s32 s30, s24;
	s9 =	sshra.s32 s21, $0x2;
	s11 =	sor.u32 s13, s11;
	v35 =	vsel vm0, $0x0, v29  }
0x1e7: {  	s13 =	sadd.s32 s9, s15;
	[tilespmem:s11+$0x5420] =	vst v35  }
0x1e8: {  	s21 =	sadd.s32 $0x400, s21;
	v35 =	vld [tilespmem:s13+$0x0]  }
0x1e9: {  	_ =	sdelay $0x3  }
0x1ea: {  	s11 =	sadd.s32 s30, s25;
	v36 =	vld.idx.msk [tilespmem:v18+s9+$0x0 ss:$0x1], $0xffff  }
0x1eb: {  	v37 =	vld.idx.msk [tilespmem:v19+s9+$0x0 ss:$0x1], $0xffff;
	s21 =	sadd.s32 s9, s11  }
0x1ec: {  	v38 =	vld [tilespmem:s21+$0x0];
	_ =	sdelay $0x3  }
0x1ed: {  	v34 =	vsub.f32 v36, v34;
	v35 =	vsub.f32 v36, v35  }
0x1ee: {  	v33 =	vsub.f32 v37, v33;
	v59 =	vsub.f32 v37, v38;
	_ =	sdelay $0x1  }
0x1ef: {  	v33 =	vmul.f32 v35, v33;
	v34 =	vmul.f32 v59, v34;
	_ =	sdelay $0x1  }
0x1f0: {  	v33 =	vsub.f32 v34, v33  }
0x1f1: {  	s7 =	sadd.s32 $0x100, s7;
	s11 =	sadd.s32 $0x80, s10  }
0x1f2: {  	s7 =	sand.u32 $0x1800, s7;
	s9 =	sand.u32 $0x380, s11;
	vm0 =	vge.f32 v33, $0.0e+00  }
0x1f3: {  	s7 =	sor.u32 s9, s7;
	v33 =	vsel vm0, $0x0, v29  }
0x1f4: {  	s12 =	sand.u32 $0x70, s31;
	[tilespmem:s7+$0x5420] =	vst v33  }
0x1f5: {  	s15 =	rddreg [dreg:$0x16];
	s13 =	sadd.s32 s12, s24;
	v60 =	vld [tilespmem:s1+$0xFFFFFFB1]  }
0x1f6: {  	s9 =	sadd.s32 $0x0, s13;
	v61 =	vld [tilespmem:s15+$0x2800]  }
0x1f7: {  	s21 =	simm.s32 $0x0;
	v62 =	vld [tilespmem:s9+$0x0]  }
0x1f8: {  	s7 =	sadd.s32 s12, s25;
	v34 =	vld.idx.msk [tilespmem:v20+s21+$0x0 ss:$0x1], $0xffff  }
0x1f9: {  	v33 =	vld.idx.msk [tilespmem:v21+s21+$0x0 ss:$0x1], $0xffff;
	s7 =	sadd.s32 $0x0, s7  }
0x1fa: {  	v63 =	vld [tilespmem:s7+$0x0];
	_ =	sdelay $0x3  }
0x1fb: {  	v35 =	vsub.f32 v34, v60;
	v37 =	vsub.f32 v34, v62  }
0x1fc: {  	v36 =	vsub.f32 v33, v61;
	v38 =	vsub.f32 v33, v63;
	_ =	sdelay $0x1  }
0x1fd: {  	v36 =	vmul.f32 v37, v36;
	v35 =	vmul.f32 v38, v35;
	_ =	sdelay $0x1  }
0x1fe: {  	v35 =	vsub.f32 v35, v36  }
0x1ff: {  	s12 =	sadd.s32 $0x100, s31;
	s7 =	simm.s32 $0x0  }
0x200: {  	s30 =	sand.u32 $0x70, s12;
	s11 =	sand.u32 $0x1800, s7;
	s13 =	sand.u32 $0x380, s7;
	vm15 =	vge.f32 v35, $0.0e+00  }
0x201: {  	s15 =	sadd.s32 s30, s24;
	s9 =	sor.u32 s13, s11;
	v35 =	vsel vm15, $0x0, v29  }
0x202: {  	s21 =	sadd.s32 $0x100, s15;
	[tilespmem:s9+$0x5430] =	vst v35  }
0x203: {  	s10 =	simm.s32 $0x0;
	s9 =	simm.s32 $0x100;
	v35 =	vld [tilespmem:s21+$0x0];
	s21 =	simm.s32 $0x800  }
.LBB2_24:
0x204: {  	p1 =	sne.s32 s21, $0x7C00;
	s11 =	sadd.s32 s30, s25;
	v36 =	vld.idx.msk [tilespmem:v20+s9+$0x0 ss:$0x1], $0xffff  }
0x205: {  	v37 =	vld.idx.msk [tilespmem:v21+s9+$0x0 ss:$0x1], $0xffff;
	s9 =	sadd.s32 s9, s11  }
0x206: {  	v38 =	vld [tilespmem:s9+$0x0];
	_ =	sdelay $0x3  }
0x207: {  	v39 =	vsub.f32 v36, v34;
	v35 =	vsub.f32 v36, v35;
	v34 =	vmov v36  }
0x208: {  	v36 =	vsub.f32 v37, v38;
	v38 =	vsub.f32 v37, v33;
	v33 =	vmov v37;
	_ =	sdelay $0x1  }
0x209: {  	v36 =	vmul.f32 v36, v39;
	v35 =	vmul.f32 v35, v38;
	_ =	sdelay $0x1  }
0x20a: {  	s12 =	sadd.s32 $0x100, s12;
	v35 =	vsub.f32 v36, v35  }
.Ltmp13:
0x20b: {  	s7 =	sadd.s32 $0x100, s7;
	s10 =	sadd.s32 $0x80, s10;
	(pc) =	sbr.rel @p1 .LBB2_24-.Ltmp13, $4  }
0x20c: {  	s30 =	sand.u32 $0x70, s12;
	s11 =	sand.u32 $0x1800, s7;
	s13 =	sand.u32 $0x380, s10;
	vm0 =	vge.f32 v35, $0.0e+00  }
0x20d: {  	s15 =	sadd.s32 s30, s24;
	s9 =	sshra.s32 s21, $0x2;
	s11 =	sor.u32 s13, s11;
	v35 =	vsel vm0, $0x0, v29  }
0x20e: {  	s13 =	sadd.s32 s9, s15;
	[tilespmem:s11+$0x5430] =	vst v35  }
0x20f: {  	s21 =	sadd.s32 $0x400, s21;
	v35 =	vld [tilespmem:s13+$0x0]  }
0x210: {  	_ =	sdelay $0x3  }
0x211: {  	s11 =	sadd.s32 s30, s25;
	v36 =	vld.idx.msk [tilespmem:v20+s9+$0x0 ss:$0x1], $0xffff  }
0x212: {  	v37 =	vld.idx.msk [tilespmem:v21+s9+$0x0 ss:$0x1], $0xffff;
	s21 =	sadd.s32 s9, s11  }
0x213: {  	v38 =	vld [tilespmem:s21+$0x0];
	_ =	sdelay $0x3  }
0x214: {  	v34 =	vsub.f32 v36, v34;
	v35 =	vsub.f32 v36, v35  }
0x215: {  	v33 =	vsub.f32 v37, v33;
	v59 =	vsub.f32 v37, v38;
	_ =	sdelay $0x1  }
0x216: {  	v33 =	vmul.f32 v35, v33;
	v34 =	vmul.f32 v59, v34;
	_ =	sdelay $0x1  }
0x217: {  	v33 =	vsub.f32 v34, v33  }
0x218: {  	s7 =	sadd.s32 $0x100, s7;
	s11 =	sadd.s32 $0x80, s10  }
0x219: {  	s7 =	sand.u32 $0x1800, s7;
	s9 =	sand.u32 $0x380, s11;
	vm0 =	vge.f32 v33, $0.0e+00  }
0x21a: {  	s7 =	sor.u32 s9, s7;
	v33 =	vsel vm0, $0x0, v29  }
0x21b: {  	s12 =	sand.u32 $0x40, s0;
	[tilespmem:s7+$0x5430] =	vst v33  }
0x21c: {  	s15 =	rddreg [dreg:$0x17];
	s13 =	sadd.s32 s12, s24;
	v60 =	vld [tilespmem:s1+$0xFFFFFFC1]  }
0x21d: {  	s9 =	sadd.s32 $0x0, s13;
	v61 =	vld [tilespmem:s15+$0x2800]  }
0x21e: {  	s21 =	simm.s32 $0x0;
	v62 =	vld [tilespmem:s9+$0x0]  }
0x21f: {  	s7 =	sadd.s32 s12, s25;
	v34 =	vld.idx.msk [tilespmem:v22+s21+$0x0 ss:$0x1], $0xffff  }
0x220: {  	v33 =	vld.idx.msk [tilespmem:v23+s21+$0x0 ss:$0x1], $0xffff;
	s7 =	sadd.s32 $0x0, s7  }
0x221: {  	v63 =	vld [tilespmem:s7+$0x0];
	_ =	sdelay $0x3  }
0x222: {  	v35 =	vsub.f32 v34, v60;
	v37 =	vsub.f32 v34, v62  }
0x223: {  	v36 =	vsub.f32 v33, v61;
	v38 =	vsub.f32 v33, v63;
	_ =	sdelay $0x1  }
0x224: {  	v36 =	vmul.f32 v37, v36;
	v35 =	vmul.f32 v38, v35;
	_ =	sdelay $0x1  }
0x225: {  	v35 =	vsub.f32 v35, v36  }
0x226: {  	s12 =	sadd.s32 $0x100, s0;
	s7 =	simm.s32 $0x0  }
0x227: {  	s30 =	sand.u32 $0x40, s12;
	s11 =	sand.u32 $0x1800, s7;
	s13 =	sand.u32 $0x380, s7;
	vm15 =	vge.f32 v35, $0.0e+00  }
0x228: {  	s15 =	sadd.s32 s30, s24;
	s9 =	sor.u32 s13, s11;
	v35 =	vsel vm15, $0x0, v29  }
0x229: {  	s21 =	sadd.s32 $0x100, s15;
	[tilespmem:s9+$0x5440] =	vst v35  }
0x22a: {  	s10 =	simm.s32 $0x0;
	s9 =	simm.s32 $0x100;
	v35 =	vld [tilespmem:s21+$0x0];
	s21 =	simm.s32 $0x800  }
.LBB2_26:
0x22b: {  	p1 =	sne.s32 s21, $0x7C00;
	s11 =	sadd.s32 s30, s25;
	v36 =	vld.idx.msk [tilespmem:v22+s9+$0x0 ss:$0x1], $0xffff  }
0x22c: {  	v37 =	vld.idx.msk [tilespmem:v23+s9+$0x0 ss:$0x1], $0xffff;
	s9 =	sadd.s32 s9, s11  }
0x22d: {  	v38 =	vld [tilespmem:s9+$0x0];
	_ =	sdelay $0x3  }
0x22e: {  	v39 =	vsub.f32 v36, v34;
	v35 =	vsub.f32 v36, v35;
	v34 =	vmov v36  }
0x22f: {  	v36 =	vsub.f32 v37, v38;
	v38 =	vsub.f32 v37, v33;
	v33 =	vmov v37;
	_ =	sdelay $0x1  }
0x230: {  	v36 =	vmul.f32 v36, v39;
	v35 =	vmul.f32 v35, v38;
	_ =	sdelay $0x1  }
0x231: {  	s12 =	sadd.s32 $0x100, s12;
	v35 =	vsub.f32 v36, v35  }
.Ltmp14:
0x232: {  	s7 =	sadd.s32 $0x100, s7;
	s10 =	sadd.s32 $0x80, s10;
	(pc) =	sbr.rel @p1 .LBB2_26-.Ltmp14, $4  }
0x233: {  	s30 =	sand.u32 $0x40, s12;
	s11 =	sand.u32 $0x1800, s7;
	s13 =	sand.u32 $0x380, s10;
	vm0 =	vge.f32 v35, $0.0e+00  }
0x234: {  	s15 =	sadd.s32 s30, s24;
	s9 =	sshra.s32 s21, $0x2;
	s11 =	sor.u32 s13, s11;
	v35 =	vsel vm0, $0x0, v29  }
0x235: {  	s13 =	sadd.s32 s9, s15;
	[tilespmem:s11+$0x5440] =	vst v35  }
0x236: {  	s21 =	sadd.s32 $0x400, s21;
	v35 =	vld [tilespmem:s13+$0x0]  }
0x237: {  	_ =	sdelay $0x3  }
0x238: {  	s11 =	sadd.s32 s30, s25;
	v36 =	vld.idx.msk [tilespmem:v22+s9+$0x0 ss:$0x1], $0xffff  }
0x239: {  	v37 =	vld.idx.msk [tilespmem:v23+s9+$0x0 ss:$0x1], $0xffff;
	s21 =	sadd.s32 s9, s11  }
0x23a: {  	v38 =	vld [tilespmem:s21+$0x0];
	_ =	sdelay $0x3  }
0x23b: {  	v34 =	vsub.f32 v36, v34;
	v35 =	vsub.f32 v36, v35  }
0x23c: {  	v33 =	vsub.f32 v37, v33;
	v59 =	vsub.f32 v37, v38;
	_ =	sdelay $0x1  }
0x23d: {  	v33 =	vmul.f32 v35, v33;
	v34 =	vmul.f32 v59, v34;
	_ =	sdelay $0x1  }
0x23e: {  	v33 =	vsub.f32 v34, v33  }
0x23f: {  	s7 =	sadd.s32 $0x100, s7;
	s11 =	sadd.s32 $0x80, s10  }
0x240: {  	s7 =	sand.u32 $0x1800, s7;
	s9 =	sand.u32 $0x380, s11;
	vm0 =	vge.f32 v33, $0.0e+00  }
0x241: {  	s7 =	sor.u32 s9, s7;
	v33 =	vsel vm0, $0x0, v29  }
0x242: {  	s12 =	sand.u32 $0x70, s5;
	[tilespmem:s7+$0x5440] =	vst v33  }
0x243: {  	s15 =	rddreg [dreg:$0x18];
	s13 =	sadd.s32 s12, s24;
	v60 =	vld [tilespmem:s1+$0xFFFFFFD1]  }
0x244: {  	s9 =	sadd.s32 $0x0, s13;
	v61 =	vld [tilespmem:s15+$0x2800]  }
0x245: {  	s21 =	simm.s32 $0x0;
	v62 =	vld [tilespmem:s9+$0x0]  }
0x246: {  	s7 =	sadd.s32 s12, s25;
	v34 =	vld.idx.msk [tilespmem:v24+s21+$0x0 ss:$0x1], $0xffff  }
0x247: {  	v33 =	vld.idx.msk [tilespmem:v25+s21+$0x0 ss:$0x1], $0xffff;
	s7 =	sadd.s32 $0x0, s7  }
0x248: {  	v63 =	vld [tilespmem:s7+$0x0];
	_ =	sdelay $0x3  }
0x249: {  	v35 =	vsub.f32 v34, v60;
	v37 =	vsub.f32 v34, v62  }
0x24a: {  	v36 =	vsub.f32 v33, v61;
	v38 =	vsub.f32 v33, v63;
	_ =	sdelay $0x1  }
0x24b: {  	v36 =	vmul.f32 v37, v36;
	v35 =	vmul.f32 v38, v35;
	_ =	sdelay $0x1  }
0x24c: {  	v35 =	vsub.f32 v35, v36  }
0x24d: {  	s12 =	sadd.s32 $0x100, s5;
	s7 =	simm.s32 $0x0  }
0x24e: {  	s30 =	sand.u32 $0x70, s12;
	s11 =	sand.u32 $0x1800, s7;
	s13 =	sand.u32 $0x380, s7;
	vm15 =	vge.f32 v35, $0.0e+00  }
0x24f: {  	s15 =	sadd.s32 s30, s24;
	s9 =	sor.u32 s13, s11;
	v35 =	vsel vm15, $0x0, v29  }
0x250: {  	s21 =	sadd.s32 $0x100, s15;
	[tilespmem:s9+$0x5450] =	vst v35  }
0x251: {  	s10 =	simm.s32 $0x0;
	s9 =	simm.s32 $0x100;
	v35 =	vld [tilespmem:s21+$0x0];
	s21 =	simm.s32 $0x800  }
.LBB2_28:
0x252: {  	p1 =	sne.s32 s21, $0x7C00;
	s11 =	sadd.s32 s30, s25;
	v36 =	vld.idx.msk [tilespmem:v24+s9+$0x0 ss:$0x1], $0xffff  }
0x253: {  	v37 =	vld.idx.msk [tilespmem:v25+s9+$0x0 ss:$0x1], $0xffff;
	s9 =	sadd.s32 s9, s11  }
0x254: {  	v38 =	vld [tilespmem:s9+$0x0];
	_ =	sdelay $0x3  }
0x255: {  	v39 =	vsub.f32 v36, v34;
	v35 =	vsub.f32 v36, v35;
	v34 =	vmov v36  }
0x256: {  	v36 =	vsub.f32 v37, v38;
	v38 =	vsub.f32 v37, v33;
	v33 =	vmov v37;
	_ =	sdelay $0x1  }
0x257: {  	v36 =	vmul.f32 v36, v39;
	v35 =	vmul.f32 v35, v38;
	_ =	sdelay $0x1  }
0x258: {  	s12 =	sadd.s32 $0x100, s12;
	v35 =	vsub.f32 v36, v35  }
.Ltmp15:
0x259: {  	s7 =	sadd.s32 $0x100, s7;
	s10 =	sadd.s32 $0x80, s10;
	(pc) =	sbr.rel @p1 .LBB2_28-.Ltmp15, $4  }
0x25a: {  	s30 =	sand.u32 $0x70, s12;
	s11 =	sand.u32 $0x1800, s7;
	s13 =	sand.u32 $0x380, s10;
	vm0 =	vge.f32 v35, $0.0e+00  }
0x25b: {  	s15 =	sadd.s32 s30, s24;
	s9 =	sshra.s32 s21, $0x2;
	s11 =	sor.u32 s13, s11;
	v35 =	vsel vm0, $0x0, v29  }
0x25c: {  	s13 =	sadd.s32 s9, s15;
	[tilespmem:s11+$0x5450] =	vst v35  }
0x25d: {  	s21 =	sadd.s32 $0x400, s21;
	v35 =	vld [tilespmem:s13+$0x0]  }
0x25e: {  	_ =	sdelay $0x3  }
0x25f: {  	s11 =	sadd.s32 s30, s25;
	v36 =	vld.idx.msk [tilespmem:v24+s9+$0x0 ss:$0x1], $0xffff  }
0x260: {  	v37 =	vld.idx.msk [tilespmem:v25+s9+$0x0 ss:$0x1], $0xffff;
	s21 =	sadd.s32 s9, s11  }
0x261: {  	v38 =	vld [tilespmem:s21+$0x0];
	_ =	sdelay $0x3  }
0x262: {  	v34 =	vsub.f32 v36, v34;
	v35 =	vsub.f32 v36, v35  }
0x263: {  	v33 =	vsub.f32 v37, v33;
	v59 =	vsub.f32 v37, v38;
	_ =	sdelay $0x1  }
0x264: {  	v33 =	vmul.f32 v35, v33;
	v34 =	vmul.f32 v59, v34;
	_ =	sdelay $0x1  }
0x265: {  	v33 =	vsub.f32 v34, v33  }
0x266: {  	s7 =	sadd.s32 $0x100, s7;
	s11 =	sadd.s32 $0x80, s10  }
0x267: {  	s7 =	sand.u32 $0x1800, s7;
	s9 =	sand.u32 $0x380, s11;
	vm0 =	vge.f32 v33, $0.0e+00  }
0x268: {  	s7 =	sor.u32 s9, s7;
	v33 =	vsel vm0, $0x0, v29  }
0x269: {  	s12 =	sand.u32 $0x60, s8;
	[tilespmem:s7+$0x5450] =	vst v33  }
0x26a: {  	s15 =	rddreg [dreg:$0x19];
	s13 =	sadd.s32 s12, s24;
	v60 =	vld [tilespmem:s1+$0xFFFFFFE1]  }
0x26b: {  	s9 =	sadd.s32 $0x0, s13;
	v61 =	vld [tilespmem:s15+$0x2800]  }
0x26c: {  	s21 =	simm.s32 $0x0;
	v62 =	vld [tilespmem:s9+$0x0]  }
0x26d: {  	s7 =	sadd.s32 s12, s25;
	v34 =	vld.idx.msk [tilespmem:v26+s21+$0x0 ss:$0x1], $0xffff  }
0x26e: {  	v33 =	vld.idx.msk [tilespmem:v27+s21+$0x0 ss:$0x1], $0xffff;
	s7 =	sadd.s32 $0x0, s7  }
0x26f: {  	v63 =	vld [tilespmem:s7+$0x0];
	_ =	sdelay $0x3  }
0x270: {  	v35 =	vsub.f32 v34, v60;
	v37 =	vsub.f32 v34, v62  }
0x271: {  	v36 =	vsub.f32 v33, v61;
	v38 =	vsub.f32 v33, v63;
	_ =	sdelay $0x1  }
0x272: {  	v36 =	vmul.f32 v37, v36;
	v35 =	vmul.f32 v38, v35;
	_ =	sdelay $0x1  }
0x273: {  	v35 =	vsub.f32 v35, v36  }
0x274: {  	s12 =	sadd.s32 $0x100, s8;
	s7 =	simm.s32 $0x0  }
0x275: {  	s30 =	sand.u32 $0x60, s12;
	s11 =	sand.u32 $0x1800, s7;
	s13 =	sand.u32 $0x380, s7;
	vm15 =	vge.f32 v35, $0.0e+00  }
0x276: {  	s15 =	sadd.s32 s30, s24;
	s9 =	sor.u32 s13, s11;
	v35 =	vsel vm15, $0x0, v29  }
0x277: {  	s21 =	sadd.s32 $0x100, s15;
	[tilespmem:s9+$0x5460] =	vst v35  }
0x278: {  	s10 =	simm.s32 $0x0;
	s9 =	simm.s32 $0x100;
	v35 =	vld [tilespmem:s21+$0x0];
	s21 =	simm.s32 $0x800  }
.LBB2_30:
0x279: {  	p1 =	sne.s32 s21, $0x7C00;
	s11 =	sadd.s32 s30, s25;
	v36 =	vld.idx.msk [tilespmem:v26+s9+$0x0 ss:$0x1], $0xffff  }
0x27a: {  	v37 =	vld.idx.msk [tilespmem:v27+s9+$0x0 ss:$0x1], $0xffff;
	s9 =	sadd.s32 s9, s11  }
0x27b: {  	v38 =	vld [tilespmem:s9+$0x0];
	_ =	sdelay $0x3  }
0x27c: {  	v39 =	vsub.f32 v36, v34;
	v35 =	vsub.f32 v36, v35;
	v34 =	vmov v36  }
0x27d: {  	v36 =	vsub.f32 v37, v38;
	v38 =	vsub.f32 v37, v33;
	v33 =	vmov v37;
	_ =	sdelay $0x1  }
0x27e: {  	v36 =	vmul.f32 v36, v39;
	v35 =	vmul.f32 v35, v38;
	_ =	sdelay $0x1  }
0x27f: {  	s12 =	sadd.s32 $0x100, s12;
	v35 =	vsub.f32 v36, v35  }
.Ltmp16:
0x280: {  	s7 =	sadd.s32 $0x100, s7;
	s10 =	sadd.s32 $0x80, s10;
	(pc) =	sbr.rel @p1 .LBB2_30-.Ltmp16, $4  }
0x281: {  	s30 =	sand.u32 $0x60, s12;
	s11 =	sand.u32 $0x1800, s7;
	s13 =	sand.u32 $0x380, s10;
	vm0 =	vge.f32 v35, $0.0e+00  }
0x282: {  	s15 =	sadd.s32 s30, s24;
	s9 =	sshra.s32 s21, $0x2;
	s11 =	sor.u32 s13, s11;
	v35 =	vsel vm0, $0x0, v29  }
0x283: {  	s13 =	sadd.s32 s9, s15;
	[tilespmem:s11+$0x5460] =	vst v35  }
0x284: {  	s21 =	sadd.s32 $0x400, s21;
	v35 =	vld [tilespmem:s13+$0x0]  }
0x285: {  	_ =	sdelay $0x3  }
0x286: {  	s11 =	sadd.s32 s30, s25;
	v36 =	vld.idx.msk [tilespmem:v26+s9+$0x0 ss:$0x1], $0xffff  }
0x287: {  	v37 =	vld.idx.msk [tilespmem:v27+s9+$0x0 ss:$0x1], $0xffff;
	s13 =	sadd.s32 s9, s11  }
0x288: {  	v38 =	vld [tilespmem:s13+$0x0];
	_ =	sdelay $0x3  }
0x289: {  	v34 =	vsub.f32 v36, v34;
	v35 =	vsub.f32 v36, v35  }
0x28a: {  	v33 =	vsub.f32 v37, v33;
	v57 =	vsub.f32 v37, v38;
	_ =	sdelay $0x1  }
0x28b: {  	v33 =	vmul.f32 v35, v33;
	v34 =	vmul.f32 v57, v34;
	_ =	sdelay $0x1  }
0x28c: {  	v33 =	vsub.f32 v34, v33  }
0x28d: {  	s7 =	sadd.s32 $0x100, s7;
	s15 =	sadd.s32 $0x80, s10  }
0x28e: {  	v58 =	vadd.s32 $0xFF, v1;
	s7 =	sand.u32 $0x1800, s7;
	s9 =	sand.u32 $0x380, s15;
	vm0 =	vge.f32 v33, $0.0e+00  }
0x28f: {  	s7 =	sor.u32 s9, s7;
	v59 =	vsel vm0, $0x0, v29  }
0x290: {  	v60 =	vadd.s32 $0x100, v1;
	[tilespmem:s7+$0x5460] =	vst v59;
	s7 =	simm.s32 $0x0  }
0x291: {  	v61 =	vld.idx.msk [tilespmem:v0+s7+$0x0], $0xffff  }
0x292: {  	v62 =	vld.idx.msk [tilespmem:v0+s2+$0x0], $0xffff  }
0x293: {  	v63 =	vld.idx.msk [tilespmem:v58+s2+$0x0], $0xffff  }
0x294: {  	v39 =	vld.idx.msk [tilespmem:v58+s3+$0x0], $0xffff  }
0x295: {  	v34 =	vld.idx.msk [tilespmem:v60+s3+$0x0], $0xffff  }
0x296: {  	v33 =	vld.idx.msk [tilespmem:v60+s2+$0x0], $0xffff;
	_ =	sdelay $0x3  }
0x297: {  	v36 =	vsub.f32 v34, v61;
	v39 =	vsub.f32 v34, v39  }
0x298: {  	v38 =	vsub.f32 v33, v63;
	v37 =	vsub.f32 v33, v62;
	_ =	sdelay $0x1  }
0x299: {  	v36 =	vmul.f32 v38, v36;
	v37 =	vmul.f32 v39, v37;
	_ =	sdelay $0x1  }
0x29a: {  	v36 =	vsub.f32 v36, v37;
	_ =	sdelay $0x1  }
0x29b: {  	vm15 =	vge.f32 v36, $0.0e+00;
	v36 =	vadd.s32 $0xFF, v60;
	_ =	sdelay $0x1  }
0x29c: {  	v35 =	vadd.s32 $0x100, v60;
	s21 =	sand.u32 $0x1800, s7;
	s30 =	sand.u32 $0x380, s7  }
0x29d: {  	s10 =	simm.s32 $0x100;
	s12 =	simm.s32 $0x200;
	s9 =	sor.u32 s30, s21;
	v37 =	vsel vm15, $0x0, v29  }
.LBB2_32:
0x29e: {  	p1 =	sne.s32 s12, $0x1F00;
	[tilespmem:s9+$0x5470] =	vst v37  }
0x29f: {  	v37 =	vld.idx.msk [tilespmem:v36+s2+$0x0], $0xffff  }
0x2a0: {  	v36 =	vld.idx.msk [tilespmem:v36+s3+$0x0], $0xffff  }
0x2a1: {  	v38 =	vld.idx.msk [tilespmem:v35+s3+$0x0], $0xffff  }
0x2a2: {  	v39 =	vld.idx.msk [tilespmem:v35+s2+$0x0], $0xffff;
	_ =	sdelay $0x4  }
0x2a3: {  	v40 =	vsub.f32 v38, v34;
	v36 =	vsub.f32 v38, v36;
	v34 =	vmov v38  }
0x2a4: {  	v37 =	vsub.f32 v39, v37;
	v38 =	vsub.f32 v39, v33;
	v33 =	vmov v39;
	_ =	sdelay $0x1  }
0x2a5: {  	v37 =	vmul.f32 v37, v40;
	v38 =	vmul.f32 v36, v38  }
.Ltmp17:
0x2a6: {  	(pc) =	sbr.rel @p1 .LBB2_32-.Ltmp17, $4  }
0x2a7: {  	v36 =	vadd.s32 $0xFF, v35;
	v37 =	vsub.f32 v37, v38  }
0x2a8: {  	s7 =	sadd.s32 $0x80, s7  }
0x2a9: {  	s9 =	sand.u32 $0x1800, s10;
	s10 =	smov.u32 s12;
	s11 =	sand.u32 $0x380, s7;
	v35 =	vadd.s32 $0x100, v35;
	vm0 =	vge.f32 v37, $0.0e+00  }
0x2aa: {  	s12 =	sadd.s32 $0x100, s12;
	s9 =	sor.u32 s11, s9;
	v37 =	vsel vm0, $0x0, v29  }
0x2ab: {  	_ =	sdelay $0x2  }
0x2ac: {  	[tilespmem:s9+$0x5470] =	vst v37  }
0x2ad: {  	v37 =	vld.idx.msk [tilespmem:v36+s2+$0x0], $0xffff  }
0x2ae: {  	v62 =	vld.idx.msk [tilespmem:v36+s3+$0x0], $0xffff  }
0x2af: {  	v38 =	vld.idx.msk [tilespmem:v35+s3+$0x0], $0xffff  }
0x2b0: {  	v63 =	vld.idx.msk [tilespmem:v35+s2+$0x0], $0xffff;
	_ =	sdelay $0x3  }
0x2b1: {  	v34 =	vsub.f32 v38, v34;
	v36 =	vsub.f32 v38, v62  }
0x2b2: {  	v37 =	vsub.f32 v63, v37;
	v33 =	vsub.f32 v63, v33;
	_ =	sdelay $0x1  }
0x2b3: {  	v34 =	vmul.f32 v37, v34;
	v33 =	vmul.f32 v36, v33;
	_ =	sdelay $0x1  }
.Ltmp18:
0x2b4: {  	v33 =	vsub.f32 v34, v33;
	(pc) =	sbr.rel @p0 .LBB2_35-.Ltmp18, $4  }
0x2b5: {  	s7 =	sadd.s32 $0x80, s7  }
0x2b6: {  	s30 =	sand.u32 $0x1800, s10;
	s7 =	sand.u32 $0x380, s7;
	vm0 =	vge.f32 v33, $0.0e+00  }
0x2b7: {  	s7 =	sor.u32 s7, s30;
	v33 =	vsel vm0, $0x0, v29  }
0x2b8: {  	[tilespmem:s7+$0x5470] =	vst v33  }
0x2b9: {  	_ =	sdelay $0x3  }
0x2ba: {  	v33 =	vld.idx.msk [tilespmem:v30+s3+$0x0], $0xffff  }
0x2bb: {  	v34 =	vld.idx.msk [tilespmem:v30+s2+$0x0], $0xffff  }
0x2bc: {  	v35 =	vld.idx.msk [tilespmem:v28+s3+$0x0], $0xffff  }
0x2bd: {  	v36 =	vld.idx.msk [tilespmem:v28+s2+$0x0], $0xffff  }
0x2be: {  	v37 =	vld.idx.msk [tilespmem:v31+s2+$0x0], $0xffff  }
0x2bf: {  	v38 =	vld.idx.msk [tilespmem:v31+s3+$0x0], $0xffff;
	_ =	sdelay $0x3  }
0x2c0: {  	v35 =	vsub.f32 v33, v35;
	v37 =	vsub.f32 v34, v37  }
0x2c1: {  	v34 =	vsub.f32 v34, v36;
	v33 =	vsub.f32 v33, v38;
	_ =	sdelay $0x1  }
0x2c2: {  	v35 =	vmul.f32 v37, v35;
	v33 =	vmul.f32 v33, v34;
	_ =	sdelay $0x1  }
0x2c3: {  	v51 =	vor.u32 $0x10, v32;
	v33 =	vsub.f32 v35, v33;
	_ =	sdelay $0x1  }
0x2c4: {  	v52 =	vadd.s32 $0xF, v32;
	vm0 =	vge.f32 v33, $0.0e+00  }
0x2c5: {  	v53 =	vsel vm0, $0x0, v29  }
0x2c6: {  	v54 =	vadd.s32 $0x10F, v32;
	[tilespmem:$0x5000] =	vst v53  }
0x2c7: {  	v55 =	vld.idx.msk [tilespmem:v51+s3+$0x0], $0xffff  }
0x2c8: {  	v34 =	vld.idx.msk [tilespmem:v51+s2+$0x0], $0xffff  }
0x2c9: {  	v56 =	vld.idx.msk [tilespmem:v52+s3+$0x0], $0xffff  }
0x2ca: {  	v33 =	vld.idx.msk [tilespmem:v52+s2+$0x0], $0xffff  }
0x2cb: {  	v57 =	vld.idx.msk [tilespmem:v54+s2+$0x0], $0xffff  }
0x2cc: {  	v35 =	vld.idx.msk [tilespmem:v54+s3+$0x0], $0xffff;
	_ =	sdelay $0x3  }
0x2cd: {  	v37 =	vsub.f32 v55, v56;
	v38 =	vsub.f32 v34, v57  }
0x2ce: {  	v33 =	vsub.f32 v34, v33;
	v58 =	vsub.f32 v55, v35;
	_ =	sdelay $0x1  }
0x2cf: {  	v59 =	vmul.f32 v38, v37;
	v33 =	vmul.f32 v58, v33;
	_ =	sdelay $0x1  }
0x2d0: {  	v60 =	vor.u32 $0x20, v32;
	v33 =	vsub.f32 v59, v33;
	_ =	sdelay $0x1  }
0x2d1: {  	v61 =	vadd.s32 $0x1F, v32;
	vm13 =	vge.f32 v33, $0.0e+00  }
0x2d2: {  	v62 =	vsel vm13, $0x0, v29  }
0x2d3: {  	v63 =	vadd.s32 $0x11F, v32;
	[tilespmem:$0x5010] =	vst v62  }
0x2d4: {  	v40 =	vld.idx.msk [tilespmem:v60+s3+$0x0], $0xffff  }
0x2d5: {  	v34 =	vld.idx.msk [tilespmem:v60+s2+$0x0], $0xffff  }
0x2d6: {  	v41 =	vld.idx.msk [tilespmem:v61+s3+$0x0], $0xffff  }
0x2d7: {  	v33 =	vld.idx.msk [tilespmem:v61+s2+$0x0], $0xffff  }
0x2d8: {  	v42 =	vld.idx.msk [tilespmem:v63+s2+$0x0], $0xffff  }
0x2d9: {  	v35 =	vld.idx.msk [tilespmem:v63+s3+$0x0], $0xffff;
	_ =	sdelay $0x3  }
0x2da: {  	v37 =	vsub.f32 v40, v41;
	v38 =	vsub.f32 v34, v42  }
0x2db: {  	v33 =	vsub.f32 v34, v33;
	v43 =	vsub.f32 v40, v35;
	_ =	sdelay $0x1  }
0x2dc: {  	v44 =	vmul.f32 v38, v37;
	v33 =	vmul.f32 v43, v33;
	_ =	sdelay $0x1  }
0x2dd: {  	v45 =	vor.u32 $0x30, v32;
	v33 =	vsub.f32 v44, v33;
	_ =	sdelay $0x1  }
0x2de: {  	v46 =	vadd.s32 $0x2F, v32;
	vm14 =	vge.f32 v33, $0.0e+00  }
0x2df: {  	v47 =	vsel vm14, $0x0, v29  }
0x2e0: {  	v48 =	vadd.s32 $0x12F, v32;
	[tilespmem:$0x5020] =	vst v47  }
0x2e1: {  	v49 =	vld.idx.msk [tilespmem:v45+s3+$0x0], $0xffff  }
0x2e2: {  	v34 =	vld.idx.msk [tilespmem:v45+s2+$0x0], $0xffff  }
0x2e3: {  	v50 =	vld.idx.msk [tilespmem:v46+s3+$0x0], $0xffff  }
0x2e4: {  	v33 =	vld.idx.msk [tilespmem:v46+s2+$0x0], $0xffff  }
0x2e5: {  	v51 =	vld.idx.msk [tilespmem:v48+s2+$0x0], $0xffff  }
0x2e6: {  	v35 =	vld.idx.msk [tilespmem:v48+s3+$0x0], $0xffff;
	_ =	sdelay $0x3  }
0x2e7: {  	v37 =	vsub.f32 v49, v50;
	v38 =	vsub.f32 v34, v51  }
0x2e8: {  	v33 =	vsub.f32 v34, v33;
	v52 =	vsub.f32 v49, v35;
	_ =	sdelay $0x1  }
0x2e9: {  	v53 =	vmul.f32 v38, v37;
	v33 =	vmul.f32 v52, v33;
	_ =	sdelay $0x1  }
0x2ea: {  	v54 =	vor.u32 $0x40, v32;
	v33 =	vsub.f32 v53, v33;
	_ =	sdelay $0x1  }
0x2eb: {  	v55 =	vadd.s32 $0x3F, v32;
	vm15 =	vge.f32 v33, $0.0e+00  }
0x2ec: {  	v56 =	vsel vm15, $0x0, v29  }
0x2ed: {  	v57 =	vadd.s32 $0x13F, v32;
	[tilespmem:$0x5030] =	vst v56  }
0x2ee: {  	v58 =	vld.idx.msk [tilespmem:v54+s3+$0x0], $0xffff  }
0x2ef: {  	v34 =	vld.idx.msk [tilespmem:v54+s2+$0x0], $0xffff  }
0x2f0: {  	v59 =	vld.idx.msk [tilespmem:v55+s3+$0x0], $0xffff  }
0x2f1: {  	v33 =	vld.idx.msk [tilespmem:v55+s2+$0x0], $0xffff  }
0x2f2: {  	v60 =	vld.idx.msk [tilespmem:v57+s2+$0x0], $0xffff  }
0x2f3: {  	v35 =	vld.idx.msk [tilespmem:v57+s3+$0x0], $0xffff;
	_ =	sdelay $0x3  }
0x2f4: {  	v37 =	vsub.f32 v58, v59;
	v38 =	vsub.f32 v34, v60  }
0x2f5: {  	v33 =	vsub.f32 v34, v33;
	v61 =	vsub.f32 v58, v35;
	_ =	sdelay $0x1  }
0x2f6: {  	v62 =	vmul.f32 v38, v37;
	v33 =	vmul.f32 v61, v33;
	_ =	sdelay $0x1  }
0x2f7: {  	v63 =	vor.u32 $0x50, v32;
	v33 =	vsub.f32 v62, v33;
	_ =	sdelay $0x1  }
0x2f8: {  	v40 =	vadd.s32 $0x4F, v32;
	vm4 =	vge.f32 v33, $0.0e+00  }
0x2f9: {  	v41 =	vsel vm4, $0x0, v29  }
0x2fa: {  	v42 =	vadd.s32 $0x14F, v32;
	[tilespmem:$0x5040] =	vst v41  }
0x2fb: {  	v43 =	vld.idx.msk [tilespmem:v63+s3+$0x0], $0xffff  }
0x2fc: {  	v34 =	vld.idx.msk [tilespmem:v63+s2+$0x0], $0xffff  }
0x2fd: {  	v44 =	vld.idx.msk [tilespmem:v40+s3+$0x0], $0xffff  }
0x2fe: {  	v33 =	vld.idx.msk [tilespmem:v40+s2+$0x0], $0xffff  }
0x2ff: {  	v45 =	vld.idx.msk [tilespmem:v42+s2+$0x0], $0xffff  }
0x300: {  	v35 =	vld.idx.msk [tilespmem:v42+s3+$0x0], $0xffff;
	_ =	sdelay $0x3  }
0x301: {  	v37 =	vsub.f32 v43, v44;
	v38 =	vsub.f32 v34, v45  }
0x302: {  	v33 =	vsub.f32 v34, v33;
	v46 =	vsub.f32 v43, v35;
	_ =	sdelay $0x1  }
0x303: {  	v47 =	vmul.f32 v38, v37;
	v33 =	vmul.f32 v46, v33;
	_ =	sdelay $0x1  }
0x304: {  	v48 =	vor.u32 $0x60, v32;
	v33 =	vsub.f32 v47, v33;
	_ =	sdelay $0x1  }
0x305: {  	v49 =	vadd.s32 $0x5F, v32;
	vm5 =	vge.f32 v33, $0.0e+00  }
0x306: {  	v50 =	vsel vm5, $0x0, v29  }
0x307: {  	v51 =	vadd.s32 $0x15F, v32;
	[tilespmem:$0x5050] =	vst v50  }
0x308: {  	v52 =	vld.idx.msk [tilespmem:v48+s3+$0x0], $0xffff  }
0x309: {  	v34 =	vld.idx.msk [tilespmem:v48+s2+$0x0], $0xffff  }
0x30a: {  	v53 =	vld.idx.msk [tilespmem:v49+s3+$0x0], $0xffff  }
0x30b: {  	v33 =	vld.idx.msk [tilespmem:v49+s2+$0x0], $0xffff  }
0x30c: {  	v54 =	vld.idx.msk [tilespmem:v51+s2+$0x0], $0xffff  }
0x30d: {  	v35 =	vld.idx.msk [tilespmem:v51+s3+$0x0], $0xffff;
	_ =	sdelay $0x3  }
0x30e: {  	v37 =	vsub.f32 v52, v53;
	v38 =	vsub.f32 v34, v54  }
0x30f: {  	v33 =	vsub.f32 v34, v33;
	v55 =	vsub.f32 v52, v35;
	_ =	sdelay $0x1  }
0x310: {  	v56 =	vmul.f32 v38, v37;
	v33 =	vmul.f32 v55, v33;
	_ =	sdelay $0x1  }
0x311: {  	v57 =	vor.u32 $0x70, v32;
	v33 =	vsub.f32 v56, v33;
	_ =	sdelay $0x1  }
0x312: {  	v58 =	vadd.s32 $0x6F, v32;
	vm6 =	vge.f32 v33, $0.0e+00  }
0x313: {  	v59 =	vsel vm6, $0x0, v29  }
0x314: {  	v60 =	vadd.s32 $0x16F, v32;
	[tilespmem:$0x5060] =	vst v59  }
0x315: {  	v61 =	vld.idx.msk [tilespmem:v57+s3+$0x0], $0xffff  }
0x316: {  	v34 =	vld.idx.msk [tilespmem:v57+s2+$0x0], $0xffff  }
0x317: {  	v62 =	vld.idx.msk [tilespmem:v58+s3+$0x0], $0xffff  }
0x318: {  	v33 =	vld.idx.msk [tilespmem:v58+s2+$0x0], $0xffff  }
0x319: {  	v63 =	vld.idx.msk [tilespmem:v60+s2+$0x0], $0xffff  }
0x31a: {  	v35 =	vld.idx.msk [tilespmem:v60+s3+$0x0], $0xffff;
	_ =	sdelay $0x3  }
0x31b: {  	v37 =	vsub.f32 v61, v62;
	v38 =	vsub.f32 v34, v63  }
0x31c: {  	v33 =	vsub.f32 v34, v33;
	v39 =	vsub.f32 v61, v35;
	_ =	sdelay $0x1  }
0x31d: {  	v40 =	vmul.f32 v38, v37;
	v33 =	vmul.f32 v39, v33;
	_ =	sdelay $0x1  }
0x31e: {  	v41 =	vor.u32 $0x80, v32;
	v33 =	vsub.f32 v40, v33;
	_ =	sdelay $0x1  }
0x31f: {  	v42 =	vadd.s32 $0x7F, v32;
	vm7 =	vge.f32 v33, $0.0e+00  }
0x320: {  	v43 =	vsel vm7, $0x0, v29  }
0x321: {  	v44 =	vadd.s32 $0x17F, v32;
	[tilespmem:$0x5070] =	vst v43  }
0x322: {  	v45 =	vld.idx.msk [tilespmem:v41+s3+$0x0], $0xffff  }
0x323: {  	v34 =	vld.idx.msk [tilespmem:v41+s2+$0x0], $0xffff  }
0x324: {  	v46 =	vld.idx.msk [tilespmem:v42+s3+$0x0], $0xffff  }
0x325: {  	v33 =	vld.idx.msk [tilespmem:v42+s2+$0x0], $0xffff  }
0x326: {  	v47 =	vld.idx.msk [tilespmem:v44+s2+$0x0], $0xffff  }
0x327: {  	v35 =	vld.idx.msk [tilespmem:v44+s3+$0x0], $0xffff;
	_ =	sdelay $0x3  }
0x328: {  	v37 =	vsub.f32 v45, v46;
	v38 =	vsub.f32 v34, v47  }
0x329: {  	v33 =	vsub.f32 v34, v33;
	v48 =	vsub.f32 v45, v35;
	_ =	sdelay $0x1  }
0x32a: {  	v49 =	vmul.f32 v38, v37;
	v33 =	vmul.f32 v48, v33;
	_ =	sdelay $0x1  }
0x32b: {  	v50 =	vor.u32 $0x90, v32;
	v33 =	vsub.f32 v49, v33;
	_ =	sdelay $0x1  }
0x32c: {  	v51 =	vadd.s32 $0x8F, v32;
	vm8 =	vge.f32 v33, $0.0e+00  }
0x32d: {  	v52 =	vsel vm8, $0x0, v29  }
0x32e: {  	v53 =	vadd.s32 $0x18F, v32;
	[tilespmem:$0x5400] =	vst v52  }
0x32f: {  	v54 =	vld.idx.msk [tilespmem:v50+s3+$0x0], $0xffff  }
0x330: {  	v34 =	vld.idx.msk [tilespmem:v50+s2+$0x0], $0xffff  }
0x331: {  	v55 =	vld.idx.msk [tilespmem:v51+s3+$0x0], $0xffff  }
0x332: {  	v33 =	vld.idx.msk [tilespmem:v51+s2+$0x0], $0xffff  }
0x333: {  	v56 =	vld.idx.msk [tilespmem:v53+s2+$0x0], $0xffff  }
0x334: {  	v35 =	vld.idx.msk [tilespmem:v53+s3+$0x0], $0xffff;
	_ =	sdelay $0x3  }
0x335: {  	v37 =	vsub.f32 v54, v55;
	v38 =	vsub.f32 v34, v56  }
0x336: {  	v33 =	vsub.f32 v34, v33;
	v57 =	vsub.f32 v54, v35;
	_ =	sdelay $0x1  }
0x337: {  	v58 =	vmul.f32 v38, v37;
	v33 =	vmul.f32 v57, v33;
	_ =	sdelay $0x1  }
0x338: {  	v59 =	vor.u32 $0xA0, v32;
	v33 =	vsub.f32 v58, v33;
	_ =	sdelay $0x1  }
0x339: {  	v60 =	vadd.s32 $0x9F, v32;
	vm9 =	vge.f32 v33, $0.0e+00  }
0x33a: {  	v61 =	vsel vm9, $0x0, v29  }
0x33b: {  	v62 =	vadd.s32 $0x19F, v32;
	[tilespmem:$0x5410] =	vst v61  }
0x33c: {  	v63 =	vld.idx.msk [tilespmem:v59+s3+$0x0], $0xffff  }
0x33d: {  	v34 =	vld.idx.msk [tilespmem:v59+s2+$0x0], $0xffff  }
0x33e: {  	v40 =	vld.idx.msk [tilespmem:v60+s3+$0x0], $0xffff  }
0x33f: {  	v33 =	vld.idx.msk [tilespmem:v60+s2+$0x0], $0xffff  }
0x340: {  	v41 =	vld.idx.msk [tilespmem:v62+s2+$0x0], $0xffff  }
0x341: {  	v35 =	vld.idx.msk [tilespmem:v62+s3+$0x0], $0xffff;
	_ =	sdelay $0x3  }
0x342: {  	v37 =	vsub.f32 v63, v40;
	v38 =	vsub.f32 v34, v41  }
0x343: {  	v33 =	vsub.f32 v34, v33;
	v42 =	vsub.f32 v63, v35;
	_ =	sdelay $0x1  }
0x344: {  	v43 =	vmul.f32 v38, v37;
	v33 =	vmul.f32 v42, v33;
	_ =	sdelay $0x1  }
0x345: {  	v44 =	vor.u32 $0xB0, v32;
	v33 =	vsub.f32 v43, v33;
	_ =	sdelay $0x1  }
0x346: {  	v45 =	vadd.s32 $0xAF, v32;
	vm10 =	vge.f32 v33, $0.0e+00  }
0x347: {  	v46 =	vsel vm10, $0x0, v29  }
0x348: {  	v47 =	vadd.s32 $0x1AF, v32;
	[tilespmem:$0x5420] =	vst v46  }
0x349: {  	v48 =	vld.idx.msk [tilespmem:v44+s3+$0x0], $0xffff  }
0x34a: {  	v34 =	vld.idx.msk [tilespmem:v44+s2+$0x0], $0xffff  }
0x34b: {  	v49 =	vld.idx.msk [tilespmem:v45+s3+$0x0], $0xffff  }
0x34c: {  	v33 =	vld.idx.msk [tilespmem:v45+s2+$0x0], $0xffff  }
0x34d: {  	v50 =	vld.idx.msk [tilespmem:v47+s2+$0x0], $0xffff  }
0x34e: {  	v35 =	vld.idx.msk [tilespmem:v47+s3+$0x0], $0xffff;
	_ =	sdelay $0x3  }
0x34f: {  	v37 =	vsub.f32 v48, v49;
	v38 =	vsub.f32 v34, v50  }
0x350: {  	v33 =	vsub.f32 v34, v33;
	v51 =	vsub.f32 v48, v35;
	_ =	sdelay $0x1  }
0x351: {  	v52 =	vmul.f32 v38, v37;
	v33 =	vmul.f32 v51, v33;
	_ =	sdelay $0x1  }
0x352: {  	v53 =	vor.u32 $0xC0, v32;
	v33 =	vsub.f32 v52, v33;
	_ =	sdelay $0x1  }
0x353: {  	v54 =	vadd.s32 $0xBF, v32;
	vm11 =	vge.f32 v33, $0.0e+00  }
0x354: {  	v55 =	vsel vm11, $0x0, v29  }
0x355: {  	v56 =	vadd.s32 $0x1BF, v32;
	[tilespmem:$0x5430] =	vst v55  }
0x356: {  	v57 =	vld.idx.msk [tilespmem:v53+s3+$0x0], $0xffff  }
0x357: {  	v34 =	vld.idx.msk [tilespmem:v53+s2+$0x0], $0xffff  }
0x358: {  	v58 =	vld.idx.msk [tilespmem:v54+s3+$0x0], $0xffff  }
0x359: {  	v33 =	vld.idx.msk [tilespmem:v54+s2+$0x0], $0xffff  }
0x35a: {  	v59 =	vld.idx.msk [tilespmem:v56+s2+$0x0], $0xffff  }
0x35b: {  	v35 =	vld.idx.msk [tilespmem:v56+s3+$0x0], $0xffff;
	_ =	sdelay $0x3  }
0x35c: {  	v37 =	vsub.f32 v57, v58;
	v38 =	vsub.f32 v34, v59  }
0x35d: {  	v33 =	vsub.f32 v34, v33;
	v60 =	vsub.f32 v57, v35;
	_ =	sdelay $0x1  }
0x35e: {  	v61 =	vmul.f32 v38, v37;
	v33 =	vmul.f32 v60, v33;
	_ =	sdelay $0x1  }
0x35f: {  	v62 =	vor.u32 $0xD0, v32;
	v33 =	vsub.f32 v61, v33;
	_ =	sdelay $0x1  }
0x360: {  	v63 =	vadd.s32 $0xCF, v32;
	vm12 =	vge.f32 v33, $0.0e+00  }
0x361: {  	v39 =	vsel vm12, $0x0, v29  }
0x362: {  	v40 =	vadd.s32 $0x1CF, v32;
	[tilespmem:$0x5440] =	vst v39  }
0x363: {  	v41 =	vld.idx.msk [tilespmem:v62+s3+$0x0], $0xffff  }
0x364: {  	v34 =	vld.idx.msk [tilespmem:v62+s2+$0x0], $0xffff  }
0x365: {  	v42 =	vld.idx.msk [tilespmem:v63+s3+$0x0], $0xffff  }
0x366: {  	v33 =	vld.idx.msk [tilespmem:v63+s2+$0x0], $0xffff  }
0x367: {  	v43 =	vld.idx.msk [tilespmem:v40+s2+$0x0], $0xffff  }
0x368: {  	v35 =	vld.idx.msk [tilespmem:v40+s3+$0x0], $0xffff;
	_ =	sdelay $0x3  }
0x369: {  	v37 =	vsub.f32 v41, v42;
	v38 =	vsub.f32 v34, v43  }
0x36a: {  	v33 =	vsub.f32 v34, v33;
	v44 =	vsub.f32 v41, v35;
	_ =	sdelay $0x1  }
0x36b: {  	v45 =	vmul.f32 v38, v37;
	v33 =	vmul.f32 v44, v33;
	_ =	sdelay $0x1  }
0x36c: {  	v46 =	vor.u32 $0xE0, v32;
	v33 =	vsub.f32 v45, v33;
	_ =	sdelay $0x1  }
0x36d: {  	v47 =	vadd.s32 $0xDF, v32;
	vm13 =	vge.f32 v33, $0.0e+00  }
0x36e: {  	v48 =	vsel vm13, $0x0, v29  }
0x36f: {  	v49 =	vadd.s32 $0x1DF, v32;
	[tilespmem:$0x5450] =	vst v48  }
0x370: {  	v50 =	vld.idx.msk [tilespmem:v46+s3+$0x0], $0xffff  }
0x371: {  	v34 =	vld.idx.msk [tilespmem:v46+s2+$0x0], $0xffff  }
0x372: {  	v51 =	vld.idx.msk [tilespmem:v47+s3+$0x0], $0xffff  }
0x373: {  	v33 =	vld.idx.msk [tilespmem:v47+s2+$0x0], $0xffff  }
0x374: {  	v52 =	vld.idx.msk [tilespmem:v49+s2+$0x0], $0xffff  }
0x375: {  	v35 =	vld.idx.msk [tilespmem:v49+s3+$0x0], $0xffff;
	_ =	sdelay $0x3  }
0x376: {  	v37 =	vsub.f32 v50, v51;
	v38 =	vsub.f32 v34, v52  }
0x377: {  	v33 =	vsub.f32 v34, v33;
	v53 =	vsub.f32 v50, v35;
	_ =	sdelay $0x1  }
0x378: {  	v54 =	vmul.f32 v38, v37;
	v33 =	vmul.f32 v53, v33;
	_ =	sdelay $0x1  }
0x379: {  	v55 =	vor.u32 $0xF0, v32;
	v33 =	vsub.f32 v54, v33;
	_ =	sdelay $0x1  }
0x37a: {  	v56 =	vadd.s32 $0xEF, v32;
	vm14 =	vge.f32 v33, $0.0e+00  }
0x37b: {  	v57 =	vsel vm14, $0x0, v29  }
0x37c: {  	v58 =	vadd.s32 $0x1EF, v32;
	[tilespmem:$0x5460] =	vst v57  }
0x37d: {  	v59 =	vld.idx.msk [tilespmem:v55+s3+$0x0], $0xffff  }
0x37e: {  	v34 =	vld.idx.msk [tilespmem:v55+s2+$0x0], $0xffff  }
0x37f: {  	v60 =	vld.idx.msk [tilespmem:v56+s3+$0x0], $0xffff  }
0x380: {  	v33 =	vld.idx.msk [tilespmem:v56+s2+$0x0], $0xffff  }
0x381: {  	v61 =	vld.idx.msk [tilespmem:v58+s2+$0x0], $0xffff  }
0x382: {  	v35 =	vld.idx.msk [tilespmem:v58+s3+$0x0], $0xffff;
	_ =	sdelay $0x3  }
0x383: {  	v37 =	vsub.f32 v59, v60;
	v38 =	vsub.f32 v34, v61  }
0x384: {  	v33 =	vsub.f32 v34, v33;
	v62 =	vsub.f32 v59, v35;
	_ =	sdelay $0x1  }
0x385: {  	v63 =	vmul.f32 v38, v37;
	v33 =	vmul.f32 v62, v33;
	_ =	sdelay $0x1  }
.Ltmp19:
0x386: {  	v33 =	vsub.f32 v63, v33;
	(pc) =	sbr.rel .LBB2_35-.Ltmp19, $4  }
0x387: {  	_ = 	snop  }
0x388: {  	vm15 =	vge.f32 v33, $0.0e+00  }
0x389: {  	v33 =	vsel vm15, $0x0, v29  }
0x38a: {  	[tilespmem:$0x5470] =	vst v33  }
.LBB2_36:
0x38b: {  	_ =	sfence.sel $0x180000  }
0x38c: {  	[bflag:$0x0] =	sbarrier.arrive $0xFFFF  }
0x38d: {  	_ =	strace $0x90000047  }
0x38e: {  	s0 =	stileid.u32;
	[bflag:$0x2] =	sbarrier.arrive $0xFFFF  }
0x38f: {  	p0 =	sne.s32 s0, $0x0;
	s0 =	rddreg [dreg:$0x2]  }
0x390: {  	s0 =	sadd.s32 @!p0 $0x100000, s0  }
0x391: {  	[sflag:s0] =	ssyncadd.tile.s32 @!p0 $0x1;
	_ =	shalt  }
.Lfunc_end2:
_tile_overlayer_lowered:
.L_overlay_start_2:
0x392: {  	(tag) =	ssettag $0x2  }
0x393: {  	s0 =	rddreg [dreg:$0x0];
	s2 =	stileid.u32  }
0x394: {  	s1 =	rddreg [dreg:$0x1];
	p0 =	sne.s32 s2, $0x0  }
0x395: {  	s3 =	rddreg [dreg:$0x2];
	[bflag:$0x3] =	sbarrier.arrive $0xFFFF;
	s2 =	simm.s32 @!p0 $0x1C01  }
0x396: {  	[timem:s3], [sflag:s2] =	dma.local @!p0 [hbm:s0], s1  }
0x397: {  	s0 =	simm.s32 @!p0 $0x1  }
0x398: {  	_ =	swait.ge @!p0 [sflag:s0], s1  }
0x399: {  	s1 =	ssub.s32 @!p0 $0x0, s1;
	[sflag:s0] =	ssyncset.done @!p0 $0x0  }
0x39a: {  	[sflag:s0] =	ssyncadd.s32 @!p0 s1  }
0x39b: {  	[bflag:$0x3] =	sbarrier.arrive $0xFFFF  }
0x39c: {  	_ =	shalt  }

</sc_bundles>
